<compile_context>
chip_gen: v7x
topology: tpu7x:2x2x1
jax: 0.10.2.dev20260603
libtpu: 0.0.44.dev20260713+nightly
codegen_flags: <defaults>
</compile_context>

<pallas_src>
import functools

import jax
import jax.numpy as jnp
from jax import lax
from jax.experimental import pallas as pl
from jax.experimental.pallas import tpu as pltpu
from jax.experimental.pallas import tpu_sc as plsc

N = 10000
D = 128
E = 160000
NC = 2
NS = 16
NW = NC * NS
EPW = E // NW
CH = 128
NFULL = EPW // CH
TAIL = EPW - NFULL * CH
RPW = 632
RPW_LAST = N - (NS - 1) * RPW

EPS_LN = 1e-5
T = 1024
NPAD = 10240
NT = NPAD // T
NTILES = NT * (NT + 1) // 2

CPT = 40
EPAD = NW * CPT * CH
R2D = EPAD // CH
NDUMP = 128


@functools.cache
def _build_sc_degrees():
  mesh = plsc.VectorSubcoreMesh(core_axis_name="c", subcore_axis_name="s",
                                num_cores=NC, num_subcores=NS)

  @functools.partial(
      pl.kernel,
      out_type=(jax.ShapeDtypeStruct((NW * N,), jnp.float32),
                jax.ShapeDtypeStruct((NW * N,), jnp.float32)),
      mesh=mesh,
      compiler_params=pltpu.CompilerParams(needs_layout_passes=False),
      scratch_types=[
          pltpu.VMEM((EPW + 16,), jnp.int32),
          pltpu.VMEM((EPW + 16,), jnp.int32),
          pltpu.VMEM((N,), jnp.float32),
          pltpu.VMEM((N,), jnp.float32),
      ],
  )
  def sc_degrees(ei, out_s, out_d, src_v, dst_v, hs_v, hd_v):
    c = lax.axis_index("c")
    s = lax.axis_index("s")
    wid = s * NC + c
    base = wid * EPW

    def zbody(i, carry):
        z = jnp.zeros((16,), jnp.float32)
        hs_v[pl.ds(i * 16, 16)] = z
        hd_v[pl.ds(i * 16, 16)] = z
        return carry

    lax.fori_loop(0, N // 16, zbody, 0)

    pltpu.sync_copy(ei.at[pl.ds(base, EPW)], src_v.at[pl.ds(0, EPW)])
    pltpu.sync_copy(ei.at[pl.ds(E + base, EPW)], dst_v.at[pl.ds(0, EPW)])
    zi = jnp.zeros((16,), jnp.int32)
    src_v[pl.ds(EPW, 16)] = zi
    dst_v[pl.ds(EPW, 16)] = zi

    ones = jnp.ones((16,), jnp.float32)

    def body(k, carry):
        plsc.addupdate_scatter(hs_v, [src_v[pl.ds(k * 16, 16)]], ones)
        plsc.addupdate_scatter(hd_v, [dst_v[pl.ds(k * 16, 16)]], ones)
        return carry

    nfull = EPW // 16
    lax.fori_loop(0, nfull, body, 0)
    rem = EPW - nfull * 16
    m = lax.iota(jnp.int32, 16) < rem
    plsc.addupdate_scatter(hs_v, [src_v[pl.ds(nfull * 16, 16)]], ones, mask=m)
    plsc.addupdate_scatter(hd_v, [dst_v[pl.ds(nfull * 16, 16)]], ones, mask=m)

    pltpu.sync_copy(hs_v, out_s.at[pl.ds(wid * N, N)])
    pltpu.sync_copy(hd_v, out_d.at[pl.ds(wid * N, N)])

  return sc_degrees


def _sc_degrees(ei):
    return _build_sc_degrees()(ei)


@functools.cache
def _build_sc_agg():
  mesh = plsc.VectorSubcoreMesh(core_axis_name="c", subcore_axis_name="s",
                                num_cores=NC, num_subcores=NS)

  @functools.partial(
      pl.kernel,
      out_type=jax.ShapeDtypeStruct((NC * N, D), jnp.float32),
      mesh=mesh,
      compiler_params=pltpu.CompilerParams(needs_layout_passes=False),
      scratch_types=[
          pltpu.VMEM_SHARED((N + NDUMP, D), jnp.float32),
          pltpu.VMEM((CPT, CH), jnp.int32),
          pltpu.VMEM((CPT, CH), jnp.int32),
          pltpu.VMEM((CH, D), jnp.float32),
          pltpu.VMEM((CH, D), jnp.float32),
          pltpu.SemaphoreType.DMA,
          pltpu.SemaphoreType.DMA,
          pltpu.SemaphoreType.DMA,
          pltpu.SemaphoreType.DMA,
      ],
  )
  def sc_agg(h_hbm, s2d, d2d, z_hbm, out, shared, sidx_all, didx_all,
             r0, r1, sg0, sg1, ss0, ss1):
    c = lax.axis_index("c")
    s = lax.axis_index("s")
    wid = s * NC + c
    rbase = wid * CPT

    pltpu.sync_copy(s2d.at[pl.ds(rbase, CPT)], sidx_all)
    pltpu.sync_copy(d2d.at[pl.ds(rbase, CPT)], didx_all)

    @pl.when(s < NS - 1)
    def _():
        pltpu.sync_copy(z_hbm.at[pl.ds(s * RPW, RPW)],
                        shared.at[pl.ds(s * RPW, RPW)])

    @pl.when(s == NS - 1)
    def _():
        pltpu.sync_copy(z_hbm.at[pl.ds((NS - 1) * RPW, RPW_LAST)],
                        shared.at[pl.ds((NS - 1) * RPW, RPW_LAST)])

    plsc.subcore_barrier()

    rows = (r0, r1)
    sg = (sg0, sg1)
    ss = (ss0, ss1)

    pltpu.async_copy(h_hbm.at[sidx_all.at[0]], r0, sg0)
    pltpu.async_copy(h_hbm.at[sidx_all.at[1]], r1, sg1)

    def body(g, carry):
        for b in range(2):
            k = g * 2 + b
            pltpu.make_async_copy(h_hbm.at[sidx_all.at[k]], rows[b],
                                  sg[b]).wait()
            pltpu.async_copy(rows[b], shared.at[didx_all.at[k]], ss[b],
                             add=True)
            pltpu.make_async_copy(rows[b], shared.at[pl.ds(0, CH)],
                                  ss[b]).wait()

            @pl.when(k + 2 < CPT)
            def _():
                pltpu.async_copy(h_hbm.at[sidx_all.at[k + 2]], rows[b],
                                 sg[b])
        return carry

    lax.fori_loop(0, CPT // 2, body, 0)

    plsc.subcore_barrier()

    @pl.when(s < NS - 1)
    def _():
        pltpu.sync_copy(shared.at[pl.ds(s * RPW, RPW)],
                        out.at[pl.ds(c * N + s * RPW, RPW)])

    @pl.when(s == NS - 1)
    def _():
        pltpu.sync_copy(shared.at[pl.ds((NS - 1) * RPW, RPW_LAST)],
                        out.at[pl.ds(c * N + (NS - 1) * RPW, RPW_LAST)])

  return sc_agg


def _sc_agg(h, s2d, d2d, zrows):
    return _build_sc_agg()(h, s2d, d2d, zrows)


@functools.cache
def _build_sc_gather2():
  mesh = plsc.VectorSubcoreMesh(core_axis_name="c", subcore_axis_name="s",
                                num_cores=NC, num_subcores=NS)

  @functools.partial(
      pl.kernel,
      out_type=(jax.ShapeDtypeStruct((EPAD, D), jnp.float32),
                jax.ShapeDtypeStruct((EPAD, D), jnp.float32)),
      mesh=mesh,
      compiler_params=pltpu.CompilerParams(needs_layout_passes=False),
      scratch_types=[
          pltpu.VMEM((CPT, CH), jnp.int32),
          pltpu.VMEM((CPT, CH), jnp.int32),
          pltpu.VMEM((CH, D), jnp.float32),
          pltpu.VMEM((CH, D), jnp.float32),
          pltpu.VMEM((CH, D), jnp.float32),
          pltpu.VMEM((CH, D), jnp.float32),
          pltpu.SemaphoreType.DMA,
          pltpu.SemaphoreType.DMA,
          pltpu.SemaphoreType.DMA,
          pltpu.SemaphoreType.DMA,
          pltpu.SemaphoreType.DMA,
          pltpu.SemaphoreType.DMA,
          pltpu.SemaphoreType.DMA,
          pltpu.SemaphoreType.DMA,
      ],
  )
  def sc_gather2(qe_hbm, s2d, d2d, rs_out, rd_out, sidx_all, didx_all,
                 rs0, rs1, rd0, rd1, sgs0, sgs1, sgd0, sgd1,
                 sws0, sws1, swd0, swd1):
    c = lax.axis_index("c")
    s = lax.axis_index("s")
    wid = s * NC + c
    rbase = wid * CPT
    obase = rbase * CH

    pltpu.sync_copy(s2d.at[pl.ds(rbase, CPT)], sidx_all)
    pltpu.sync_copy(d2d.at[pl.ds(rbase, CPT)], didx_all)

    rws = (rs0, rs1)
    rwd = (rd0, rd1)
    sgs = (sgs0, sgs1)
    sgd = (sgd0, sgd1)
    sws = (sws0, sws1)
    swd = (swd0, swd1)

    pltpu.async_copy(qe_hbm.at[sidx_all.at[0]], rs0, sgs0)
    pltpu.async_copy(qe_hbm.at[didx_all.at[0]], rd0, sgd0)
    pltpu.async_copy(qe_hbm.at[sidx_all.at[1]], rs1, sgs1)
    pltpu.async_copy(qe_hbm.at[didx_all.at[1]], rd1, sgd1)

    def body(g, carry):
        for b in range(2):
            k = g * 2 + b
            o = obase + k * CH
            pltpu.make_async_copy(qe_hbm.at[sidx_all.at[k]], rws[b],
                                  sgs[b]).wait()
            pltpu.async_copy(rws[b], rs_out.at[pl.ds(o, CH)], sws[b])
            pltpu.make_async_copy(qe_hbm.at[didx_all.at[k]], rwd[b],
                                  sgd[b]).wait()
            pltpu.async_copy(rwd[b], rd_out.at[pl.ds(o, CH)], swd[b])
            pltpu.make_async_copy(rws[b], rs_out.at[pl.ds(o, CH)],
                                  sws[b]).wait()
            pltpu.make_async_copy(rwd[b], rd_out.at[pl.ds(o, CH)],
                                  swd[b]).wait()

            @pl.when(k + 2 < CPT)
            def _():
                pltpu.async_copy(qe_hbm.at[sidx_all.at[k + 2]], rws[b],
                                 sgs[b])
                pltpu.async_copy(qe_hbm.at[didx_all.at[k + 2]], rwd[b],
                                 sgd[b])
        return carry

    lax.fori_loop(0, CPT // 2, body, 0)

  return sc_gather2


def _sc_gather2(qe, s2d, d2d):
    return _build_sc_gather2()(qe, s2d, d2d)



_RB = 1000


def _scales_body(feats_ref, hst_ref, hdt_ref, hs1_ref, so_ref, si_ref):
    od = jnp.sum(hst_ref[...], axis=1, keepdims=True)
    idg = jnp.sum(hdt_ref[...], axis=1, keepdims=True)
    so = lax.rsqrt(jnp.maximum(od, 1.0))
    si = lax.rsqrt(jnp.maximum(idg, 1.0))
    hs1_ref[...] = feats_ref[...] * so
    so_ref[...] = jnp.broadcast_to(so, (_RB, D))
    si_ref[...] = jnp.broadcast_to(si, (_RB, D))


def _tc_scales(feats, hst, hdt):
    return pl.pallas_call(
        _scales_body,
        grid=(N // _RB,),
        in_specs=[
            pl.BlockSpec((_RB, D), lambda i: (i, 0)),
            pl.BlockSpec((_RB, NW), lambda i: (i, 0)),
            pl.BlockSpec((_RB, NW), lambda i: (i, 0)),
        ],
        out_specs=[
            pl.BlockSpec((_RB, D), lambda i: (i, 0)),
            pl.BlockSpec((_RB, D), lambda i: (i, 0)),
            pl.BlockSpec((_RB, D), lambda i: (i, 0)),
        ],
        out_shape=[jax.ShapeDtypeStruct((N, D), jnp.float32)] * 3,
    )(feats, hst, hdt)


def _layer1_body(a0_ref, a1_ref, si_ref, so_ref, w_ref, b_ref, g_ref,
                 be_ref, h1_ref, hs2_ref):
    a = (a0_ref[...] + a1_ref[...]) * si_ref[...]
    z = lax.dot(a, w_ref[...], precision=lax.Precision.HIGHEST) + b_ref[...]
    h = jnp.maximum(z, 0.0)
    mu = jnp.mean(h, axis=1, keepdims=True)
    dlt = h - mu
    var = jnp.mean(dlt * dlt, axis=1, keepdims=True)
    h1 = dlt * lax.rsqrt(var + EPS_LN) * g_ref[...] + be_ref[...]
    h1_ref[...] = h1
    hs2_ref[...] = h1 * so_ref[...]


def _tc_layer1(a0, a1, si, so, w, b, g, be):
    row = pl.BlockSpec((_RB, D), lambda i: (i, 0))
    vec = pl.BlockSpec((1, D), lambda i: (0, 0))
    return pl.pallas_call(
        _layer1_body,
        grid=(N // _RB,),
        in_specs=[row, row, row, row,
                  pl.BlockSpec((D, D), lambda i: (0, 0)), vec, vec, vec],
        out_specs=[row, row],
        out_shape=[jax.ShapeDtypeStruct((N, D), jnp.float32)] * 2,
    )(a0, a1, si, so, w, b, g, be)


def _layer2_body(a0_ref, a1_ref, si_ref, w_ref, b_ref, dw1_ref, db1_ref,
                 dw2_ref, db2_ref, h2_ref, qe_ref, sse_ref, acc_ref):
    i = pl.program_id(0)

    @pl.when(i == 0)
    def _():
        acc_ref[0] = 0.0

    a = (a0_ref[...] + a1_ref[...]) * si_ref[...]
    h2 = jnp.maximum(
        lax.dot(a, w_ref[...], precision=lax.Precision.HIGHEST) + b_ref[...],
        0.0)
    qe = lax.dot(h2, dw1_ref[...], precision=lax.Precision.HIGHEST) + db1_ref[...]
    qn = lax.dot(h2, dw2_ref[...], precision=lax.Precision.HIGHEST) + db2_ref[...]
    h2_ref[...] = h2
    qe_ref[...] = qe
    r = h2 - qn
    acc_ref[0] += jnp.sum(r * r)

    @pl.when(i == N // _RB - 1)
    def _():
        sse_ref[0, 0] = acc_ref[0]


def _tc_layer2(a0, a1, si, w, b, dw1, db1, dw2, db2):
    row = pl.BlockSpec((_RB, D), lambda i: (i, 0))
    vec = pl.BlockSpec((1, D), lambda i: (0, 0))
    mat = pl.BlockSpec((D, D), lambda i: (0, 0))
    return pl.pallas_call(
        _layer2_body,
        grid=(N // _RB,),
        in_specs=[row, row, row, mat, vec, mat, vec, mat, vec],
        out_specs=[row, row,
                   pl.BlockSpec((1, 1), lambda i: (0, 0),
                                memory_space=pltpu.SMEM)],
        out_shape=[jax.ShapeDtypeStruct((N, D), jnp.float32),
                   jax.ShapeDtypeStruct((N, D), jnp.float32),
                   jax.ShapeDtypeStruct((1, 1), jnp.float32)],
        scratch_shapes=[pltpu.SMEM((1,), jnp.float32)],
    )(a0, a1, si, w, b, dw1, db1, dw2, db2)


_EB = 2048
_EBR = _EB // CH


def _softplus(x):
    return jnp.maximum(x, 0.0) + jnp.log1p(jnp.exp(-jnp.abs(x)))


def _corr_body(rs_ref, rd_ref, s_ref, d_ref, c1_ref, c2_ref, ne_ref, acc_ref):
    k = pl.program_id(0)

    @pl.when(k == 0)
    def _():
        acc_ref[0] = 0.0
        acc_ref[1] = 0.0
        acc_ref[2] = 0.0

    prod = rs_ref[...] * rd_ref[...]
    p = jnp.sum(prod, axis=1).reshape(_EBR, CH)
    nv = jnp.sum((s_ref[...] < d_ref[...]).astype(jnp.float32))
    ln2 = jnp.float32(0.6931471805599453)
    acc_ref[0] += jnp.sum(_softplus(p)) - (_EB - nv) * ln2
    acc_ref[1] += jnp.sum(_softplus(-p)) - (_EB - nv) * ln2
    acc_ref[2] += nv

    @pl.when(k == EPAD // _EB - 1)
    def _():
        c1_ref[0, 0] = acc_ref[0]
        c2_ref[0, 0] = acc_ref[1]
        ne_ref[0, 0] = acc_ref[2]


def _tc_corr(rs, rd, s2d, d2d):
    scal = pl.BlockSpec((1, 1), lambda k: (0, 0), memory_space=pltpu.SMEM)
    return pl.pallas_call(
        _corr_body,
        grid=(EPAD // _EB,),
        in_specs=[
            pl.BlockSpec((_EB, D), lambda k: (k, 0)),
            pl.BlockSpec((_EB, D), lambda k: (k, 0)),
            pl.BlockSpec((_EBR, CH), lambda k: (k, 0)),
            pl.BlockSpec((_EBR, CH), lambda k: (k, 0)),
        ],
        out_specs=[scal, scal, scal],
        out_shape=[jax.ShapeDtypeStruct((1, 1), jnp.float32)] * 3,
        scratch_shapes=[pltpu.SMEM((3,), jnp.float32)],
    )(rs, rd, s2d, d2d)


def _loss_body(iof_ref, jof_ref, qi_ref, qj_ref, out_ref, acc_ref):
    t = pl.program_id(0)
    i = iof_ref[t]
    j = jof_ref[t]

    @pl.when(t == 0)
    def _():
        acc_ref[0] = 0.0

    for h in range(2):
        qjh = qj_ref[h * (T // 2):(h + 1) * (T // 2), :]
        p = lax.dot_general(qi_ref[...], qjh, (((1,), (1,)), ((), ())),
                            precision=lax.Precision.HIGHEST)
        sp = _softplus(p)

        @pl.when((j > i) & (j < NT - 1))
        def _():
            acc_ref[0] += jnp.sum(sp)

        @pl.when((j > i) & (j == NT - 1))
        def _():
            gc = (j * T + h * (T // 2)
                  + lax.broadcasted_iota(jnp.int32, (T, T // 2), 1))
            acc_ref[0] += jnp.sum(jnp.where(gc < N, sp, 0.0))

        @pl.when(j == i)
        def _():
            rl = lax.broadcasted_iota(jnp.int32, (T, T // 2), 0)
            cl = h * (T // 2) + lax.broadcasted_iota(jnp.int32, (T, T // 2), 1)
            gc = j * T + cl
            acc_ref[0] += jnp.sum(
                jnp.where((rl < cl) & (gc < N), sp, 0.0))

    @pl.when(t == NTILES - 1)
    def _():
        out_ref[0, 0] = acc_ref[0]


def _tc_loss(qe_pad, iof, jof):
    grid_spec = pltpu.PrefetchScalarGridSpec(
        num_scalar_prefetch=2,
        grid=(NTILES,),
        in_specs=[
            pl.BlockSpec((T, D), lambda t, io, jo: (io[t], 0)),
            pl.BlockSpec((T, D), lambda t, io, jo: (jo[t], 0)),
        ],
        out_specs=pl.BlockSpec((1, 1), lambda t, io, jo: (0, 0),
                               memory_space=pltpu.SMEM),
        scratch_shapes=[pltpu.SMEM((1,), jnp.float32)],
    )
    return pl.pallas_call(
        _loss_body,
        grid_spec=grid_spec,
        out_shape=jax.ShapeDtypeStruct((1, 1), jnp.float32),
    )(iof, jof, qe_pad, qe_pad)



def kernel(feats, edge_index, W1, b1, W2, b2, gamma, beta, dW1, db1, dW2,
           db2):
    ei = edge_index.reshape(-1)
    npd = EPAD - E
    pad_ar = jnp.arange(npd, dtype=jnp.int32)
    src_pad = jnp.concatenate([edge_index[0], (pad_ar * 8) % N])
    dst_pad = jnp.concatenate([edge_index[1], N + pad_ar % NDUMP])
    s2d = src_pad.reshape(R2D, CH)
    d2d = dst_pad.reshape(R2D, CH)
    s2dz = jnp.pad(edge_index[0], (0, EPAD - E)).reshape(R2D, CH)
    d2dz = jnp.pad(edge_index[1], (0, EPAD - E)).reshape(R2D, CH)
    vmask = edge_index[0] < edge_index[1]
    zrow = N + (jnp.arange(E, dtype=jnp.int32) % (NPAD - N))
    sg = jnp.where(vmask, edge_index[0], zrow)
    dg = jnp.where(vmask, edge_index[1], zrow)
    zpad = N + (pad_ar % (NPAD - N))
    s2dg = jnp.concatenate([sg, zpad]).reshape(R2D, CH)
    d2dg = jnp.concatenate([dg, zpad]).reshape(R2D, CH)
    zrows = jnp.zeros((N, D), jnp.float32)
    b1r = b1.reshape(1, D)
    b2r = b2.reshape(1, D)
    db1r = db1.reshape(1, D)
    db2r = db2.reshape(1, D)
    gr = gamma.reshape(1, D)
    ber = beta.reshape(1, D)

    hs_p, hd_p = _sc_degrees(ei)
    hst = hs_p.reshape(NW, N).T
    hdt = hd_p.reshape(NW, N).T

    hs1, so_b, si_b = _tc_scales(feats, hst, hdt)

    aggp1 = _sc_agg(hs1, s2d, d2d, zrows)
    h1, hs2 = _tc_layer1(aggp1[:N], aggp1[N:], si_b, so_b, W1, b1r, gr, ber)

    aggp2 = _sc_agg(hs2, s2d, d2d, zrows)
    h2, qe, sse = _tc_layer2(aggp2[:N], aggp2[N:], si_b, W2, b2r, dW1, db1r,
                             dW2, db2r)

    qe_pad = jnp.pad(qe, ((0, NPAD - N), (0, 0)))
    rs, rd = _sc_gather2(qe_pad, s2dg, d2dg)
    c1, c2, ne = _tc_corr(rs, rd, s2dz, d2dz)

    iof = jnp.asarray([i for i in range(NT) for _ in range(i, NT)],
                      dtype=jnp.int32)
    jof = jnp.asarray([j for i in range(NT) for j in range(i, NT)],
                      dtype=jnp.int32)
    s_sp = _tc_loss(qe_pad, iof, jof)

    nef = ne[0, 0]
    pos_weight = (N * N / 2.0 - nef) / (nef + 1e-6)
    edge_sum = s_sp[0, 0] - c1[0, 0] + pos_weight * c2[0, 0]
    edge_loss = edge_sum / (N * (N - 1) / 2.0)
    feat_loss = sse[0, 0] / (N * D)
    loss = feat_loss + 100.0 * edge_loss

    return (h1, h2, qe, h2, loss)

# --- scband reference (transcript-rebuilt; emitter-appended) ---
"""Pipeline reference for scband-gcn-25546465476774 (READ-ONLY COPY).

The authoritative reference and input builder live on the scoring server;
editing this copy changes nothing except your own understanding.
"""

import jax, jax.numpy as jnp
import numpy as np

N = 10000
D = 128
E = 160000
LAMB_EDGE = 1.0
LAMB_NODE = 1.0
EPS_LN = 1e-5


def _xavier(key, fan_in, fan_out):
    limit = np.sqrt(6.0 / (fan_in + fan_out)).astype(np.float32)
    return jax.random.uniform(key, (fan_in, fan_out), dtype=jnp.float32, minval=-limit, maxval=limit)


def setup_inputs(seed: int = 0) -> dict:
    key = jax.random.key(seed)
    ks = jax.random.split(key, 8)
    feats = jax.random.normal(ks[0], (N, D), dtype=jnp.float32)
    edge_index = jax.random.randint(ks[1], (2, E), 0, N, dtype=jnp.int32)
    W1 = _xavier(ks[2], D, D)
    b1 = jnp.zeros((D,), dtype=jnp.float32)
    W2 = _xavier(ks[3], D, D)
    b2 = jnp.zeros((D,), dtype=jnp.float32)
    gamma = jnp.ones((D,), dtype=jnp.float32)
    beta = jnp.zeros((D,), dtype=jnp.float32)
    dW1 = _xavier(ks[4], D, D)
    db1 = jnp.zeros((D,), dtype=jnp.float32)
    dW2 = _xavier(ks[5], D, D)
    db2 = jnp.zeros((D,), dtype=jnp.float32)
    return {"feats": feats, "edge_index": edge_index, "W1": W1, "b1": b1, "W2": W2, "b2": b2,
            "gamma": gamma, "beta": beta, "dW1": dW1, "db1": db1, "dW2": dW2, "db2": db2}


def _gcn_layer(h, src, dst, W, b):
    n = h.shape[0]
    ones = jnp.ones(src.shape[0], dtype=h.dtype)
    out_deg = jax.ops.segment_sum(ones, src, num_segments=n)
    in_deg = jax.ops.segment_sum(ones, dst, num_segments=n)
    h = h * jnp.power(jnp.clip(out_deg, 1.0), -0.5)[:, None]
    agg = jax.ops.segment_sum(h[src], dst, num_segments=n)
    agg = agg * jnp.power(jnp.clip(in_deg, 1.0), -0.5)[:, None]
    return jax.nn.relu(agg @ W + b)


def _layer_norm(x, g, b):
    mu = jnp.mean(x, axis=-1, keepdims=True)
    var = jnp.var(x, axis=-1, keepdims=True)
    return (x - mu) / jnp.sqrt(var + EPS_LN) * g + b


def reference(feats, edge_index, W1, b1, W2, b2, gamma, beta, dW1, db1, dW2, db2):
    src = edge_index[0]
    dst = edge_index[1]
    n = feats.shape[0]
    # layer 1 + norm (dropout is identity at eval / ratio 0.0)
    h1 = _gcn_layer(feats, src, dst, W1, b1)
    h1 = _layer_norm(h1, gamma, beta)
    # layer 2
    h2 = _gcn_layer(h1, src, dst, W2, b2)
    quantized_edge = h2 @ dW1 + db1
    quantized_node = h2 @ dW2 + db2
    # edge reconstruction loss (single graph in the batch)
    adj_true = jnp.zeros((n, n), dtype=feats.dtype).at[src, dst].set(1.0)
    adj_pred = quantized_edge @ quantized_edge.T
    num_edges = jnp.sum(jnp.triu(adj_true, k=1))
    num_possible = n * n / 2.0
    pos_weight = (num_possible - num_edges) / (num_edges + 1e-6)
    per_elem = pos_weight * adj_true * jax.nn.softplus(-adj_pred) + (1.0 - adj_true) * jax.nn.softplus(adj_pred)
    count = n * (n - 1) / 2.0
    edge_loss = jnp.sum(jnp.triu(per_elem, k=1)) / count
    edge_rec_loss = LAMB_EDGE * edge_loss
    feature_rec_loss = LAMB_NODE * jnp.mean((h2 - quantized_node) ** 2)
    alpha = 100.0
    loss = feature_rec_loss + edge_rec_loss * alpha
    # h_list = [h1, h2, quantized_edge]; also return h (==h2) and loss
    return (h1, h2, quantized_edge, h2, loss)

if __name__ == "__main__":
    import jax
    _d = setup_inputs()
    print(jax.jit(kernel)(*tuple(_d.values())))

</pallas_src>

<mosaic_0001>
#map = affine_map<(d0, d1) -> (0)>
module attributes {stable_mosaic.version = 14 : i64} {
  func.func @sc_degrees(%arg0: i32, %arg1: i32, %arg2: memref<320000xi32, #tpu.memory_space<hbm>>, %arg3: memref<320000xf32, #tpu.memory_space<hbm>>, %arg4: memref<320000xf32, #tpu.memory_space<hbm>>, %arg5: memref<5016xi32, #tpu.memory_space<vmem>>, %arg6: memref<5016xi32, #tpu.memory_space<vmem>>, %arg7: memref<10000xf32, #tpu.memory_space<vmem>>, %arg8: memref<10000xf32, #tpu.memory_space<vmem>>) attributes {dimension_semantics = [#tpu.dimension_semantics<core_parallel>, #tpu.dimension_semantics<subcore_parallel>], iteration_bounds = array<i64: 2, 16>, scalar_prefetch = 0 : i64, scratch_operands = 4 : i64, tpu.core_type = #tpu.core_type<sc_vector_subcore>, window_params = [{transform_indices = #map}, {transform_indices = #map}, {transform_indices = #map}]} {
    %mul3A = arith.constant 2 : i32
    %mul3A_0 = arith.muli %arg1, %mul3A : i32
    %add3A = arith.addi %mul3A_0, %arg0 : i32
    %mul3A_1 = arith.constant 5000 : i32
    %mul3A_2 = arith.muli %add3A, %mul3A_1 : i32
    %scan3A = arith.constant 0 : i32
    %scan3A_3 = arith.constant 0 : i32
    %scan3A_4 = arith.constant 625 : i32
    %scan3A_5 = arith.addi %scan3A_3, %scan3A_4 : i32
    %scan3A_6 = arith.constant 1 : i32
    scf.for %scan3A_31 = %scan3A_3 to %scan3A_5 step %scan3A_6  : i32 {
      %broadcast_in_dim3A_32 = arith.constant 0.000000e+00 : f32
      %broadcast_in_dim3A_33 = vector.broadcast %broadcast_in_dim3A_32 : f32 to vector<16xf32>
      %mul3A_34 = arith.constant 16 : i32
      %mul3A_35 = arith.muli %scan3A_31, %mul3A_34 : i32
      %swap3A_36 = arith.index_cast %mul3A_35 : i32 to index
      %swap3A_37 = tpu.vector_load %arg7[%swap3A_36] {strides = array<i32>} : memref<10000xf32, #tpu.memory_space<vmem>>, vector<16xf32>,
      tpu.vector_store %arg7[%swap3A_36], %broadcast_in_dim3A_33 {strides = array<i32>} : memref<10000xf32, #tpu.memory_space<vmem>>, vector<16xf32>,
      %mul3A_38 = arith.constant 16 : i32
      %mul3A_39 = arith.muli %scan3A_31, %mul3A_38 : i32
      %swap3A_40 = arith.index_cast %mul3A_39 : i32 to index
      %swap3A_41 = tpu.vector_load %arg8[%swap3A_40] {strides = array<i32>} : memref<10000xf32, #tpu.memory_space<vmem>>, vector<16xf32>,
      tpu.vector_store %arg8[%swap3A_40], %broadcast_in_dim3A_33 {strides = array<i32>} : memref<10000xf32, #tpu.memory_space<vmem>>, vector<16xf32>,
    }
    %scan3A_7 = arith.constant 625 : i32
    "tpu.region"() ({
      %run_scoped3A = tpu.sem_alloc : memref<!tpu.dma_semaphore, #tpu.memory_space<semaphore_mem>>
      %dma_start3A = arith.constant 0 : i32
      %dma_start3A_31 = tpu.memref_slice %arg5[%dma_start3A] : memref<5016xi32, #tpu.memory_space<vmem>> -> memref<5000xi32, #tpu.memory_space<vmem>>
      %dma_start3A_32 = tpu.memref_slice %arg2[%mul3A_2] : memref<320000xi32, #tpu.memory_space<hbm>> -> memref<5000xi32, #tpu.memory_space<hbm>>
      %dma_start3A_33 = arith.constant 0 : i32
      %dma_start3A_34 = tpu.memref_slice %arg5[%dma_start3A_33] : memref<5016xi32, #tpu.memory_space<vmem>> -> memref<5000xi32, #tpu.memory_space<vmem>>
      %dma_start3A_35 = tpu.memref_slice %arg2[%mul3A_2] : memref<320000xi32, #tpu.memory_space<hbm>> -> memref<5000xi32, #tpu.memory_space<hbm>>
      tpu.enqueue_dma source(%dma_start3A_35 : memref<5000xi32, #tpu.memory_space<hbm>>) target(%dma_start3A_34 : memref<5000xi32, #tpu.memory_space<vmem>>) target_semaphore(%run_scoped3A : memref<!tpu.dma_semaphore, #tpu.memory_space<semaphore_mem>>)
      %dma_wait3A = arith.constant 0 : i32
      %dma_wait3A_36 = tpu.memref_slice %arg5[%dma_wait3A] : memref<5016xi32, #tpu.memory_space<vmem>> -> memref<5000xi32, #tpu.memory_space<vmem>>
      %dma_wait3A_37 = tpu.memref_slice %arg2[%mul3A_2] : memref<320000xi32, #tpu.memory_space<hbm>> -> memref<5000xi32, #tpu.memory_space<hbm>>
      %dma_wait3A_38 = arith.constant 0 : i32
      %dma_wait3A_39 = tpu.memref_slice %arg5[%dma_wait3A_38] : memref<5016xi32, #tpu.memory_space<vmem>> -> memref<5000xi32, #tpu.memory_space<vmem>>
      %dma_wait3A_40 = tpu.memref_slice %arg2[%mul3A_2] : memref<320000xi32, #tpu.memory_space<hbm>> -> memref<5000xi32, #tpu.memory_space<hbm>>
      tpu.wait_dma2 semaphore(%run_scoped3A : memref<!tpu.dma_semaphore, #tpu.memory_space<semaphore_mem>>) src(%dma_wait3A_40 : memref<5000xi32, #tpu.memory_space<hbm>>) dst(%dma_wait3A_39 : memref<5000xi32, #tpu.memory_space<vmem>>)
      tpu.yield
    }) : () -> ()
    %add3A_8 = arith.constant 160000 : i32
    %add3A_9 = arith.addi %add3A_8, %mul3A_2 : i32
    "tpu.region"() ({
      %run_scoped3A = tpu.sem_alloc : memref<!tpu.dma_semaphore, #tpu.memory_space<semaphore_mem>>
      %dma_start3A = arith.constant 0 : i32
      %dma_start3A_31 = tpu.memref_slice %arg6[%dma_start3A] : memref<5016xi32, #tpu.memory_space<vmem>> -> memref<5000xi32, #tpu.memory_space<vmem>>
      %dma_start3A_32 = tpu.memref_slice %arg2[%add3A_9] : memref<320000xi32, #tpu.memory_space<hbm>> -> memref<5000xi32, #tpu.memory_space<hbm>>
      %dma_start3A_33 = arith.constant 0 : i32
      %dma_start3A_34 = tpu.memref_slice %arg6[%dma_start3A_33] : memref<5016xi32, #tpu.memory_space<vmem>> -> memref<5000xi32, #tpu.memory_space<vmem>>
      %dma_start3A_35 = tpu.memref_slice %arg2[%add3A_9] : memref<320000xi32, #tpu.memory_space<hbm>> -> memref<5000xi32, #tpu.memory_space<hbm>>
      tpu.enqueue_dma source(%dma_start3A_35 : memref<5000xi32, #tpu.memory_space<hbm>>) target(%dma_start3A_34 : memref<5000xi32, #tpu.memory_space<vmem>>) target_semaphore(%run_scoped3A : memref<!tpu.dma_semaphore, #tpu.memory_space<semaphore_mem>>)
      %dma_wait3A = arith.constant 0 : i32
      %dma_wait3A_36 = tpu.memref_slice %arg6[%dma_wait3A] : memref<5016xi32, #tpu.memory_space<vmem>> -> memref<5000xi32, #tpu.memory_space<vmem>>
      %dma_wait3A_37 = tpu.memref_slice %arg2[%add3A_9] : memref<320000xi32, #tpu.memory_space<hbm>> -> memref<5000xi32, #tpu.memory_space<hbm>>
      %dma_wait3A_38 = arith.constant 0 : i32
      %dma_wait3A_39 = tpu.memref_slice %arg6[%dma_wait3A_38] : memref<5016xi32, #tpu.memory_space<vmem>> -> memref<5000xi32, #tpu.memory_space<vmem>>
      %dma_wait3A_40 = tpu.memref_slice %arg2[%add3A_9] : memref<320000xi32, #tpu.memory_space<hbm>> -> memref<5000xi32, #tpu.memory_space<hbm>>
      tpu.wait_dma2 semaphore(%run_scoped3A : memref<!tpu.dma_semaphore, #tpu.memory_space<semaphore_mem>>) src(%dma_wait3A_40 : memref<5000xi32, #tpu.memory_space<hbm>>) dst(%dma_wait3A_39 : memref<5000xi32, #tpu.memory_space<vmem>>)
      tpu.yield
    }) : () -> ()
    %broadcast_in_dim3A = arith.constant 0 : i32
    %broadcast_in_dim3A_10 = vector.broadcast %broadcast_in_dim3A : i32 to vector<16xi32>
    %swap3A = arith.constant 5000 : index
    %swap3A_11 = tpu.vector_load %arg5[%swap3A] {strides = array<i32>} : memref<5016xi32, #tpu.memory_space<vmem>>, vector<16xi32>,
    tpu.vector_store %arg5[%swap3A], %broadcast_in_dim3A_10 {strides = array<i32>} : memref<5016xi32, #tpu.memory_space<vmem>>, vector<16xi32>,
    %swap3A_12 = arith.constant 5000 : index
    %swap3A_13 = tpu.vector_load %arg6[%swap3A_12] {strides = array<i32>} : memref<5016xi32, #tpu.memory_space<vmem>>, vector<16xi32>,
    tpu.vector_store %arg6[%swap3A_12], %broadcast_in_dim3A_10 {strides = array<i32>} : memref<5016xi32, #tpu.memory_space<vmem>>, vector<16xi32>,
    %broadcast_in_dim3A_14 = arith.constant 1.000000e+00 : f32
    %broadcast_in_dim3A_15 = vector.broadcast %broadcast_in_dim3A_14 : f32 to vector<16xf32>
    %scan3A_16 = arith.constant 0 : i32
    %scan3A_17 = arith.constant 0 : i32
    %scan3A_18 = arith.constant 312 : i32
    %scan3A_19 = arith.addi %scan3A_17, %scan3A_18 : i32
    %scan3A_20 = arith.constant 1 : i32
    scf.for %scan3A_31 = %scan3A_17 to %scan3A_19 step %scan3A_20  : i32 {
      %mul3A_32 = arith.constant 16 : i32
      %mul3A_33 = arith.muli %scan3A_31, %mul3A_32 : i32
      %get3A_34 = arith.index_cast %mul3A_33 : i32 to index
      %get3A_35 = tpu.vector_load %arg5[%get3A_34] {strides = array<i32>} : memref<5016xi32, #tpu.memory_space<vmem>>, vector<16xi32>,
      tpu.vector_store_idx %arg7[%get3A_35], %broadcast_in_dim3A_15 {add = true} : memref<10000xf32, #tpu.memory_space<vmem>>[vector<16xi32>], vector<16xf32>,
      %mul3A_36 = arith.constant 16 : i32
      %mul3A_37 = arith.muli %scan3A_31, %mul3A_36 : i32
      %get3A_38 = arith.index_cast %mul3A_37 : i32 to index
      %get3A_39 = tpu.vector_load %arg6[%get3A_38] {strides = array<i32>} : memref<5016xi32, #tpu.memory_space<vmem>>, vector<16xi32>,
      tpu.vector_store_idx %arg8[%get3A_39], %broadcast_in_dim3A_15 {add = true} : memref<10000xf32, #tpu.memory_space<vmem>>[vector<16xi32>], vector<16xf32>,
    }
    %scan3A_21 = arith.constant 312 : i32
    %iota3A = tpu.iota {dimensions = array<i32: 0>} : vector<16xi32>
    %lt3A = arith.constant 8 : i32
    %lt3A_22 = vector.broadcast %lt3A : i32 to vector<16xi32>
    %lt3A_23 = arith.cmpi slt, %iota3A, %lt3A_22 : vector<16xi32>
    %get3A = arith.constant 4992 : index
    %get3A_24 = tpu.vector_load %arg5[%get3A] {strides = array<i32>} : memref<5016xi32, #tpu.memory_space<vmem>>, vector<16xi32>,
    tpu.vector_store_idx %arg7[%get3A_24], %broadcast_in_dim3A_15 masked %lt3A_23 {add = true} : memref<10000xf32, #tpu.memory_space<vmem>>[vector<16xi32>], vector<16xf32>, vector<16xi1>
    %get3A_25 = arith.constant 4992 : index
    %get3A_26 = tpu.vector_load %arg6[%get3A_25] {strides = array<i32>} : memref<5016xi32, #tpu.memory_space<vmem>>, vector<16xi32>,
    tpu.vector_store_idx %arg8[%get3A_26], %broadcast_in_dim3A_15 masked %lt3A_23 {add = true} : memref<10000xf32, #tpu.memory_space<vmem>>[vector<16xi32>], vector<16xf32>, vector<16xi1>
    %mul3A_27 = arith.constant 10000 : i32
    %mul3A_28 = arith.muli %add3A, %mul3A_27 : i32
    "tpu.region"() ({
      %run_scoped3A = tpu.sem_alloc : memref<!tpu.dma_semaphore, #tpu.memory_space<semaphore_mem>>
      %dma_start3A = tpu.memref_slice %arg3[%mul3A_28] : memref<320000xf32, #tpu.memory_space<hbm>> -> memref<10000xf32, #tpu.memory_space<hbm>>
      %dma_start3A_31 = tpu.memref_slice %arg3[%mul3A_28] : memref<320000xf32, #tpu.memory_space<hbm>> -> memref<10000xf32, #tpu.memory_space<hbm>>
      tpu.enqueue_dma source(%arg7 : memref<10000xf32, #tpu.memory_space<vmem>>) target(%dma_start3A_31 : memref<10000xf32, #tpu.memory_space<hbm>>) target_semaphore(%run_scoped3A : memref<!tpu.dma_semaphore, #tpu.memory_space<semaphore_mem>>)
      %dma_wait3A = tpu.memref_slice %arg3[%mul3A_28] : memref<320000xf32, #tpu.memory_space<hbm>> -> memref<10000xf32, #tpu.memory_space<hbm>>
      %dma_wait3A_32 = tpu.memref_slice %arg3[%mul3A_28] : memref<320000xf32, #tpu.memory_space<hbm>> -> memref<10000xf32, #tpu.memory_space<hbm>>
      tpu.wait_dma2 semaphore(%run_scoped3A : memref<!tpu.dma_semaphore, #tpu.memory_space<semaphore_mem>>) src(%arg7 : memref<10000xf32, #tpu.memory_space<vmem>>) dst(%dma_wait3A_32 : memref<10000xf32, #tpu.memory_space<hbm>>)
      tpu.yield
    }) : () -> ()
    %mul3A_29 = arith.constant 10000 : i32
    %mul3A_30 = arith.muli %add3A, %mul3A_29 : i32
    "tpu.region"() ({
      %run_scoped3A = tpu.sem_alloc : memref<!tpu.dma_semaphore, #tpu.memory_space<semaphore_mem>>
      %dma_start3A = tpu.memref_slice %arg4[%mul3A_30] : memref<320000xf32, #tpu.memory_space<hbm>> -> memref<10000xf32, #tpu.memory_space<hbm>>
      %dma_start3A_31 = tpu.memref_slice %arg4[%mul3A_30] : memref<320000xf32, #tpu.memory_space<hbm>> -> memref<10000xf32, #tpu.memory_space<hbm>>
      tpu.enqueue_dma source(%arg8 : memref<10000xf32, #tpu.memory_space<vmem>>) target(%dma_start3A_31 : memref<10000xf32, #tpu.memory_space<hbm>>) target_semaphore(%run_scoped3A : memref<!tpu.dma_semaphore, #tpu.memory_space<semaphore_mem>>)
      %dma_wait3A = tpu.memref_slice %arg4[%mul3A_30] : memref<320000xf32, #tpu.memory_space<hbm>> -> memref<10000xf32, #tpu.memory_space<hbm>>
      %dma_wait3A_32 = tpu.memref_slice %arg4[%mul3A_30] : memref<320000xf32, #tpu.memory_space<hbm>> -> memref<10000xf32, #tpu.memory_space<hbm>>
      tpu.wait_dma2 semaphore(%run_scoped3A : memref<!tpu.dma_semaphore, #tpu.memory_space<semaphore_mem>>) src(%arg8 : memref<10000xf32, #tpu.memory_space<vmem>>) dst(%dma_wait3A_32 : memref<10000xf32, #tpu.memory_space<hbm>>)
      tpu.yield
    }) : () -> ()
    return
  }
}

#map = affine_map<(d0, d1) -> (0, 0)>
module attributes {stable_mosaic.version = 14 : i64} {
  func.func @sc_gather2(%arg0: i32, %arg1: i32, %arg2: memref<10240x128xf32, #tpu.memory_space<hbm>>, %arg3: memref<1280x128xi32, #tpu.memory_space<hbm>>, %arg4: memref<1280x128xi32, #tpu.memory_space<hbm>>, %arg5: memref<163840x128xf32, #tpu.memory_space<hbm>>, %arg6: memref<163840x128xf32, #tpu.memory_space<hbm>>, %arg7: memref<40x128xi32, #tpu.memory_space<vmem>>, %arg8: memref<40x128xi32, #tpu.memory_space<vmem>>, %arg9: memref<128x128xf32, #tpu.memory_space<vmem>>, %arg10: memref<128x128xf32, #tpu.memory_space<vmem>>, %arg11: memref<128x128xf32, #tpu.memory_space<vmem>>, %arg12: memref<128x128xf32, #tpu.memory_space<vmem>>, %arg13: memref<!tpu.dma_semaphore, #tpu.memory_space<semaphore_mem>>, %arg14: memref<!tpu.dma_semaphore, #tpu.memory_space<semaphore_mem>>, %arg15: memref<!tpu.dma_semaphore, #tpu.memory_space<semaphore_mem>>, %arg16: memref<!tpu.dma_semaphore, #tpu.memory_space<semaphore_mem>>, %arg17: memref<!tpu.dma_semaphore, #tpu.memory_space<semaphore_mem>>, %arg18: memref<!tpu.dma_semaphore, #tpu.memory_space<semaphore_mem>>, %arg19: memref<!tpu.dma_semaphore, #tpu.memory_space<semaphore_mem>>, %arg20: memref<!tpu.dma_semaphore, #tpu.memory_space<semaphore_mem>>) attributes {dimension_semantics = [#tpu.dimension_semantics<core_parallel>, #tpu.dimension_semantics<subcore_parallel>], iteration_bounds = array<i64: 2, 16>, scalar_prefetch = 0 : i64, scratch_operands = 14 : i64, tpu.core_type = #tpu.core_type<sc_vector_subcore>, window_params = [{transform_indices = #map}, {transform_indices = #map}, {transform_indices = #map}, {transform_indices = #map}, {transform_indices = #map}]} {
    %mul3A = arith.constant 2 : i32
    %mul3A_0 = arith.muli %arg1, %mul3A : i32
    %add3A = arith.addi %mul3A_0, %arg0 : i32
    %mul3A_1 = arith.constant 40 : i32
    %mul3A_2 = arith.muli %add3A, %mul3A_1 : i32
    %mul3A_3 = arith.constant 128 : i32
    %mul3A_4 = arith.muli %mul3A_2, %mul3A_3 : i32
    "tpu.region"() ({
      %run_scoped3A = tpu.sem_alloc : memref<!tpu.dma_semaphore, #tpu.memory_space<semaphore_mem>>
      %dma_start3A_37 = arith.constant 0 : i32
      %dma_start3A_38 = tpu.memref_slice %arg3[%mul3A_2, %dma_start3A_37] : memref<1280x128xi32, #tpu.memory_space<hbm>> -> memref<40x128xi32, #tpu.memory_space<hbm>>
      %dma_start3A_39 = arith.constant 0 : i32
      %dma_start3A_40 = tpu.memref_slice %arg3[%mul3A_2, %dma_start3A_39] : memref<1280x128xi32, #tpu.memory_space<hbm>> -> memref<40x128xi32, #tpu.memory_space<hbm>>
      tpu.enqueue_dma source(%dma_start3A_40 : memref<40x128xi32, #tpu.memory_space<hbm>>) target(%arg7 : memref<40x128xi32, #tpu.memory_space<vmem>>) target_semaphore(%run_scoped3A : memref<!tpu.dma_semaphore, #tpu.memory_space<semaphore_mem>>)
      %dma_wait3A = arith.constant 0 : i32
      %dma_wait3A_41 = tpu.memref_slice %arg3[%mul3A_2, %dma_wait3A] : memref<1280x128xi32, #tpu.memory_space<hbm>> -> memref<40x128xi32, #tpu.memory_space<hbm>>
      %dma_wait3A_42 = arith.constant 0 : i32
      %dma_wait3A_43 = tpu.memref_slice %arg3[%mul3A_2, %dma_wait3A_42] : memref<1280x128xi32, #tpu.memory_space<hbm>> -> memref<40x128xi32, #tpu.memory_space<hbm>>
      tpu.wait_dma2 semaphore(%run_scoped3A : memref<!tpu.dma_semaphore, #tpu.memory_space<semaphore_mem>>) src(%dma_wait3A_43 : memref<40x128xi32, #tpu.memory_space<hbm>>) dst(%arg7 : memref<40x128xi32, #tpu.memory_space<vmem>>)
      tpu.yield
    }) : () -> ()
    "tpu.region"() ({
      %run_scoped3A = tpu.sem_alloc : memref<!tpu.dma_semaphore, #tpu.memory_space<semaphore_mem>>
      %dma_start3A_37 = arith.constant 0 : i32
      %dma_start3A_38 = tpu.memref_slice %arg4[%mul3A_2, %dma_start3A_37] : memref<1280x128xi32, #tpu.memory_space<hbm>> -> memref<40x128xi32, #tpu.memory_space<hbm>>
      %dma_start3A_39 = arith.constant 0 : i32
      %dma_start3A_40 = tpu.memref_slice %arg4[%mul3A_2, %dma_start3A_39] : memref<1280x128xi32, #tpu.memory_space<hbm>> -> memref<40x128xi32, #tpu.memory_space<hbm>>
      tpu.enqueue_dma source(%dma_start3A_40 : memref<40x128xi32, #tpu.memory_space<hbm>>) target(%arg8 : memref<40x128xi32, #tpu.memory_space<vmem>>) target_semaphore(%run_scoped3A : memref<!tpu.dma_semaphore, #tpu.memory_space<semaphore_mem>>)
      %dma_wait3A = arith.constant 0 : i32
      %dma_wait3A_41 = tpu.memref_slice %arg4[%mul3A_2, %dma_wait3A] : memref<1280x128xi32, #tpu.memory_space<hbm>> -> memref<40x128xi32, #tpu.memory_space<hbm>>
      %dma_wait3A_42 = arith.constant 0 : i32
      %dma_wait3A_43 = tpu.memref_slice %arg4[%mul3A_2, %dma_wait3A_42] : memref<1280x128xi32, #tpu.memory_space<hbm>> -> memref<40x128xi32, #tpu.memory_space<hbm>>
      tpu.wait_dma2 semaphore(%run_scoped3A : memref<!tpu.dma_semaphore, #tpu.memory_space<semaphore_mem>>) src(%dma_wait3A_43 : memref<40x128xi32, #tpu.memory_space<hbm>>) dst(%arg8 : memref<40x128xi32, #tpu.memory_space<vmem>>)
      tpu.yield
    }) : () -> ()
    %dma_start3A = arith.constant 0 : i32
    %dma_start3A_5 = arith.constant 0 : i32
    %dma_start3A_6 = tpu.memref_slice %arg7[%dma_start3A, %dma_start3A_5] : memref<40x128xi32, #tpu.memory_space<vmem>> -> memref<1x128xi32, #tpu.memory_space<vmem>>
    %dma_start3A_7 = tpu.memref_squeeze %dma_start3A_6 : memref<1x128xi32, #tpu.memory_space<vmem>> -> memref<128xi32, #tpu.memory_space<vmem>>
    %dma_start3A_8 = arith.constant 0 : i32
    %dma_start3A_9 = arith.constant 0 : i32
    %dma_start3A_10 = tpu.memref_slice %arg2[%dma_start3A_8, %dma_start3A_9] : memref<10240x128xf32, #tpu.memory_space<hbm>> -> memref<10240x128xf32, #tpu.memory_space<hbm>>
    tpu.enqueue_indirect_dma source(%dma_start3A_10 : memref<10240x128xf32, #tpu.memory_space<hbm>>) target(%arg9 : memref<128x128xf32, #tpu.memory_space<vmem>>) offsets(%dma_start3A_7 : memref<128xi32, #tpu.memory_space<vmem>>) semaphore(%arg13 : memref<!tpu.dma_semaphore, #tpu.memory_space<semaphore_mem>>)
    %dma_start3A_11 = arith.constant 0 : i32
    %dma_start3A_12 = arith.constant 0 : i32
    %dma_start3A_13 = tpu.memref_slice %arg8[%dma_start3A_11, %dma_start3A_12] : memref<40x128xi32, #tpu.memory_space<vmem>> -> memref<1x128xi32, #tpu.memory_space<vmem>>
    %dma_start3A_14 = tpu.memref_squeeze %dma_start3A_13 : memref<1x128xi32, #tpu.memory_space<vmem>> -> memref<128xi32, #tpu.memory_space<vmem>>
    %dma_start3A_15 = arith.constant 0 : i32
    %dma_start3A_16 = arith.constant 0 : i32
    %dma_start3A_17 = tpu.memref_slice %arg2[%dma_start3A_15, %dma_start3A_16] : memref<10240x128xf32, #tpu.memory_space<hbm>> -> memref<10240x128xf32, #tpu.memory_space<hbm>>
    tpu.enqueue_indirect_dma source(%dma_start3A_17 : memref<10240x128xf32, #tpu.memory_space<hbm>>) target(%arg11 : memref<128x128xf32, #tpu.memory_space<vmem>>) offsets(%dma_start3A_14 : memref<128xi32, #tpu.memory_space<vmem>>) semaphore(%arg15 : memref<!tpu.dma_semaphore, #tpu.memory_space<semaphore_mem>>)
    %dma_start3A_18 = arith.constant 1 : i32
    %dma_start3A_19 = arith.constant 0 : i32
    %dma_start3A_20 = tpu.memref_slice %arg7[%dma_start3A_18, %dma_start3A_19] : memref<40x128xi32, #tpu.memory_space<vmem>> -> memref<1x128xi32, #tpu.memory_space<vmem>>
    %dma_start3A_21 = tpu.memref_squeeze %dma_start3A_20 : memref<1x128xi32, #tpu.memory_space<vmem>> -> memref<128xi32, #tpu.memory_space<vmem>>
    %dma_start3A_22 = arith.constant 0 : i32
    %dma_start3A_23 = arith.constant 0 : i32
    %dma_start3A_24 = tpu.memref_slice %arg2[%dma_start3A_22, %dma_start3A_23] : memref<10240x128xf32, #tpu.memory_space<hbm>> -> memref<10240x128xf32, #tpu.memory_space<hbm>>
    tpu.enqueue_indirect_dma source(%dma_start3A_24 : memref<10240x128xf32, #tpu.memory_space<hbm>>) target(%arg10 : memref<128x128xf32, #tpu.memory_space<vmem>>) offsets(%dma_start3A_21 : memref<128xi32, #tpu.memory_space<vmem>>) semaphore(%arg14 : memref<!tpu.dma_semaphore, #tpu.memory_space<semaphore_mem>>)
    %dma_start3A_25 = arith.constant 1 : i32
    %dma_start3A_26 = arith.constant 0 : i32
    %dma_start3A_27 = tpu.memref_slice %arg8[%dma_start3A_25, %dma_start3A_26] : memref<40x128xi32, #tpu.memory_space<vmem>> -> memref<1x128xi32, #tpu.memory_space<vmem>>
    %dma_start3A_28 = tpu.memref_squeeze %dma_start3A_27 : memref<1x128xi32, #tpu.memory_space<vmem>> -> memref<128xi32, #tpu.memory_space<vmem>>
    %dma_start3A_29 = arith.constant 0 : i32
    %dma_start3A_30 = arith.constant 0 : i32
    %dma_start3A_31 = tpu.memref_slice %arg2[%dma_start3A_29, %dma_start3A_30] : memref<10240x128xf32, #tpu.memory_space<hbm>> -> memref<10240x128xf32, #tpu.memory_space<hbm>>
    tpu.enqueue_indirect_dma source(%dma_start3A_31 : memref<10240x128xf32, #tpu.memory_space<hbm>>) target(%arg12 : memref<128x128xf32, #tpu.memory_space<vmem>>) offsets(%dma_start3A_28 : memref<128xi32, #tpu.memory_space<vmem>>) semaphore(%arg16 : memref<!tpu.dma_semaphore, #tpu.memory_space<semaphore_mem>>)
    %scan3A = arith.constant 0 : i32
    %scan3A_32 = arith.constant 0 : i32
    %scan3A_33 = arith.constant 20 : i32
    %scan3A_34 = arith.addi %scan3A_32, %scan3A_33 : i32
    %scan3A_35 = arith.constant 1 : i32
    scf.for %scan3A_37 = %scan3A_32 to %scan3A_34 step %scan3A_35  : i32 {
      %mul3A_38 = arith.constant 2 : i32
      %mul3A_39 = arith.muli %scan3A_37, %mul3A_38 : i32
      %add3A_40 = arith.constant 0 : i32
      %add3A_41 = arith.addi %mul3A_39, %add3A_40 : i32
      %mul3A_42 = arith.constant 128 : i32
      %mul3A_43 = arith.muli %add3A_41, %mul3A_42 : i32
      %add3A_44 = arith.addi %mul3A_4, %mul3A_43 : i32
      %dma_wait3A = arith.constant 0 : i32
      %dma_wait3A_45 = tpu.memref_slice %arg7[%add3A_41, %dma_wait3A] : memref<40x128xi32, #tpu.memory_space<vmem>> -> memref<1x128xi32, #tpu.memory_space<vmem>>
      %dma_wait3A_46 = tpu.memref_squeeze %dma_wait3A_45 : memref<1x128xi32, #tpu.memory_space<vmem>> -> memref<128xi32, #tpu.memory_space<vmem>>
      %dma_wait3A_47 = arith.constant 0 : i32
      %dma_wait3A_48 = arith.constant 0 : i32
      %dma_wait3A_49 = tpu.memref_slice %arg2[%dma_wait3A_47, %dma_wait3A_48] : memref<10240x128xf32, #tpu.memory_space<hbm>> -> memref<10240x128xf32, #tpu.memory_space<hbm>>
      tpu.wait_indirect_dma semaphore(%arg13 : memref<!tpu.dma_semaphore, #tpu.memory_space<semaphore_mem>>) src(%dma_wait3A_49 : memref<10240x128xf32, #tpu.memory_space<hbm>>) dst(%arg9 : memref<128x128xf32, #tpu.memory_space<vmem>>)
      %dma_start3A_50 = arith.constant 0 : i32
      %dma_start3A_51 = tpu.memref_slice %arg5[%add3A_44, %dma_start3A_50] : memref<163840x128xf32, #tpu.memory_space<hbm>> -> memref<128x128xf32, #tpu.memory_space<hbm>>
      %dma_start3A_52 = arith.constant 0 : i32
      %dma_start3A_53 = tpu.memref_slice %arg5[%add3A_44, %dma_start3A_52] : memref<163840x128xf32, #tpu.memory_space<hbm>> -> memref<128x128xf32, #tpu.memory_space<hbm>>
      tpu.enqueue_dma source(%arg9 : memref<128x128xf32, #tpu.memory_space<vmem>>) target(%dma_start3A_53 : memref<128x128xf32, #tpu.memory_space<hbm>>) target_semaphore(%arg17 : memref<!tpu.dma_semaphore, #tpu.memory_space<semaphore_mem>>)
      %dma_wait3A_54 = arith.constant 0 : i32
      %dma_wait3A_55 = tpu.memref_slice %arg8[%add3A_41, %dma_wait3A_54] : memref<40x128xi32, #tpu.memory_space<vmem>> -> memref<1x128xi32, #tpu.memory_space<vmem>>
      %dma_wait3A_56 = tpu.memref_squeeze %dma_wait3A_55 : memref<1x128xi32, #tpu.memory_space<vmem>> -> memref<128xi32, #tpu.memory_space<vmem>>
      %dma_wait3A_57 = arith.constant 0 : i32
      %dma_wait3A_58 = arith.constant 0 : i32
      %dma_wait3A_59 = tpu.memref_slice %arg2[%dma_wait3A_57, %dma_wait3A_58] : memref<10240x128xf32, #tpu.memory_space<hbm>> -> memref<10240x128xf32, #tpu.memory_space<hbm>>
      tpu.wait_indirect_dma semaphore(%arg15 : memref<!tpu.dma_semaphore, #tpu.memory_space<semaphore_mem>>) src(%dma_wait3A_59 : memref<10240x128xf32, #tpu.memory_space<hbm>>) dst(%arg11 : memref<128x128xf32, #tpu.memory_space<vmem>>)
      %dma_start3A_60 = arith.constant 0 : i32
      %dma_start3A_61 = tpu.memref_slice %arg6[%add3A_44, %dma_start3A_60] : memref<163840x128xf32, #tpu.memory_space<hbm>> -> memref<128x128xf32, #tpu.memory_space<hbm>>
      %dma_start3A_62 = arith.constant 0 : i32
      %dma_start3A_63 = tpu.memref_slice %arg6[%add3A_44, %dma_start3A_62] : memref<163840x128xf32, #tpu.memory_space<hbm>> -> memref<128x128xf32, #tpu.memory_space<hbm>>
      tpu.enqueue_dma source(%arg11 : memref<128x128xf32, #tpu.memory_space<vmem>>) target(%dma_start3A_63 : memref<128x128xf32, #tpu.memory_space<hbm>>) target_semaphore(%arg19 : memref<!tpu.dma_semaphore, #tpu.memory_space<semaphore_mem>>)
      %dma_wait3A_64 = arith.constant 0 : i32
      %dma_wait3A_65 = tpu.memref_slice %arg5[%add3A_44, %dma_wait3A_64] : memref<163840x128xf32, #tpu.memory_space<hbm>> -> memref<128x128xf32, #tpu.memory_space<hbm>>
      %dma_wait3A_66 = arith.constant 0 : i32
      %dma_wait3A_67 = tpu.memref_slice %arg5[%add3A_44, %dma_wait3A_66] : memref<163840x128xf32, #tpu.memory_space<hbm>> -> memref<128x128xf32, #tpu.memory_space<hbm>>
      tpu.wait_dma2 semaphore(%arg17 : memref<!tpu.dma_semaphore, #tpu.memory_space<semaphore_mem>>) src(%arg9 : memref<128x128xf32, #tpu.memory_space<vmem>>) dst(%dma_wait3A_67 : memref<128x128xf32, #tpu.memory_space<hbm>>)
      %dma_wait3A_68 = arith.constant 0 : i32
      %dma_wait3A_69 = tpu.memref_slice %arg6[%add3A_44, %dma_wait3A_68] : memref<163840x128xf32, #tpu.memory_space<hbm>> -> memref<128x128xf32, #tpu.memory_space<hbm>>
      %dma_wait3A_70 = arith.constant 0 : i32
      %dma_wait3A_71 = tpu.memref_slice %arg6[%add3A_44, %dma_wait3A_70] : memref<163840x128xf32, #tpu.memory_space<hbm>> -> memref<128x128xf32, #tpu.memory_space<hbm>>
      tpu.wait_dma2 semaphore(%arg19 : memref<!tpu.dma_semaphore, #tpu.memory_space<semaphore_mem>>) src(%arg11 : memref<128x128xf32, #tpu.memory_space<vmem>>) dst(%dma_wait3A_71 : memref<128x128xf32, #tpu.memory_space<hbm>>)
      %add3A_72 = arith.constant 2 : i32
      %add3A_73 = arith.addi %add3A_41, %add3A_72 : i32
      %lt3A = arith.constant 40 : i32
      %lt3A_74 = arith.cmpi slt, %add3A_73, %lt3A : i32
      %convert_element_type3A = arith.extui %lt3A_74 : i1 to i32
      %cond3A = arith.constant 0 : i32
      %cond3A_75 = arith.cmpi ne, %convert_element_type3A, %cond3A : i32
      scf.if %cond3A_75 {
        %add3A_118 = arith.constant 2 : i32
        %add3A_119 = arith.addi %add3A_41, %add3A_118 : i32
        %dma_start3A_120 = arith.constant 0 : i32
        %dma_start3A_121 = tpu.memref_slice %arg7[%add3A_119, %dma_start3A_120] : memref<40x128xi32, #tpu.memory_space<vmem>> -> memref<1x128xi32, #tpu.memory_space<vmem>>
        %dma_start3A_122 = tpu.memref_squeeze %dma_start3A_121 : memref<1x128xi32, #tpu.memory_space<vmem>> -> memref<128xi32, #tpu.memory_space<vmem>>
        %dma_start3A_123 = arith.constant 0 : i32
        %dma_start3A_124 = arith.constant 0 : i32
        %dma_start3A_125 = tpu.memref_slice %arg2[%dma_start3A_123, %dma_start3A_124] : memref<10240x128xf32, #tpu.memory_space<hbm>> -> memref<10240x128xf32, #tpu.memory_space<hbm>>
        tpu.enqueue_indirect_dma source(%dma_start3A_125 : memref<10240x128xf32, #tpu.memory_space<hbm>>) target(%arg9 : memref<128x128xf32, #tpu.memory_space<vmem>>) offsets(%dma_start3A_122 : memref<128xi32, #tpu.memory_space<vmem>>) semaphore(%arg13 : memref<!tpu.dma_semaphore, #tpu.memory_space<semaphore_mem>>)
        %add3A_126 = arith.constant 2 : i32
        %add3A_127 = arith.addi %add3A_41, %add3A_126 : i32
        %dma_start3A_128 = arith.constant 0 : i32
        %dma_start3A_129 = tpu.memref_slice %arg8[%add3A_127, %dma_start3A_128] : memref<40x128xi32, #tpu.memory_space<vmem>> -> memref<1x128xi32, #tpu.memory_space<vmem>>
        %dma_start3A_130 = tpu.memref_squeeze %dma_start3A_129 : memref<1x128xi32, #tpu.memory_space<vmem>> -> memref<128xi32, #tpu.memory_space<vmem>>
        %dma_start3A_131 = arith.constant 0 : i32
        %dma_start3A_132 = arith.constant 0 : i32
        %dma_start3A_133 = tpu.memref_slice %arg2[%dma_start3A_131, %dma_start3A_132] : memref<10240x128xf32, #tpu.memory_space<hbm>> -> memref<10240x128xf32, #tpu.memory_space<hbm>>
        tpu.enqueue_indirect_dma source(%dma_start3A_133 : memref<10240x128xf32, #tpu.memory_space<hbm>>) target(%arg11 : memref<128x128xf32, #tpu.memory_space<vmem>>) offsets(%dma_start3A_130 : memref<128xi32, #tpu.memory_space<vmem>>) semaphore(%arg15 : memref<!tpu.dma_semaphore, #tpu.memory_space<semaphore_mem>>)
      } else {
      }
      %mul3A_76 = arith.constant 2 : i32
      %mul3A_77 = arith.muli %scan3A_37, %mul3A_76 : i32
      %add3A_78 = arith.constant 1 : i32
      %add3A_79 = arith.addi %mul3A_77, %add3A_78 : i32
      %mul3A_80 = arith.constant 128 : i32
      %mul3A_81 = arith.muli %add3A_79, %mul3A_80 : i32
      %add3A_82 = arith.addi %mul3A_4, %mul3A_81 : i32
      %dma_wait3A_83 = arith.constant 0 : i32
      %dma_wait3A_84 = tpu.memref_slice %arg7[%add3A_79, %dma_wait3A_83] : memref<40x128xi32, #tpu.memory_space<vmem>> -> memref<1x128xi32, #tpu.memory_space<vmem>>
      %dma_wait3A_85 = tpu.memref_squeeze %dma_wait3A_84 : memref<1x128xi32, #tpu.memory_space<vmem>> -> memref<128xi32, #tpu.memory_space<vmem>>
      %dma_wait3A_86 = arith.constant 0 : i32
      %dma_wait3A_87 = arith.constant 0 : i32
      %dma_wait3A_88 = tpu.memref_slice %arg2[%dma_wait3A_86, %dma_wait3A_87] : memref<10240x128xf32, #tpu.memory_space<hbm>> -> memref<10240x128xf32, #tpu.memory_space<hbm>>
      tpu.wait_indirect_dma semaphore(%arg14 : memref<!tpu.dma_semaphore, #tpu.memory_space<semaphore_mem>>) src(%dma_wait3A_88 : memref<10240x128xf32, #tpu.memory_space<hbm>>) dst(%arg10 : memref<128x128xf32, #tpu.memory_space<vmem>>)
      %dma_start3A_89 = arith.constant 0 : i32
      %dma_start3A_90 = tpu.memref_slice %arg5[%add3A_82, %dma_start3A_89] : memref<163840x128xf32, #tpu.memory_space<hbm>> -> memref<128x128xf32, #tpu.memory_space<hbm>>
      %dma_start3A_91 = arith.constant 0 : i32
      %dma_start3A_92 = tpu.memref_slice %arg5[%add3A_82, %dma_start3A_91] : memref<163840x128xf32, #tpu.memory_space<hbm>> -> memref<128x128xf32, #tpu.memory_space<hbm>>
      tpu.enqueue_dma source(%arg10 : memref<128x128xf32, #tpu.memory_space<vmem>>) target(%dma_start3A_92 : memref<128x128xf32, #tpu.memory_space<hbm>>) target_semaphore(%arg18 : memref<!tpu.dma_semaphore, #tpu.memory_space<semaphore_mem>>)
      %dma_wait3A_93 = arith.constant 0 : i32
      %dma_wait3A_94 = tpu.memref_slice %arg8[%add3A_79, %dma_wait3A_93] : memref<40x128xi32, #tpu.memory_space<vmem>> -> memref<1x128xi32, #tpu.memory_space<vmem>>
      %dma_wait3A_95 = tpu.memref_squeeze %dma_wait3A_94 : memref<1x128xi32, #tpu.memory_space<vmem>> -> memref<128xi32, #tpu.memory_space<vmem>>
      %dma_wait3A_96 = arith.constant 0 : i32
      %dma_wait3A_97 = arith.constant 0 : i32
      %dma_wait3A_98 = tpu.memref_slice %arg2[%dma_wait3A_96, %dma_wait3A_97] : memref<10240x128xf32, #tpu.memory_space<hbm>> -> memref<10240x128xf32, #tpu.memory_space<hbm>>
      tpu.wait_indirect_dma semaphore(%arg16 : memref<!tpu.dma_semaphore, #tpu.memory_space<semaphore_mem>>) src(%dma_wait3A_98 : memref<10240x128xf32, #tpu.memory_space<hbm>>) dst(%arg12 : memref<128x128xf32, #tpu.memory_space<vmem>>)
      %dma_start3A_99 = arith.constant 0 : i32
      %dma_start3A_100 = tpu.memref_slice %arg6[%add3A_82, %dma_start3A_99] : memref<163840x128xf32, #tpu.memory_space<hbm>> -> memref<128x128xf32, #tpu.memory_space<hbm>>
      %dma_start3A_101 = arith.constant 0 : i32
      %dma_start3A_102 = tpu.memref_slice %arg6[%add3A_82, %dma_start3A_101] : memref<163840x128xf32, #tpu.memory_space<hbm>> -> memref<128x128xf32, #tpu.memory_space<hbm>>
      tpu.enqueue_dma source(%arg12 : memref<128x128xf32, #tpu.memory_space<vmem>>) target(%dma_start3A_102 : memref<128x128xf32, #tpu.memory_space<hbm>>) target_semaphore(%arg20 : memref<!tpu.dma_semaphore, #tpu.memory_space<semaphore_mem>>)
      %dma_wait3A_103 = arith.constant 0 : i32
      %dma_wait3A_104 = tpu.memref_slice %arg5[%add3A_82, %dma_wait3A_103] : memref<163840x128xf32, #tpu.memory_space<hbm>> -> memref<128x128xf32, #tpu.memory_space<hbm>>
      %dma_wait3A_105 = arith.constant 0 : i32
      %dma_wait3A_106 = tpu.memref_slice %arg5[%add3A_82, %dma_wait3A_105] : memref<163840x128xf32, #tpu.memory_space<hbm>> -> memref<128x128xf32, #tpu.memory_space<hbm>>
      tpu.wait_dma2 semaphore(%arg18 : memref<!tpu.dma_semaphore, #tpu.memory_space<semaphore_mem>>) src(%arg10 : memref<128x128xf32, #tpu.memory_space<vmem>>) dst(%dma_wait3A_106 : memref<128x128xf32, #tpu.memory_space<hbm>>)
      %dma_wait3A_107 = arith.constant 0 : i32
      %dma_wait3A_108 = tpu.memref_slice %arg6[%add3A_82, %dma_wait3A_107] : memref<163840x128xf32, #tpu.memory_space<hbm>> -> memref<128x128xf32, #tpu.memory_space<hbm>>
      %dma_wait3A_109 = arith.constant 0 : i32
      %dma_wait3A_110 = tpu.memref_slice %arg6[%add3A_82, %dma_wait3A_109] : memref<163840x128xf32, #tpu.memory_space<hbm>> -> memref<128x128xf32, #tpu.memory_space<hbm>>
      tpu.wait_dma2 semaphore(%arg20 : memref<!tpu.dma_semaphore, #tpu.memory_space<semaphore_mem>>) src(%arg12 : memref<128x128xf32, #tpu.memory_space<vmem>>) dst(%dma_wait3A_110 : memref<128x128xf32, #tpu.memory_space<hbm>>)
      %add3A_111 = arith.constant 2 : i32
      %add3A_112 = arith.addi %add3A_79, %add3A_111 : i32
      %lt3A_113 = arith.constant 40 : i32
      %lt3A_114 = arith.cmpi slt, %add3A_112, %lt3A_113 : i32
      %convert_element_type3A_115 = arith.extui %lt3A_114 : i1 to i32
      %cond3A_116 = arith.constant 0 : i32
      %cond3A_117 = arith.cmpi ne, %convert_element_type3A_115, %cond3A_116 : i32
      scf.if %cond3A_117 {
        %add3A_118 = arith.constant 2 : i32
        %add3A_119 = arith.addi %add3A_79, %add3A_118 : i32
        %dma_start3A_120 = arith.constant 0 : i32
        %dma_start3A_121 = tpu.memref_slice %arg7[%add3A_119, %dma_start3A_120] : memref<40x128xi32, #tpu.memory_space<vmem>> -> memref<1x128xi32, #tpu.memory_space<vmem>>
        %dma_start3A_122 = tpu.memref_squeeze %dma_start3A_121 : memref<1x128xi32, #tpu.memory_space<vmem>> -> memref<128xi32, #tpu.memory_space<vmem>>
        %dma_start3A_123 = arith.constant 0 : i32
        %dma_start3A_124 = arith.constant 0 : i32
        %dma_start3A_125 = tpu.memref_slice %arg2[%dma_start3A_123, %dma_start3A_124] : memref<10240x128xf32, #tpu.memory_space<hbm>> -> memref<10240x128xf32, #tpu.memory_space<hbm>>
        tpu.enqueue_indirect_dma source(%dma_start3A_125 : memref<10240x128xf32, #tpu.memory_space<hbm>>) target(%arg10 : memref<128x128xf32, #tpu.memory_space<vmem>>) offsets(%dma_start3A_122 : memref<128xi32, #tpu.memory_space<vmem>>) semaphore(%arg14 : memref<!tpu.dma_semaphore, #tpu.memory_space<semaphore_mem>>)
        %add3A_126 = arith.constant 2 : i32
        %add3A_127 = arith.addi %add3A_79, %add3A_126 : i32
        %dma_start3A_128 = arith.constant 0 : i32
        %dma_start3A_129 = tpu.memref_slice %arg8[%add3A_127, %dma_start3A_128] : memref<40x128xi32, #tpu.memory_space<vmem>> -> memref<1x128xi32, #tpu.memory_space<vmem>>
        %dma_start3A_130 = tpu.memref_squeeze %dma_start3A_129 : memref<1x128xi32, #tpu.memory_space<vmem>> -> memref<128xi32, #tpu.memory_space<vmem>>
        %dma_start3A_131 = arith.constant 0 : i32
        %dma_start3A_132 = arith.constant 0 : i32
        %dma_start3A_133 = tpu.memref_slice %arg2[%dma_start3A_131, %dma_start3A_132] : memref<10240x128xf32, #tpu.memory_space<hbm>> -> memref<10240x128xf32, #tpu.memory_space<hbm>>
        tpu.enqueue_indirect_dma source(%dma_start3A_133 : memref<10240x128xf32, #tpu.memory_space<hbm>>) target(%arg12 : memref<128x128xf32, #tpu.memory_space<vmem>>) offsets(%dma_start3A_130 : memref<128xi32, #tpu.memory_space<vmem>>) semaphore(%arg16 : memref<!tpu.dma_semaphore, #tpu.memory_space<semaphore_mem>>)
      } else {
      }
    }
    %scan3A_36 = arith.constant 20 : i32
    return
  }
}

#map = affine_map<(d0, d1) -> (0, 0)>
module attributes {stable_mosaic.version = 14 : i64} {
  func.func @sc_agg(%arg0: i32, %arg1: i32, %arg2: memref<10000x128xf32, #tpu.memory_space<hbm>>, %arg3: memref<1280x128xi32, #tpu.memory_space<hbm>>, %arg4: memref<1280x128xi32, #tpu.memory_space<hbm>>, %arg5: memref<10000x128xf32, #tpu.memory_space<hbm>>, %arg6: memref<20000x128xf32, #tpu.memory_space<hbm>>, %arg7: memref<10128x128xf32, #tpu.memory_space<vmem_shared>>, %arg8: memref<40x128xi32, #tpu.memory_space<vmem>>, %arg9: memref<40x128xi32, #tpu.memory_space<vmem>>, %arg10: memref<128x128xf32, #tpu.memory_space<vmem>>, %arg11: memref<128x128xf32, #tpu.memory_space<vmem>>, %arg12: memref<!tpu.dma_semaphore, #tpu.memory_space<semaphore_mem>>, %arg13: memref<!tpu.dma_semaphore, #tpu.memory_space<semaphore_mem>>, %arg14: memref<!tpu.dma_semaphore, #tpu.memory_space<semaphore_mem>>, %arg15: memref<!tpu.dma_semaphore, #tpu.memory_space<semaphore_mem>>) attributes {dimension_semantics = [#tpu.dimension_semantics<core_parallel>, #tpu.dimension_semantics<subcore_parallel>], iteration_bounds = array<i64: 2, 16>, scalar_prefetch = 0 : i64, scratch_operands = 9 : i64, tpu.core_type = #tpu.core_type<sc_vector_subcore>, window_params = [{transform_indices = #map}, {transform_indices = #map}, {transform_indices = #map}, {transform_indices = #map}, {transform_indices = #map}]} {
    %mul3A = arith.constant 2 : i32
    %mul3A_0 = arith.muli %arg1, %mul3A : i32
    %add3A = arith.addi %mul3A_0, %arg0 : i32
    %mul3A_1 = arith.constant 40 : i32
    %mul3A_2 = arith.muli %add3A, %mul3A_1 : i32
    "tpu.region"() ({
      %run_scoped3A = tpu.sem_alloc : memref<!tpu.dma_semaphore, #tpu.memory_space<semaphore_mem>>
      %dma_start3A_38 = arith.constant 0 : i32
      %dma_start3A_39 = tpu.memref_slice %arg3[%mul3A_2, %dma_start3A_38] : memref<1280x128xi32, #tpu.memory_space<hbm>> -> memref<40x128xi32, #tpu.memory_space<hbm>>
      %dma_start3A_40 = arith.constant 0 : i32
      %dma_start3A_41 = tpu.memref_slice %arg3[%mul3A_2, %dma_start3A_40] : memref<1280x128xi32, #tpu.memory_space<hbm>> -> memref<40x128xi32, #tpu.memory_space<hbm>>
      tpu.enqueue_dma source(%dma_start3A_41 : memref<40x128xi32, #tpu.memory_space<hbm>>) target(%arg8 : memref<40x128xi32, #tpu.memory_space<vmem>>) target_semaphore(%run_scoped3A : memref<!tpu.dma_semaphore, #tpu.memory_space<semaphore_mem>>)
      %dma_wait3A = arith.constant 0 : i32
      %dma_wait3A_42 = tpu.memref_slice %arg3[%mul3A_2, %dma_wait3A] : memref<1280x128xi32, #tpu.memory_space<hbm>> -> memref<40x128xi32, #tpu.memory_space<hbm>>
      %dma_wait3A_43 = arith.constant 0 : i32
      %dma_wait3A_44 = tpu.memref_slice %arg3[%mul3A_2, %dma_wait3A_43] : memref<1280x128xi32, #tpu.memory_space<hbm>> -> memref<40x128xi32, #tpu.memory_space<hbm>>
      tpu.wait_dma2 semaphore(%run_scoped3A : memref<!tpu.dma_semaphore, #tpu.memory_space<semaphore_mem>>) src(%dma_wait3A_44 : memref<40x128xi32, #tpu.memory_space<hbm>>) dst(%arg8 : memref<40x128xi32, #tpu.memory_space<vmem>>)
      tpu.yield
    }) : () -> ()
    "tpu.region"() ({
      %run_scoped3A = tpu.sem_alloc : memref<!tpu.dma_semaphore, #tpu.memory_space<semaphore_mem>>
      %dma_start3A_38 = arith.constant 0 : i32
      %dma_start3A_39 = tpu.memref_slice %arg4[%mul3A_2, %dma_start3A_38] : memref<1280x128xi32, #tpu.memory_space<hbm>> -> memref<40x128xi32, #tpu.memory_space<hbm>>
      %dma_start3A_40 = arith.constant 0 : i32
      %dma_start3A_41 = tpu.memref_slice %arg4[%mul3A_2, %dma_start3A_40] : memref<1280x128xi32, #tpu.memory_space<hbm>> -> memref<40x128xi32, #tpu.memory_space<hbm>>
      tpu.enqueue_dma source(%dma_start3A_41 : memref<40x128xi32, #tpu.memory_space<hbm>>) target(%arg9 : memref<40x128xi32, #tpu.memory_space<vmem>>) target_semaphore(%run_scoped3A : memref<!tpu.dma_semaphore, #tpu.memory_space<semaphore_mem>>)
      %dma_wait3A = arith.constant 0 : i32
      %dma_wait3A_42 = tpu.memref_slice %arg4[%mul3A_2, %dma_wait3A] : memref<1280x128xi32, #tpu.memory_space<hbm>> -> memref<40x128xi32, #tpu.memory_space<hbm>>
      %dma_wait3A_43 = arith.constant 0 : i32
      %dma_wait3A_44 = tpu.memref_slice %arg4[%mul3A_2, %dma_wait3A_43] : memref<1280x128xi32, #tpu.memory_space<hbm>> -> memref<40x128xi32, #tpu.memory_space<hbm>>
      tpu.wait_dma2 semaphore(%run_scoped3A : memref<!tpu.dma_semaphore, #tpu.memory_space<semaphore_mem>>) src(%dma_wait3A_44 : memref<40x128xi32, #tpu.memory_space<hbm>>) dst(%arg9 : memref<40x128xi32, #tpu.memory_space<vmem>>)
      tpu.yield
    }) : () -> ()
    %lt3A = arith.constant 15 : i32
    %lt3A_3 = arith.cmpi slt, %arg1, %lt3A : i32
    %convert_element_type3A = arith.extui %lt3A_3 : i1 to i32
    %cond3A = arith.constant 0 : i32
    %cond3A_4 = arith.cmpi ne, %convert_element_type3A, %cond3A : i32
    scf.if %cond3A_4 {
      %mul3A_38 = arith.constant 632 : i32
      %mul3A_39 = arith.muli %arg1, %mul3A_38 : i32
      %mul3A_40 = arith.constant 632 : i32
      %mul3A_41 = arith.muli %arg1, %mul3A_40 : i32
      "tpu.region"() ({
        %run_scoped3A = tpu.sem_alloc : memref<!tpu.dma_semaphore, #tpu.memory_space<semaphore_mem>>
        %dma_start3A_42 = arith.constant 0 : i32
        %dma_start3A_43 = tpu.memref_slice %arg7[%mul3A_41, %dma_start3A_42] : memref<10128x128xf32, #tpu.memory_space<vmem_shared>> -> memref<632x128xf32, #tpu.memory_space<vmem_shared>>
        %dma_start3A_44 = arith.constant 0 : i32
        %dma_start3A_45 = tpu.memref_slice %arg5[%mul3A_39, %dma_start3A_44] : memref<10000x128xf32, #tpu.memory_space<hbm>> -> memref<632x128xf32, #tpu.memory_space<hbm>>
        tpu.enqueue_dma source(%dma_start3A_45 : memref<632x128xf32, #tpu.memory_space<hbm>>) target(%dma_start3A_43 : memref<632x128xf32, #tpu.memory_space<vmem_shared>>) target_semaphore(%run_scoped3A : memref<!tpu.dma_semaphore, #tpu.memory_space<semaphore_mem>>)
        %dma_wait3A = arith.constant 0 : i32
        %dma_wait3A_46 = tpu.memref_slice %arg7[%mul3A_41, %dma_wait3A] : memref<10128x128xf32, #tpu.memory_space<vmem_shared>> -> memref<632x128xf32, #tpu.memory_space<vmem_shared>>
        %dma_wait3A_47 = arith.constant 0 : i32
        %dma_wait3A_48 = tpu.memref_slice %arg5[%mul3A_39, %dma_wait3A_47] : memref<10000x128xf32, #tpu.memory_space<hbm>> -> memref<632x128xf32, #tpu.memory_space<hbm>>
        tpu.wait_dma2 semaphore(%run_scoped3A : memref<!tpu.dma_semaphore, #tpu.memory_space<semaphore_mem>>) src(%dma_wait3A_48 : memref<632x128xf32, #tpu.memory_space<hbm>>) dst(%dma_wait3A_46 : memref<632x128xf32, #tpu.memory_space<vmem_shared>>)
        tpu.yield
      }) : () -> ()
    } else {
    }
    %eq3A = arith.constant 15 : i32
    %eq3A_5 = arith.cmpi eq, %arg1, %eq3A : i32
    %convert_element_type3A_6 = arith.extui %eq3A_5 : i1 to i32
    %cond3A_7 = arith.constant 0 : i32
    %cond3A_8 = arith.cmpi ne, %convert_element_type3A_6, %cond3A_7 : i32
    scf.if %cond3A_8 {
      "tpu.region"() ({
        %run_scoped3A = tpu.sem_alloc : memref<!tpu.dma_semaphore, #tpu.memory_space<semaphore_mem>>
        %dma_start3A_38 = arith.constant 9480 : i32
        %dma_start3A_39 = arith.constant 0 : i32
        %dma_start3A_40 = tpu.memref_slice %arg7[%dma_start3A_38, %dma_start3A_39] : memref<10128x128xf32, #tpu.memory_space<vmem_shared>> -> memref<520x128xf32, #tpu.memory_space<vmem_shared>>
        %dma_start3A_41 = arith.constant 9480 : i32
        %dma_start3A_42 = arith.constant 0 : i32
        %dma_start3A_43 = tpu.memref_slice %arg5[%dma_start3A_41, %dma_start3A_42] : memref<10000x128xf32, #tpu.memory_space<hbm>> -> memref<520x128xf32, #tpu.memory_space<hbm>>
        tpu.enqueue_dma source(%dma_start3A_43 : memref<520x128xf32, #tpu.memory_space<hbm>>) target(%dma_start3A_40 : memref<520x128xf32, #tpu.memory_space<vmem_shared>>) target_semaphore(%run_scoped3A : memref<!tpu.dma_semaphore, #tpu.memory_space<semaphore_mem>>)
        %dma_wait3A = arith.constant 9480 : i32
        %dma_wait3A_44 = arith.constant 0 : i32
        %dma_wait3A_45 = tpu.memref_slice %arg7[%dma_wait3A, %dma_wait3A_44] : memref<10128x128xf32, #tpu.memory_space<vmem_shared>> -> memref<520x128xf32, #tpu.memory_space<vmem_shared>>
        %dma_wait3A_46 = arith.constant 9480 : i32
        %dma_wait3A_47 = arith.constant 0 : i32
        %dma_wait3A_48 = tpu.memref_slice %arg5[%dma_wait3A_46, %dma_wait3A_47] : memref<10000x128xf32, #tpu.memory_space<hbm>> -> memref<520x128xf32, #tpu.memory_space<hbm>>
        tpu.wait_dma2 semaphore(%run_scoped3A : memref<!tpu.dma_semaphore, #tpu.memory_space<semaphore_mem>>) src(%dma_wait3A_48 : memref<520x128xf32, #tpu.memory_space<hbm>>) dst(%dma_wait3A_45 : memref<520x128xf32, #tpu.memory_space<vmem_shared>>)
        tpu.yield
      }) : () -> ()
    } else {
    }
    %barrier3A = arith.constant 0 : index
    tpu.barrier barrier_id(%barrier3A)
    %dma_start3A = arith.constant 0 : i32
    %dma_start3A_9 = arith.constant 0 : i32
    %dma_start3A_10 = tpu.memref_slice %arg8[%dma_start3A, %dma_start3A_9] : memref<40x128xi32, #tpu.memory_space<vmem>> -> memref<1x128xi32, #tpu.memory_space<vmem>>
    %dma_start3A_11 = tpu.memref_squeeze %dma_start3A_10 : memref<1x128xi32, #tpu.memory_space<vmem>> -> memref<128xi32, #tpu.memory_space<vmem>>
    %dma_start3A_12 = arith.constant 0 : i32
    %dma_start3A_13 = arith.constant 0 : i32
    %dma_start3A_14 = tpu.memref_slice %arg2[%dma_start3A_12, %dma_start3A_13] : memref<10000x128xf32, #tpu.memory_space<hbm>> -> memref<10000x128xf32, #tpu.memory_space<hbm>>
    tpu.enqueue_indirect_dma source(%dma_start3A_14 : memref<10000x128xf32, #tpu.memory_space<hbm>>) target(%arg10 : memref<128x128xf32, #tpu.memory_space<vmem>>) offsets(%dma_start3A_11 : memref<128xi32, #tpu.memory_space<vmem>>) semaphore(%arg12 : memref<!tpu.dma_semaphore, #tpu.memory_space<semaphore_mem>>)
    %dma_start3A_15 = arith.constant 1 : i32
    %dma_start3A_16 = arith.constant 0 : i32
    %dma_start3A_17 = tpu.memref_slice %arg8[%dma_start3A_15, %dma_start3A_16] : memref<40x128xi32, #tpu.memory_space<vmem>> -> memref<1x128xi32, #tpu.memory_space<vmem>>
    %dma_start3A_18 = tpu.memref_squeeze %dma_start3A_17 : memref<1x128xi32, #tpu.memory_space<vmem>> -> memref<128xi32, #tpu.memory_space<vmem>>
    %dma_start3A_19 = arith.constant 0 : i32
    %dma_start3A_20 = arith.constant 0 : i32
    %dma_start3A_21 = tpu.memref_slice %arg2[%dma_start3A_19, %dma_start3A_20] : memref<10000x128xf32, #tpu.memory_space<hbm>> -> memref<10000x128xf32, #tpu.memory_space<hbm>>
    tpu.enqueue_indirect_dma source(%dma_start3A_21 : memref<10000x128xf32, #tpu.memory_space<hbm>>) target(%arg11 : memref<128x128xf32, #tpu.memory_space<vmem>>) offsets(%dma_start3A_18 : memref<128xi32, #tpu.memory_space<vmem>>) semaphore(%arg13 : memref<!tpu.dma_semaphore, #tpu.memory_space<semaphore_mem>>)
    %scan3A = arith.constant 0 : i32
    %scan3A_22 = arith.constant 0 : i32
    %scan3A_23 = arith.constant 20 : i32
    %scan3A_24 = arith.addi %scan3A_22, %scan3A_23 : i32
    %scan3A_25 = arith.constant 1 : i32
    scf.for %scan3A_38 = %scan3A_22 to %scan3A_24 step %scan3A_25  : i32 {
      %mul3A_39 = arith.constant 2 : i32
      %mul3A_40 = arith.muli %scan3A_38, %mul3A_39 : i32
      %add3A_41 = arith.constant 0 : i32
      %add3A_42 = arith.addi %mul3A_40, %add3A_41 : i32
      %dma_wait3A = arith.constant 0 : i32
      %dma_wait3A_43 = tpu.memref_slice %arg8[%add3A_42, %dma_wait3A] : memref<40x128xi32, #tpu.memory_space<vmem>> -> memref<1x128xi32, #tpu.memory_space<vmem>>
      %dma_wait3A_44 = tpu.memref_squeeze %dma_wait3A_43 : memref<1x128xi32, #tpu.memory_space<vmem>> -> memref<128xi32, #tpu.memory_space<vmem>>
      %dma_wait3A_45 = arith.constant 0 : i32
      %dma_wait3A_46 = arith.constant 0 : i32
      %dma_wait3A_47 = tpu.memref_slice %arg2[%dma_wait3A_45, %dma_wait3A_46] : memref<10000x128xf32, #tpu.memory_space<hbm>> -> memref<10000x128xf32, #tpu.memory_space<hbm>>
      tpu.wait_indirect_dma semaphore(%arg12 : memref<!tpu.dma_semaphore, #tpu.memory_space<semaphore_mem>>) src(%dma_wait3A_47 : memref<10000x128xf32, #tpu.memory_space<hbm>>) dst(%arg10 : memref<128x128xf32, #tpu.memory_space<vmem>>)
      %dma_start3A_48 = arith.constant 0 : i32
      %dma_start3A_49 = tpu.memref_slice %arg9[%add3A_42, %dma_start3A_48] : memref<40x128xi32, #tpu.memory_space<vmem>> -> memref<1x128xi32, #tpu.memory_space<vmem>>
      %dma_start3A_50 = tpu.memref_squeeze %dma_start3A_49 : memref<1x128xi32, #tpu.memory_space<vmem>> -> memref<128xi32, #tpu.memory_space<vmem>>
      %dma_start3A_51 = arith.constant 0 : i32
      %dma_start3A_52 = arith.constant 0 : i32
      %dma_start3A_53 = tpu.memref_slice %arg7[%dma_start3A_51, %dma_start3A_52] : memref<10128x128xf32, #tpu.memory_space<vmem_shared>> -> memref<10128x128xf32, #tpu.memory_space<vmem_shared>>
      tpu.enqueue_indirect_dma source(%arg10 : memref<128x128xf32, #tpu.memory_space<vmem>>) target(%dma_start3A_53 : memref<10128x128xf32, #tpu.memory_space<vmem_shared>>) offsets(%dma_start3A_50 : memref<128xi32, #tpu.memory_space<vmem>>) semaphore(%arg14 : memref<!tpu.dma_semaphore, #tpu.memory_space<semaphore_mem>>) {add = true}
      %dma_wait3A_54 = arith.constant 0 : i32
      %dma_wait3A_55 = arith.constant 0 : i32
      %dma_wait3A_56 = tpu.memref_slice %arg7[%dma_wait3A_54, %dma_wait3A_55] : memref<10128x128xf32, #tpu.memory_space<vmem_shared>> -> memref<128x128xf32, #tpu.memory_space<vmem_shared>>
      %dma_wait3A_57 = arith.constant 0 : i32
      %dma_wait3A_58 = arith.constant 0 : i32
      %dma_wait3A_59 = tpu.memref_slice %arg7[%dma_wait3A_57, %dma_wait3A_58] : memref<10128x128xf32, #tpu.memory_space<vmem_shared>> -> memref<128x128xf32, #tpu.memory_space<vmem_shared>>
      tpu.wait_dma2 semaphore(%arg14 : memref<!tpu.dma_semaphore, #tpu.memory_space<semaphore_mem>>) src(%arg10 : memref<128x128xf32, #tpu.memory_space<vmem>>) dst(%dma_wait3A_59 : memref<128x128xf32, #tpu.memory_space<vmem_shared>>)
      %add3A_60 = arith.constant 2 : i32
      %add3A_61 = arith.addi %add3A_42, %add3A_60 : i32
      %lt3A_62 = arith.constant 40 : i32
      %lt3A_63 = arith.cmpi slt, %add3A_61, %lt3A_62 : i32
      %convert_element_type3A_64 = arith.extui %lt3A_63 : i1 to i32
      %cond3A_65 = arith.constant 0 : i32
      %cond3A_66 = arith.cmpi ne, %convert_element_type3A_64, %cond3A_65 : i32
      scf.if %cond3A_66 {
        %add3A_96 = arith.constant 2 : i32
        %add3A_97 = arith.addi %add3A_42, %add3A_96 : i32
        %dma_start3A_98 = arith.constant 0 : i32
        %dma_start3A_99 = tpu.memref_slice %arg8[%add3A_97, %dma_start3A_98] : memref<40x128xi32, #tpu.memory_space<vmem>> -> memref<1x128xi32, #tpu.memory_space<vmem>>
        %dma_start3A_100 = tpu.memref_squeeze %dma_start3A_99 : memref<1x128xi32, #tpu.memory_space<vmem>> -> memref<128xi32, #tpu.memory_space<vmem>>
        %dma_start3A_101 = arith.constant 0 : i32
        %dma_start3A_102 = arith.constant 0 : i32
        %dma_start3A_103 = tpu.memref_slice %arg2[%dma_start3A_101, %dma_start3A_102] : memref<10000x128xf32, #tpu.memory_space<hbm>> -> memref<10000x128xf32, #tpu.memory_space<hbm>>
        tpu.enqueue_indirect_dma source(%dma_start3A_103 : memref<10000x128xf32, #tpu.memory_space<hbm>>) target(%arg10 : memref<128x128xf32, #tpu.memory_space<vmem>>) offsets(%dma_start3A_100 : memref<128xi32, #tpu.memory_space<vmem>>) semaphore(%arg12 : memref<!tpu.dma_semaphore, #tpu.memory_space<semaphore_mem>>)
      } else {
      }
      %mul3A_67 = arith.constant 2 : i32
      %mul3A_68 = arith.muli %scan3A_38, %mul3A_67 : i32
      %add3A_69 = arith.constant 1 : i32
      %add3A_70 = arith.addi %mul3A_68, %add3A_69 : i32
      %dma_wait3A_71 = arith.constant 0 : i32
      %dma_wait3A_72 = tpu.memref_slice %arg8[%add3A_70, %dma_wait3A_71] : memref<40x128xi32, #tpu.memory_space<vmem>> -> memref<1x128xi32, #tpu.memory_space<vmem>>
      %dma_wait3A_73 = tpu.memref_squeeze %dma_wait3A_72 : memref<1x128xi32, #tpu.memory_space<vmem>> -> memref<128xi32, #tpu.memory_space<vmem>>
      %dma_wait3A_74 = arith.constant 0 : i32
      %dma_wait3A_75 = arith.constant 0 : i32
      %dma_wait3A_76 = tpu.memref_slice %arg2[%dma_wait3A_74, %dma_wait3A_75] : memref<10000x128xf32, #tpu.memory_space<hbm>> -> memref<10000x128xf32, #tpu.memory_space<hbm>>
      tpu.wait_indirect_dma semaphore(%arg13 : memref<!tpu.dma_semaphore, #tpu.memory_space<semaphore_mem>>) src(%dma_wait3A_76 : memref<10000x128xf32, #tpu.memory_space<hbm>>) dst(%arg11 : memref<128x128xf32, #tpu.memory_space<vmem>>)
      %dma_start3A_77 = arith.constant 0 : i32
      %dma_start3A_78 = tpu.memref_slice %arg9[%add3A_70, %dma_start3A_77] : memref<40x128xi32, #tpu.memory_space<vmem>> -> memref<1x128xi32, #tpu.memory_space<vmem>>
      %dma_start3A_79 = tpu.memref_squeeze %dma_start3A_78 : memref<1x128xi32, #tpu.memory_space<vmem>> -> memref<128xi32, #tpu.memory_space<vmem>>
      %dma_start3A_80 = arith.constant 0 : i32
      %dma_start3A_81 = arith.constant 0 : i32
      %dma_start3A_82 = tpu.memref_slice %arg7[%dma_start3A_80, %dma_start3A_81] : memref<10128x128xf32, #tpu.memory_space<vmem_shared>> -> memref<10128x128xf32, #tpu.memory_space<vmem_shared>>
      tpu.enqueue_indirect_dma source(%arg11 : memref<128x128xf32, #tpu.memory_space<vmem>>) target(%dma_start3A_82 : memref<10128x128xf32, #tpu.memory_space<vmem_shared>>) offsets(%dma_start3A_79 : memref<128xi32, #tpu.memory_space<vmem>>) semaphore(%arg15 : memref<!tpu.dma_semaphore, #tpu.memory_space<semaphore_mem>>) {add = true}
      %dma_wait3A_83 = arith.constant 0 : i32
      %dma_wait3A_84 = arith.constant 0 : i32
      %dma_wait3A_85 = tpu.memref_slice %arg7[%dma_wait3A_83, %dma_wait3A_84] : memref<10128x128xf32, #tpu.memory_space<vmem_shared>> -> memref<128x128xf32, #tpu.memory_space<vmem_shared>>
      %dma_wait3A_86 = arith.constant 0 : i32
      %dma_wait3A_87 = arith.constant 0 : i32
      %dma_wait3A_88 = tpu.memref_slice %arg7[%dma_wait3A_86, %dma_wait3A_87] : memref<10128x128xf32, #tpu.memory_space<vmem_shared>> -> memref<128x128xf32, #tpu.memory_space<vmem_shared>>
      tpu.wait_dma2 semaphore(%arg15 : memref<!tpu.dma_semaphore, #tpu.memory_space<semaphore_mem>>) src(%arg11 : memref<128x128xf32, #tpu.memory_space<vmem>>) dst(%dma_wait3A_88 : memref<128x128xf32, #tpu.memory_space<vmem_shared>>)
      %add3A_89 = arith.constant 2 : i32
      %add3A_90 = arith.addi %add3A_70, %add3A_89 : i32
      %lt3A_91 = arith.constant 40 : i32
      %lt3A_92 = arith.cmpi slt, %add3A_90, %lt3A_91 : i32
      %convert_element_type3A_93 = arith.extui %lt3A_92 : i1 to i32
      %cond3A_94 = arith.constant 0 : i32
      %cond3A_95 = arith.cmpi ne, %convert_element_type3A_93, %cond3A_94 : i32
      scf.if %cond3A_95 {
        %add3A_96 = arith.constant 2 : i32
        %add3A_97 = arith.addi %add3A_70, %add3A_96 : i32
        %dma_start3A_98 = arith.constant 0 : i32
        %dma_start3A_99 = tpu.memref_slice %arg8[%add3A_97, %dma_start3A_98] : memref<40x128xi32, #tpu.memory_space<vmem>> -> memref<1x128xi32, #tpu.memory_space<vmem>>
        %dma_start3A_100 = tpu.memref_squeeze %dma_start3A_99 : memref<1x128xi32, #tpu.memory_space<vmem>> -> memref<128xi32, #tpu.memory_space<vmem>>
        %dma_start3A_101 = arith.constant 0 : i32
        %dma_start3A_102 = arith.constant 0 : i32
        %dma_start3A_103 = tpu.memref_slice %arg2[%dma_start3A_101, %dma_start3A_102] : memref<10000x128xf32, #tpu.memory_space<hbm>> -> memref<10000x128xf32, #tpu.memory_space<hbm>>
        tpu.enqueue_indirect_dma source(%dma_start3A_103 : memref<10000x128xf32, #tpu.memory_space<hbm>>) target(%arg11 : memref<128x128xf32, #tpu.memory_space<vmem>>) offsets(%dma_start3A_100 : memref<128xi32, #tpu.memory_space<vmem>>) semaphore(%arg13 : memref<!tpu.dma_semaphore, #tpu.memory_space<semaphore_mem>>)
      } else {
      }
    }
    %scan3A_26 = arith.constant 20 : i32
    %barrier3A_27 = arith.constant 0 : index
    tpu.barrier barrier_id(%barrier3A_27)
    %lt3A_28 = arith.constant 15 : i32
    %lt3A_29 = arith.cmpi slt, %arg1, %lt3A_28 : i32
    %convert_element_type3A_30 = arith.extui %lt3A_29 : i1 to i32
    %cond3A_31 = arith.constant 0 : i32
    %cond3A_32 = arith.cmpi ne, %convert_element_type3A_30, %cond3A_31 : i32
    scf.if %cond3A_32 {
      %mul3A_38 = arith.constant 632 : i32
      %mul3A_39 = arith.muli %arg1, %mul3A_38 : i32
      %mul3A_40 = arith.constant 10000 : i32
      %mul3A_41 = arith.muli %arg0, %mul3A_40 : i32
      %mul3A_42 = arith.constant 632 : i32
      %mul3A_43 = arith.muli %arg1, %mul3A_42 : i32
      %add3A_44 = arith.addi %mul3A_41, %mul3A_43 : i32
      "tpu.region"() ({
        %run_scoped3A = tpu.sem_alloc : memref<!tpu.dma_semaphore, #tpu.memory_space<semaphore_mem>>
        %dma_start3A_45 = arith.constant 0 : i32
        %dma_start3A_46 = tpu.memref_slice %arg6[%add3A_44, %dma_start3A_45] : memref<20000x128xf32, #tpu.memory_space<hbm>> -> memref<632x128xf32, #tpu.memory_space<hbm>>
        %dma_start3A_47 = arith.constant 0 : i32
        %dma_start3A_48 = tpu.memref_slice %arg7[%mul3A_39, %dma_start3A_47] : memref<10128x128xf32, #tpu.memory_space<vmem_shared>> -> memref<632x128xf32, #tpu.memory_space<vmem_shared>>
        tpu.enqueue_dma source(%dma_start3A_48 : memref<632x128xf32, #tpu.memory_space<vmem_shared>>) target(%dma_start3A_46 : memref<632x128xf32, #tpu.memory_space<hbm>>) target_semaphore(%run_scoped3A : memref<!tpu.dma_semaphore, #tpu.memory_space<semaphore_mem>>)
        %dma_wait3A = arith.constant 0 : i32
        %dma_wait3A_49 = tpu.memref_slice %arg6[%add3A_44, %dma_wait3A] : memref<20000x128xf32, #tpu.memory_space<hbm>> -> memref<632x128xf32, #tpu.memory_space<hbm>>
        %dma_wait3A_50 = arith.constant 0 : i32
        %dma_wait3A_51 = tpu.memref_slice %arg7[%mul3A_39, %dma_wait3A_50] : memref<10128x128xf32, #tpu.memory_space<vmem_shared>> -> memref<632x128xf32, #tpu.memory_space<vmem_shared>>
        tpu.wait_dma2 semaphore(%run_scoped3A : memref<!tpu.dma_semaphore, #tpu.memory_space<semaphore_mem>>) src(%dma_wait3A_51 : memref<632x128xf32, #tpu.memory_space<vmem_shared>>) dst(%dma_wait3A_49 : memref<632x128xf32, #tpu.memory_space<hbm>>)
        tpu.yield
      }) : () -> ()
    } else {
    }
    %eq3A_33 = arith.constant 15 : i32
    %eq3A_34 = arith.cmpi eq, %arg1, %eq3A_33 : i32
    %convert_element_type3A_35 = arith.extui %eq3A_34 : i1 to i32
    %cond3A_36 = arith.constant 0 : i32
    %cond3A_37 = arith.cmpi ne, %convert_element_type3A_35, %cond3A_36 : i32
    scf.if %cond3A_37 {
      %mul3A_38 = arith.constant 10000 : i32
      %mul3A_39 = arith.muli %arg0, %mul3A_38 : i32
      %add3A_40 = arith.constant 9480 : i32
      %add3A_41 = arith.addi %mul3A_39, %add3A_40 : i32
      "tpu.region"() ({
        %run_scoped3A = tpu.sem_alloc : memref<!tpu.dma_semaphore, #tpu.memory_space<semaphore_mem>>
        %dma_start3A_42 = arith.constant 0 : i32
        %dma_start3A_43 = tpu.memref_slice %arg6[%add3A_41, %dma_start3A_42] : memref<20000x128xf32, #tpu.memory_space<hbm>> -> memref<520x128xf32, #tpu.memory_space<hbm>>
        %dma_start3A_44 = arith.constant 9480 : i32
        %dma_start3A_45 = arith.constant 0 : i32
        %dma_start3A_46 = tpu.memref_slice %arg7[%dma_start3A_44, %dma_start3A_45] : memref<10128x128xf32, #tpu.memory_space<vmem_shared>> -> memref<520x128xf32, #tpu.memory_space<vmem_shared>>
        tpu.enqueue_dma source(%dma_start3A_46 : memref<520x128xf32, #tpu.memory_space<vmem_shared>>) target(%dma_start3A_43 : memref<520x128xf32, #tpu.memory_space<hbm>>) target_semaphore(%run_scoped3A : memref<!tpu.dma_semaphore, #tpu.memory_space<semaphore_mem>>)
        %dma_wait3A = arith.constant 0 : i32
        %dma_wait3A_47 = tpu.memref_slice %arg6[%add3A_41, %dma_wait3A] : memref<20000x128xf32, #tpu.memory_space<hbm>> -> memref<520x128xf32, #tpu.memory_space<hbm>>
        %dma_wait3A_48 = arith.constant 9480 : i32
        %dma_wait3A_49 = arith.constant 0 : i32
        %dma_wait3A_50 = tpu.memref_slice %arg7[%dma_wait3A_48, %dma_wait3A_49] : memref<10128x128xf32, #tpu.memory_space<vmem_shared>> -> memref<520x128xf32, #tpu.memory_space<vmem_shared>>
        tpu.wait_dma2 semaphore(%run_scoped3A : memref<!tpu.dma_semaphore, #tpu.memory_space<semaphore_mem>>) src(%dma_wait3A_50 : memref<520x128xf32, #tpu.memory_space<vmem_shared>>) dst(%dma_wait3A_47 : memref<520x128xf32, #tpu.memory_space<hbm>>)
        tpu.yield
      }) : () -> ()
    } else {
    }
    return
  }
}

#map = affine_map<(d0, d1) -> (0, 0)>
module attributes {stable_mosaic.version = 14 : i64} {
  func.func @sc_agg(%arg0: i32, %arg1: i32, %arg2: memref<10000x128xf32, #tpu.memory_space<hbm>>, %arg3: memref<1280x128xi32, #tpu.memory_space<hbm>>, %arg4: memref<1280x128xi32, #tpu.memory_space<hbm>>, %arg5: memref<10000x128xf32, #tpu.memory_space<hbm>>, %arg6: memref<20000x128xf32, #tpu.memory_space<hbm>>, %arg7: memref<10128x128xf32, #tpu.memory_space<vmem_shared>>, %arg8: memref<40x128xi32, #tpu.memory_space<vmem>>, %arg9: memref<40x128xi32, #tpu.memory_space<vmem>>, %arg10: memref<128x128xf32, #tpu.memory_space<vmem>>, %arg11: memref<128x128xf32, #tpu.memory_space<vmem>>, %arg12: memref<!tpu.dma_semaphore, #tpu.memory_space<semaphore_mem>>, %arg13: memref<!tpu.dma_semaphore, #tpu.memory_space<semaphore_mem>>, %arg14: memref<!tpu.dma_semaphore, #tpu.memory_space<semaphore_mem>>, %arg15: memref<!tpu.dma_semaphore, #tpu.memory_space<semaphore_mem>>) attributes {dimension_semantics = [#tpu.dimension_semantics<core_parallel>, #tpu.dimension_semantics<subcore_parallel>], iteration_bounds = array<i64: 2, 16>, scalar_prefetch = 0 : i64, scratch_operands = 9 : i64, tpu.core_type = #tpu.core_type<sc_vector_subcore>, window_params = [{transform_indices = #map}, {transform_indices = #map}, {transform_indices = #map}, {transform_indices = #map}, {transform_indices = #map}]} {
    %mul3A = arith.constant 2 : i32
    %mul3A_0 = arith.muli %arg1, %mul3A : i32
    %add3A = arith.addi %mul3A_0, %arg0 : i32
    %mul3A_1 = arith.constant 40 : i32
    %mul3A_2 = arith.muli %add3A, %mul3A_1 : i32
    "tpu.region"() ({
      %run_scoped3A = tpu.sem_alloc : memref<!tpu.dma_semaphore, #tpu.memory_space<semaphore_mem>>
      %dma_start3A_38 = arith.constant 0 : i32
      %dma_start3A_39 = tpu.memref_slice %arg3[%mul3A_2, %dma_start3A_38] : memref<1280x128xi32, #tpu.memory_space<hbm>> -> memref<40x128xi32, #tpu.memory_space<hbm>>
      %dma_start3A_40 = arith.constant 0 : i32
      %dma_start3A_41 = tpu.memref_slice %arg3[%mul3A_2, %dma_start3A_40] : memref<1280x128xi32, #tpu.memory_space<hbm>> -> memref<40x128xi32, #tpu.memory_space<hbm>>
      tpu.enqueue_dma source(%dma_start3A_41 : memref<40x128xi32, #tpu.memory_space<hbm>>) target(%arg8 : memref<40x128xi32, #tpu.memory_space<vmem>>) target_semaphore(%run_scoped3A : memref<!tpu.dma_semaphore, #tpu.memory_space<semaphore_mem>>)
      %dma_wait3A = arith.constant 0 : i32
      %dma_wait3A_42 = tpu.memref_slice %arg3[%mul3A_2, %dma_wait3A] : memref<1280x128xi32, #tpu.memory_space<hbm>> -> memref<40x128xi32, #tpu.memory_space<hbm>>
      %dma_wait3A_43 = arith.constant 0 : i32
      %dma_wait3A_44 = tpu.memref_slice %arg3[%mul3A_2, %dma_wait3A_43] : memref<1280x128xi32, #tpu.memory_space<hbm>> -> memref<40x128xi32, #tpu.memory_space<hbm>>
      tpu.wait_dma2 semaphore(%run_scoped3A : memref<!tpu.dma_semaphore, #tpu.memory_space<semaphore_mem>>) src(%dma_wait3A_44 : memref<40x128xi32, #tpu.memory_space<hbm>>) dst(%arg8 : memref<40x128xi32, #tpu.memory_space<vmem>>)
      tpu.yield
    }) : () -> ()
    "tpu.region"() ({
      %run_scoped3A = tpu.sem_alloc : memref<!tpu.dma_semaphore, #tpu.memory_space<semaphore_mem>>
      %dma_start3A_38 = arith.constant 0 : i32
      %dma_start3A_39 = tpu.memref_slice %arg4[%mul3A_2, %dma_start3A_38] : memref<1280x128xi32, #tpu.memory_space<hbm>> -> memref<40x128xi32, #tpu.memory_space<hbm>>
      %dma_start3A_40 = arith.constant 0 : i32
      %dma_start3A_41 = tpu.memref_slice %arg4[%mul3A_2, %dma_start3A_40] : memref<1280x128xi32, #tpu.memory_space<hbm>> -> memref<40x128xi32, #tpu.memory_space<hbm>>
      tpu.enqueue_dma source(%dma_start3A_41 : memref<40x128xi32, #tpu.memory_space<hbm>>) target(%arg9 : memref<40x128xi32, #tpu.memory_space<vmem>>) target_semaphore(%run_scoped3A : memref<!tpu.dma_semaphore, #tpu.memory_space<semaphore_mem>>)
      %dma_wait3A = arith.constant 0 : i32
      %dma_wait3A_42 = tpu.memref_slice %arg4[%mul3A_2, %dma_wait3A] : memref<1280x128xi32, #tpu.memory_space<hbm>> -> memref<40x128xi32, #tpu.memory_space<hbm>>
      %dma_wait3A_43 = arith.constant 0 : i32
      %dma_wait3A_44 = tpu.memref_slice %arg4[%mul3A_2, %dma_wait3A_43] : memref<1280x128xi32, #tpu.memory_space<hbm>> -> memref<40x128xi32, #tpu.memory_space<hbm>>
      tpu.wait_dma2 semaphore(%run_scoped3A : memref<!tpu.dma_semaphore, #tpu.memory_space<semaphore_mem>>) src(%dma_wait3A_44 : memref<40x128xi32, #tpu.memory_space<hbm>>) dst(%arg9 : memref<40x128xi32, #tpu.memory_space<vmem>>)
      tpu.yield
    }) : () -> ()
    %lt3A = arith.constant 15 : i32
    %lt3A_3 = arith.cmpi slt, %arg1, %lt3A : i32
    %convert_element_type3A = arith.extui %lt3A_3 : i1 to i32
    %cond3A = arith.constant 0 : i32
    %cond3A_4 = arith.cmpi ne, %convert_element_type3A, %cond3A : i32
    scf.if %cond3A_4 {
      %mul3A_38 = arith.constant 632 : i32
      %mul3A_39 = arith.muli %arg1, %mul3A_38 : i32
      %mul3A_40 = arith.constant 632 : i32
      %mul3A_41 = arith.muli %arg1, %mul3A_40 : i32
      "tpu.region"() ({
        %run_scoped3A = tpu.sem_alloc : memref<!tpu.dma_semaphore, #tpu.memory_space<semaphore_mem>>
        %dma_start3A_42 = arith.constant 0 : i32
        %dma_start3A_43 = tpu.memref_slice %arg7[%mul3A_41, %dma_start3A_42] : memref<10128x128xf32, #tpu.memory_space<vmem_shared>> -> memref<632x128xf32, #tpu.memory_space<vmem_shared>>
        %dma_start3A_44 = arith.constant 0 : i32
        %dma_start3A_45 = tpu.memref_slice %arg5[%mul3A_39, %dma_start3A_44] : memref<10000x128xf32, #tpu.memory_space<hbm>> -> memref<632x128xf32, #tpu.memory_space<hbm>>
        tpu.enqueue_dma source(%dma_start3A_45 : memref<632x128xf32, #tpu.memory_space<hbm>>) target(%dma_start3A_43 : memref<632x128xf32, #tpu.memory_space<vmem_shared>>) target_semaphore(%run_scoped3A : memref<!tpu.dma_semaphore, #tpu.memory_space<semaphore_mem>>)
        %dma_wait3A = arith.constant 0 : i32
        %dma_wait3A_46 = tpu.memref_slice %arg7[%mul3A_41, %dma_wait3A] : memref<10128x128xf32, #tpu.memory_space<vmem_shared>> -> memref<632x128xf32, #tpu.memory_space<vmem_shared>>
        %dma_wait3A_47 = arith.constant 0 : i32
        %dma_wait3A_48 = tpu.memref_slice %arg5[%mul3A_39, %dma_wait3A_47] : memref<10000x128xf32, #tpu.memory_space<hbm>> -> memref<632x128xf32, #tpu.memory_space<hbm>>
        tpu.wait_dma2 semaphore(%run_scoped3A : memref<!tpu.dma_semaphore, #tpu.memory_space<semaphore_mem>>) src(%dma_wait3A_48 : memref<632x128xf32, #tpu.memory_space<hbm>>) dst(%dma_wait3A_46 : memref<632x128xf32, #tpu.memory_space<vmem_shared>>)
        tpu.yield
      }) : () -> ()
    } else {
    }
    %eq3A = arith.constant 15 : i32
    %eq3A_5 = arith.cmpi eq, %arg1, %eq3A : i32
    %convert_element_type3A_6 = arith.extui %eq3A_5 : i1 to i32
    %cond3A_7 = arith.constant 0 : i32
    %cond3A_8 = arith.cmpi ne, %convert_element_type3A_6, %cond3A_7 : i32
    scf.if %cond3A_8 {
      "tpu.region"() ({
        %run_scoped3A = tpu.sem_alloc : memref<!tpu.dma_semaphore, #tpu.memory_space<semaphore_mem>>
        %dma_start3A_38 = arith.constant 9480 : i32
        %dma_start3A_39 = arith.constant 0 : i32
        %dma_start3A_40 = tpu.memref_slice %arg7[%dma_start3A_38, %dma_start3A_39] : memref<10128x128xf32, #tpu.memory_space<vmem_shared>> -> memref<520x128xf32, #tpu.memory_space<vmem_shared>>
        %dma_start3A_41 = arith.constant 9480 : i32
        %dma_start3A_42 = arith.constant 0 : i32
        %dma_start3A_43 = tpu.memref_slice %arg5[%dma_start3A_41, %dma_start3A_42] : memref<10000x128xf32, #tpu.memory_space<hbm>> -> memref<520x128xf32, #tpu.memory_space<hbm>>
        tpu.enqueue_dma source(%dma_start3A_43 : memref<520x128xf32, #tpu.memory_space<hbm>>) target(%dma_start3A_40 : memref<520x128xf32, #tpu.memory_space<vmem_shared>>) target_semaphore(%run_scoped3A : memref<!tpu.dma_semaphore, #tpu.memory_space<semaphore_mem>>)
        %dma_wait3A = arith.constant 9480 : i32
        %dma_wait3A_44 = arith.constant 0 : i32
        %dma_wait3A_45 = tpu.memref_slice %arg7[%dma_wait3A, %dma_wait3A_44] : memref<10128x128xf32, #tpu.memory_space<vmem_shared>> -> memref<520x128xf32, #tpu.memory_space<vmem_shared>>
        %dma_wait3A_46 = arith.constant 9480 : i32
        %dma_wait3A_47 = arith.constant 0 : i32
        %dma_wait3A_48 = tpu.memref_slice %arg5[%dma_wait3A_46, %dma_wait3A_47] : memref<10000x128xf32, #tpu.memory_space<hbm>> -> memref<520x128xf32, #tpu.memory_space<hbm>>
        tpu.wait_dma2 semaphore(%run_scoped3A : memref<!tpu.dma_semaphore, #tpu.memory_space<semaphore_mem>>) src(%dma_wait3A_48 : memref<520x128xf32, #tpu.memory_space<hbm>>) dst(%dma_wait3A_45 : memref<520x128xf32, #tpu.memory_space<vmem_shared>>)
        tpu.yield
      }) : () -> ()
    } else {
    }
    %barrier3A = arith.constant 0 : index
    tpu.barrier barrier_id(%barrier3A)
    %dma_start3A = arith.constant 0 : i32
    %dma_start3A_9 = arith.constant 0 : i32
    %dma_start3A_10 = tpu.memref_slice %arg8[%dma_start3A, %dma_start3A_9] : memref<40x128xi32, #tpu.memory_space<vmem>> -> memref<1x128xi32, #tpu.memory_space<vmem>>
    %dma_start3A_11 = tpu.memref_squeeze %dma_start3A_10 : memref<1x128xi32, #tpu.memory_space<vmem>> -> memref<128xi32, #tpu.memory_space<vmem>>
    %dma_start3A_12 = arith.constant 0 : i32
    %dma_start3A_13 = arith.constant 0 : i32
    %dma_start3A_14 = tpu.memref_slice %arg2[%dma_start3A_12, %dma_start3A_13] : memref<10000x128xf32, #tpu.memory_space<hbm>> -> memref<10000x128xf32, #tpu.memory_space<hbm>>
    tpu.enqueue_indirect_dma source(%dma_start3A_14 : memref<10000x128xf32, #tpu.memory_space<hbm>>) target(%arg10 : memref<128x128xf32, #tpu.memory_space<vmem>>) offsets(%dma_start3A_11 : memref<128xi32, #tpu.memory_space<vmem>>) semaphore(%arg12 : memref<!tpu.dma_semaphore, #tpu.memory_space<semaphore_mem>>)
    %dma_start3A_15 = arith.constant 1 : i32
    %dma_start3A_16 = arith.constant 0 : i32
    %dma_start3A_17 = tpu.memref_slice %arg8[%dma_start3A_15, %dma_start3A_16] : memref<40x128xi32, #tpu.memory_space<vmem>> -> memref<1x128xi32, #tpu.memory_space<vmem>>
    %dma_start3A_18 = tpu.memref_squeeze %dma_start3A_17 : memref<1x128xi32, #tpu.memory_space<vmem>> -> memref<128xi32, #tpu.memory_space<vmem>>
    %dma_start3A_19 = arith.constant 0 : i32
    %dma_start3A_20 = arith.constant 0 : i32
    %dma_start3A_21 = tpu.memref_slice %arg2[%dma_start3A_19, %dma_start3A_20] : memref<10000x128xf32, #tpu.memory_space<hbm>> -> memref<10000x128xf32, #tpu.memory_space<hbm>>
    tpu.enqueue_indirect_dma source(%dma_start3A_21 : memref<10000x128xf32, #tpu.memory_space<hbm>>) target(%arg11 : memref<128x128xf32, #tpu.memory_space<vmem>>) offsets(%dma_start3A_18 : memref<128xi32, #tpu.memory_space<vmem>>) semaphore(%arg13 : memref<!tpu.dma_semaphore, #tpu.memory_space<semaphore_mem>>)
    %scan3A = arith.constant 0 : i32
    %scan3A_22 = arith.constant 0 : i32
    %scan3A_23 = arith.constant 20 : i32
    %scan3A_24 = arith.addi %scan3A_22, %scan3A_23 : i32
    %scan3A_25 = arith.constant 1 : i32
    scf.for %scan3A_38 = %scan3A_22 to %scan3A_24 step %scan3A_25  : i32 {
      %mul3A_39 = arith.constant 2 : i32
      %mul3A_40 = arith.muli %scan3A_38, %mul3A_39 : i32
      %add3A_41 = arith.constant 0 : i32
      %add3A_42 = arith.addi %mul3A_40, %add3A_41 : i32
      %dma_wait3A = arith.constant 0 : i32
      %dma_wait3A_43 = tpu.memref_slice %arg8[%add3A_42, %dma_wait3A] : memref<40x128xi32, #tpu.memory_space<vmem>> -> memref<1x128xi32, #tpu.memory_space<vmem>>
      %dma_wait3A_44 = tpu.memref_squeeze %dma_wait3A_43 : memref<1x128xi32, #tpu.memory_space<vmem>> -> memref<128xi32, #tpu.memory_space<vmem>>
      %dma_wait3A_45 = arith.constant 0 : i32
      %dma_wait3A_46 = arith.constant 0 : i32
      %dma_wait3A_47 = tpu.memref_slice %arg2[%dma_wait3A_45, %dma_wait3A_46] : memref<10000x128xf32, #tpu.memory_space<hbm>> -> memref<10000x128xf32, #tpu.memory_space<hbm>>
      tpu.wait_indirect_dma semaphore(%arg12 : memref<!tpu.dma_semaphore, #tpu.memory_space<semaphore_mem>>) src(%dma_wait3A_47 : memref<10000x128xf32, #tpu.memory_space<hbm>>) dst(%arg10 : memref<128x128xf32, #tpu.memory_space<vmem>>)
      %dma_start3A_48 = arith.constant 0 : i32
      %dma_start3A_49 = tpu.memref_slice %arg9[%add3A_42, %dma_start3A_48] : memref<40x128xi32, #tpu.memory_space<vmem>> -> memref<1x128xi32, #tpu.memory_space<vmem>>
      %dma_start3A_50 = tpu.memref_squeeze %dma_start3A_49 : memref<1x128xi32, #tpu.memory_space<vmem>> -> memref<128xi32, #tpu.memory_space<vmem>>
      %dma_start3A_51 = arith.constant 0 : i32
      %dma_start3A_52 = arith.constant 0 : i32
      %dma_start3A_53 = tpu.memref_slice %arg7[%dma_start3A_51, %dma_start3A_52] : memref<10128x128xf32, #tpu.memory_space<vmem_shared>> -> memref<10128x128xf32, #tpu.memory_space<vmem_shared>>
      tpu.enqueue_indirect_dma source(%arg10 : memref<128x128xf32, #tpu.memory_space<vmem>>) target(%dma_start3A_53 : memref<10128x128xf32, #tpu.memory_space<vmem_shared>>) offsets(%dma_start3A_50 : memref<128xi32, #tpu.memory_space<vmem>>) semaphore(%arg14 : memref<!tpu.dma_semaphore, #tpu.memory_space<semaphore_mem>>) {add = true}
      %dma_wait3A_54 = arith.constant 0 : i32
      %dma_wait3A_55 = arith.constant 0 : i32
      %dma_wait3A_56 = tpu.memref_slice %arg7[%dma_wait3A_54, %dma_wait3A_55] : memref<10128x128xf32, #tpu.memory_space<vmem_shared>> -> memref<128x128xf32, #tpu.memory_space<vmem_shared>>
      %dma_wait3A_57 = arith.constant 0 : i32
      %dma_wait3A_58 = arith.constant 0 : i32
      %dma_wait3A_59 = tpu.memref_slice %arg7[%dma_wait3A_57, %dma_wait3A_58] : memref<10128x128xf32, #tpu.memory_space<vmem_shared>> -> memref<128x128xf32, #tpu.memory_space<vmem_shared>>
      tpu.wait_dma2 semaphore(%arg14 : memref<!tpu.dma_semaphore, #tpu.memory_space<semaphore_mem>>) src(%arg10 : memref<128x128xf32, #tpu.memory_space<vmem>>) dst(%dma_wait3A_59 : memref<128x128xf32, #tpu.memory_space<vmem_shared>>)
      %add3A_60 = arith.constant 2 : i32
      %add3A_61 = arith.addi %add3A_42, %add3A_60 : i32
      %lt3A_62 = arith.constant 40 : i32
      %lt3A_63 = arith.cmpi slt, %add3A_61, %lt3A_62 : i32
      %convert_element_type3A_64 = arith.extui %lt3A_63 : i1 to i32
      %cond3A_65 = arith.constant 0 : i32
      %cond3A_66 = arith.cmpi ne, %convert_element_type3A_64, %cond3A_65 : i32
      scf.if %cond3A_66 {
        %add3A_96 = arith.constant 2 : i32
        %add3A_97 = arith.addi %add3A_42, %add3A_96 : i32
        %dma_start3A_98 = arith.constant 0 : i32
        %dma_start3A_99 = tpu.memref_slice %arg8[%add3A_97, %dma_start3A_98] : memref<40x128xi32, #tpu.memory_space<vmem>> -> memref<1x128xi32, #tpu.memory_space<vmem>>
        %dma_start3A_100 = tpu.memref_squeeze %dma_start3A_99 : memref<1x128xi32, #tpu.memory_space<vmem>> -> memref<128xi32, #tpu.memory_space<vmem>>
        %dma_start3A_101 = arith.constant 0 : i32
        %dma_start3A_102 = arith.constant 0 : i32
        %dma_start3A_103 = tpu.memref_slice %arg2[%dma_start3A_101, %dma_start3A_102] : memref<10000x128xf32, #tpu.memory_space<hbm>> -> memref<10000x128xf32, #tpu.memory_space<hbm>>
        tpu.enqueue_indirect_dma source(%dma_start3A_103 : memref<10000x128xf32, #tpu.memory_space<hbm>>) target(%arg10 : memref<128x128xf32, #tpu.memory_space<vmem>>) offsets(%dma_start3A_100 : memref<128xi32, #tpu.memory_space<vmem>>) semaphore(%arg12 : memref<!tpu.dma_semaphore, #tpu.memory_space<semaphore_mem>>)
      } else {
      }
      %mul3A_67 = arith.constant 2 : i32
      %mul3A_68 = arith.muli %scan3A_38, %mul3A_67 : i32
      %add3A_69 = arith.constant 1 : i32
      %add3A_70 = arith.addi %mul3A_68, %add3A_69 : i32
      %dma_wait3A_71 = arith.constant 0 : i32
      %dma_wait3A_72 = tpu.memref_slice %arg8[%add3A_70, %dma_wait3A_71] : memref<40x128xi32, #tpu.memory_space<vmem>> -> memref<1x128xi32, #tpu.memory_space<vmem>>
      %dma_wait3A_73 = tpu.memref_squeeze %dma_wait3A_72 : memref<1x128xi32, #tpu.memory_space<vmem>> -> memref<128xi32, #tpu.memory_space<vmem>>
      %dma_wait3A_74 = arith.constant 0 : i32
      %dma_wait3A_75 = arith.constant 0 : i32
      %dma_wait3A_76 = tpu.memref_slice %arg2[%dma_wait3A_74, %dma_wait3A_75] : memref<10000x128xf32, #tpu.memory_space<hbm>> -> memref<10000x128xf32, #tpu.memory_space<hbm>>
      tpu.wait_indirect_dma semaphore(%arg13 : memref<!tpu.dma_semaphore, #tpu.memory_space<semaphore_mem>>) src(%dma_wait3A_76 : memref<10000x128xf32, #tpu.memory_space<hbm>>) dst(%arg11 : memref<128x128xf32, #tpu.memory_space<vmem>>)
      %dma_start3A_77 = arith.constant 0 : i32
      %dma_start3A_78 = tpu.memref_slice %arg9[%add3A_70, %dma_start3A_77] : memref<40x128xi32, #tpu.memory_space<vmem>> -> memref<1x128xi32, #tpu.memory_space<vmem>>
      %dma_start3A_79 = tpu.memref_squeeze %dma_start3A_78 : memref<1x128xi32, #tpu.memory_space<vmem>> -> memref<128xi32, #tpu.memory_space<vmem>>
      %dma_start3A_80 = arith.constant 0 : i32
      %dma_start3A_81 = arith.constant 0 : i32
      %dma_start3A_82 = tpu.memref_slice %arg7[%dma_start3A_80, %dma_start3A_81] : memref<10128x128xf32, #tpu.memory_space<vmem_shared>> -> memref<10128x128xf32, #tpu.memory_space<vmem_shared>>
      tpu.enqueue_indirect_dma source(%arg11 : memref<128x128xf32, #tpu.memory_space<vmem>>) target(%dma_start3A_82 : memref<10128x128xf32, #tpu.memory_space<vmem_shared>>) offsets(%dma_start3A_79 : memref<128xi32, #tpu.memory_space<vmem>>) semaphore(%arg15 : memref<!tpu.dma_semaphore, #tpu.memory_space<semaphore_mem>>) {add = true}
      %dma_wait3A_83 = arith.constant 0 : i32
      %dma_wait3A_84 = arith.constant 0 : i32
      %dma_wait3A_85 = tpu.memref_slice %arg7[%dma_wait3A_83, %dma_wait3A_84] : memref<10128x128xf32, #tpu.memory_space<vmem_shared>> -> memref<128x128xf32, #tpu.memory_space<vmem_shared>>
      %dma_wait3A_86 = arith.constant 0 : i32
      %dma_wait3A_87 = arith.constant 0 : i32
      %dma_wait3A_88 = tpu.memref_slice %arg7[%dma_wait3A_86, %dma_wait3A_87] : memref<10128x128xf32, #tpu.memory_space<vmem_shared>> -> memref<128x128xf32, #tpu.memory_space<vmem_shared>>
      tpu.wait_dma2 semaphore(%arg15 : memref<!tpu.dma_semaphore, #tpu.memory_space<semaphore_mem>>) src(%arg11 : memref<128x128xf32, #tpu.memory_space<vmem>>) dst(%dma_wait3A_88 : memref<128x128xf32, #tpu.memory_space<vmem_shared>>)
      %add3A_89 = arith.constant 2 : i32
      %add3A_90 = arith.addi %add3A_70, %add3A_89 : i32
      %lt3A_91 = arith.constant 40 : i32
      %lt3A_92 = arith.cmpi slt, %add3A_90, %lt3A_91 : i32
      %convert_element_type3A_93 = arith.extui %lt3A_92 : i1 to i32
      %cond3A_94 = arith.constant 0 : i32
      %cond3A_95 = arith.cmpi ne, %convert_element_type3A_93, %cond3A_94 : i32
      scf.if %cond3A_95 {
        %add3A_96 = arith.constant 2 : i32
        %add3A_97 = arith.addi %add3A_70, %add3A_96 : i32
        %dma_start3A_98 = arith.constant 0 : i32
        %dma_start3A_99 = tpu.memref_slice %arg8[%add3A_97, %dma_start3A_98] : memref<40x128xi32, #tpu.memory_space<vmem>> -> memref<1x128xi32, #tpu.memory_space<vmem>>
        %dma_start3A_100 = tpu.memref_squeeze %dma_start3A_99 : memref<1x128xi32, #tpu.memory_space<vmem>> -> memref<128xi32, #tpu.memory_space<vmem>>
        %dma_start3A_101 = arith.constant 0 : i32
        %dma_start3A_102 = arith.constant 0 : i32
        %dma_start3A_103 = tpu.memref_slice %arg2[%dma_start3A_101, %dma_start3A_102] : memref<10000x128xf32, #tpu.memory_space<hbm>> -> memref<10000x128xf32, #tpu.memory_space<hbm>>
        tpu.enqueue_indirect_dma source(%dma_start3A_103 : memref<10000x128xf32, #tpu.memory_space<hbm>>) target(%arg11 : memref<128x128xf32, #tpu.memory_space<vmem>>) offsets(%dma_start3A_100 : memref<128xi32, #tpu.memory_space<vmem>>) semaphore(%arg13 : memref<!tpu.dma_semaphore, #tpu.memory_space<semaphore_mem>>)
      } else {
      }
    }
    %scan3A_26 = arith.constant 20 : i32
    %barrier3A_27 = arith.constant 0 : index
    tpu.barrier barrier_id(%barrier3A_27)
    %lt3A_28 = arith.constant 15 : i32
    %lt3A_29 = arith.cmpi slt, %arg1, %lt3A_28 : i32
    %convert_element_type3A_30 = arith.extui %lt3A_29 : i1 to i32
    %cond3A_31 = arith.constant 0 : i32
    %cond3A_32 = arith.cmpi ne, %convert_element_type3A_30, %cond3A_31 : i32
    scf.if %cond3A_32 {
      %mul3A_38 = arith.constant 632 : i32
      %mul3A_39 = arith.muli %arg1, %mul3A_38 : i32
      %mul3A_40 = arith.constant 10000 : i32
      %mul3A_41 = arith.muli %arg0, %mul3A_40 : i32
      %mul3A_42 = arith.constant 632 : i32
      %mul3A_43 = arith.muli %arg1, %mul3A_42 : i32
      %add3A_44 = arith.addi %mul3A_41, %mul3A_43 : i32
      "tpu.region"() ({
        %run_scoped3A = tpu.sem_alloc : memref<!tpu.dma_semaphore, #tpu.memory_space<semaphore_mem>>
        %dma_start3A_45 = arith.constant 0 : i32
        %dma_start3A_46 = tpu.memref_slice %arg6[%add3A_44, %dma_start3A_45] : memref<20000x128xf32, #tpu.memory_space<hbm>> -> memref<632x128xf32, #tpu.memory_space<hbm>>
        %dma_start3A_47 = arith.constant 0 : i32
        %dma_start3A_48 = tpu.memref_slice %arg7[%mul3A_39, %dma_start3A_47] : memref<10128x128xf32, #tpu.memory_space<vmem_shared>> -> memref<632x128xf32, #tpu.memory_space<vmem_shared>>
        tpu.enqueue_dma source(%dma_start3A_48 : memref<632x128xf32, #tpu.memory_space<vmem_shared>>) target(%dma_start3A_46 : memref<632x128xf32, #tpu.memory_space<hbm>>) target_semaphore(%run_scoped3A : memref<!tpu.dma_semaphore, #tpu.memory_space<semaphore_mem>>)
        %dma_wait3A = arith.constant 0 : i32
        %dma_wait3A_49 = tpu.memref_slice %arg6[%add3A_44, %dma_wait3A] : memref<20000x128xf32, #tpu.memory_space<hbm>> -> memref<632x128xf32, #tpu.memory_space<hbm>>
        %dma_wait3A_50 = arith.constant 0 : i32
        %dma_wait3A_51 = tpu.memref_slice %arg7[%mul3A_39, %dma_wait3A_50] : memref<10128x128xf32, #tpu.memory_space<vmem_shared>> -> memref<632x128xf32, #tpu.memory_space<vmem_shared>>
        tpu.wait_dma2 semaphore(%run_scoped3A : memref<!tpu.dma_semaphore, #tpu.memory_space<semaphore_mem>>) src(%dma_wait3A_51 : memref<632x128xf32, #tpu.memory_space<vmem_shared>>) dst(%dma_wait3A_49 : memref<632x128xf32, #tpu.memory_space<hbm>>)
        tpu.yield
      }) : () -> ()
    } else {
    }
    %eq3A_33 = arith.constant 15 : i32
    %eq3A_34 = arith.cmpi eq, %arg1, %eq3A_33 : i32
    %convert_element_type3A_35 = arith.extui %eq3A_34 : i1 to i32
    %cond3A_36 = arith.constant 0 : i32
    %cond3A_37 = arith.cmpi ne, %convert_element_type3A_35, %cond3A_36 : i32
    scf.if %cond3A_37 {
      %mul3A_38 = arith.constant 10000 : i32
      %mul3A_39 = arith.muli %arg0, %mul3A_38 : i32
      %add3A_40 = arith.constant 9480 : i32
      %add3A_41 = arith.addi %mul3A_39, %add3A_40 : i32
      "tpu.region"() ({
        %run_scoped3A = tpu.sem_alloc : memref<!tpu.dma_semaphore, #tpu.memory_space<semaphore_mem>>
        %dma_start3A_42 = arith.constant 0 : i32
        %dma_start3A_43 = tpu.memref_slice %arg6[%add3A_41, %dma_start3A_42] : memref<20000x128xf32, #tpu.memory_space<hbm>> -> memref<520x128xf32, #tpu.memory_space<hbm>>
        %dma_start3A_44 = arith.constant 9480 : i32
        %dma_start3A_45 = arith.constant 0 : i32
        %dma_start3A_46 = tpu.memref_slice %arg7[%dma_start3A_44, %dma_start3A_45] : memref<10128x128xf32, #tpu.memory_space<vmem_shared>> -> memref<520x128xf32, #tpu.memory_space<vmem_shared>>
        tpu.enqueue_dma source(%dma_start3A_46 : memref<520x128xf32, #tpu.memory_space<vmem_shared>>) target(%dma_start3A_43 : memref<520x128xf32, #tpu.memory_space<hbm>>) target_semaphore(%run_scoped3A : memref<!tpu.dma_semaphore, #tpu.memory_space<semaphore_mem>>)
        %dma_wait3A = arith.constant 0 : i32
        %dma_wait3A_47 = tpu.memref_slice %arg6[%add3A_41, %dma_wait3A] : memref<20000x128xf32, #tpu.memory_space<hbm>> -> memref<520x128xf32, #tpu.memory_space<hbm>>
        %dma_wait3A_48 = arith.constant 9480 : i32
        %dma_wait3A_49 = arith.constant 0 : i32
        %dma_wait3A_50 = tpu.memref_slice %arg7[%dma_wait3A_48, %dma_wait3A_49] : memref<10128x128xf32, #tpu.memory_space<vmem_shared>> -> memref<520x128xf32, #tpu.memory_space<vmem_shared>>
        tpu.wait_dma2 semaphore(%run_scoped3A : memref<!tpu.dma_semaphore, #tpu.memory_space<semaphore_mem>>) src(%dma_wait3A_50 : memref<520x128xf32, #tpu.memory_space<vmem_shared>>) dst(%dma_wait3A_47 : memref<520x128xf32, #tpu.memory_space<hbm>>)
        tpu.yield
      }) : () -> ()
    } else {
    }
    return
  }
}

module attributes {stable_mosaic.version = 14 : i64} {
  func.func @_scales_body(%arg0: i32, %arg1: memref<1000x128xf32, #tpu.memory_space<vmem>>, %arg2: memref<1000x32xf32, #tpu.memory_space<vmem>>, %arg3: memref<1000x32xf32, #tpu.memory_space<vmem>>, %arg4: memref<1000x128xf32, #tpu.memory_space<vmem>>, %arg5: memref<1000x128xf32, #tpu.memory_space<vmem>>, %arg6: memref<1000x128xf32, #tpu.memory_space<vmem>>) attributes {dimension_semantics = [#tpu.dimension_semantics<arbitrary>], iteration_bounds = array<i64: 10>, scalar_prefetch = 0 : i64, scratch_operands = 0 : i64, tpu.core_type = #tpu.core_type<tc>, window_params = [{transform_indices = @transform_0, window_bounds = array<i64: 1000, 128>}, {transform_indices = @transform_1, window_bounds = array<i64: 1000, 32>}, {transform_indices = @transform_2, window_bounds = array<i64: 1000, 32>}, {transform_indices = @transform_3, window_bounds = array<i64: 1000, 128>}, {transform_indices = @transform_4, window_bounds = array<i64: 1000, 128>}, {transform_indices = @transform_5, window_bounds = array<i64: 1000, 128>}]} {
    %get3A = arith.constant 0 : index
    %get3A_0 = arith.constant 0 : index
    %get3A_1 = vector.load %arg2[%get3A, %get3A_0] : memref<1000x32xf32, #tpu.memory_space<vmem>>, vector<1000x32xf32>
    %reduce_sum3A = arith.constant dense<0.000000e+00> : vector<1000xf32>
    %reduce_sum3A_2 = vector.multi_reduction <add>, %get3A_1, %reduce_sum3A [1] : vector<1000x32xf32> to vector<1000xf32>
    %broadcast_in_dim3A = vector.shape_cast %reduce_sum3A_2 : vector<1000xf32> to vector<1000x1xf32>
    %get3A_3 = arith.constant 0 : index
    %get3A_4 = arith.constant 0 : index
    %get3A_5 = vector.load %arg3[%get3A_3, %get3A_4] : memref<1000x32xf32, #tpu.memory_space<vmem>>, vector<1000x32xf32>
    %reduce_sum3A_6 = arith.constant dense<0.000000e+00> : vector<1000xf32>
    %reduce_sum3A_7 = vector.multi_reduction <add>, %get3A_5, %reduce_sum3A_6 [1] : vector<1000x32xf32> to vector<1000xf32>
    %broadcast_in_dim3A_8 = vector.shape_cast %reduce_sum3A_7 : vector<1000xf32> to vector<1000x1xf32>
    %max3A = arith.constant 1.000000e+00 : f32
    %max3A_9 = vector.broadcast %max3A : f32 to vector<1000x1xf32>
    %max3A_10 = arith.maximumf %broadcast_in_dim3A, %max3A_9 : vector<1000x1xf32>
    %rsqrt3A = math.rsqrt %max3A_10 : vector<1000x1xf32>
    %max3A_11 = arith.constant 1.000000e+00 : f32
    %max3A_12 = vector.broadcast %max3A_11 : f32 to vector<1000x1xf32>
    %max3A_13 = arith.maximumf %broadcast_in_dim3A_8, %max3A_12 : vector<1000x1xf32>
    %rsqrt3A_14 = math.rsqrt %max3A_13 : vector<1000x1xf32>
    %get3A_15 = arith.constant 0 : index
    %get3A_16 = arith.constant 0 : index
    %get3A_17 = vector.load %arg1[%get3A_15, %get3A_16] : memref<1000x128xf32, #tpu.memory_space<vmem>>, vector<1000x128xf32>
    %mul3A = vector.broadcast %rsqrt3A : vector<1000x1xf32> to vector<1000x128xf32>
    %mul3A_18 = arith.mulf %get3A_17, %mul3A : vector<1000x128xf32>
    %swap3A = arith.constant 0 : index
    %swap3A_19 = arith.constant 0 : index
    %swap3A_20 = vector.load %arg4[%swap3A, %swap3A_19] : memref<1000x128xf32, #tpu.memory_space<vmem>>, vector<1000x128xf32>
    tpu.vector_store %arg4[%swap3A, %swap3A_19], %mul3A_18 {strides = array<i32>} : memref<1000x128xf32, #tpu.memory_space<vmem>>, vector<1000x128xf32>,
    %broadcast_in_dim3A_21 = vector.shape_cast %rsqrt3A : vector<1000x1xf32> to vector<1000x1xf32>
    %broadcast_in_dim3A_22 = vector.broadcast %broadcast_in_dim3A_21 : vector<1000x1xf32> to vector<1000x128xf32>
    %swap3A_23 = arith.constant 0 : index
    %swap3A_24 = arith.constant 0 : index
    %swap3A_25 = vector.load %arg5[%swap3A_23, %swap3A_24] : memref<1000x128xf32, #tpu.memory_space<vmem>>, vector<1000x128xf32>
    tpu.vector_store %arg5[%swap3A_23, %swap3A_24], %broadcast_in_dim3A_22 {strides = array<i32>} : memref<1000x128xf32, #tpu.memory_space<vmem>>, vector<1000x128xf32>,
    %broadcast_in_dim3A_26 = vector.shape_cast %rsqrt3A_14 : vector<1000x1xf32> to vector<1000x1xf32>
    %broadcast_in_dim3A_27 = vector.broadcast %broadcast_in_dim3A_26 : vector<1000x1xf32> to vector<1000x128xf32>
    %swap3A_28 = arith.constant 0 : index
    %swap3A_29 = arith.constant 0 : index
    %swap3A_30 = vector.load %arg6[%swap3A_28, %swap3A_29] : memref<1000x128xf32, #tpu.memory_space<vmem>>, vector<1000x128xf32>
    tpu.vector_store %arg6[%swap3A_28, %swap3A_29], %broadcast_in_dim3A_27 {strides = array<i32>} : memref<1000x128xf32, #tpu.memory_space<vmem>>, vector<1000x128xf32>,
    return
  }
  func.func @transform_0(%arg0: i32) -> (i32, i32) {
    %c0_i32 = arith.constant 0 : i32
    %c0_i32_0 = arith.constant 0 : i32
    return %arg0, %c0_i32 : i32, i32
  }
  func.func @transform_1(%arg0: i32) -> (i32, i32) {
    %c0_i32 = arith.constant 0 : i32
    %c0_i32_0 = arith.constant 0 : i32
    return %arg0, %c0_i32 : i32, i32
  }
  func.func @transform_2(%arg0: i32) -> (i32, i32) {
    %c0_i32 = arith.constant 0 : i32
    %c0_i32_0 = arith.constant 0 : i32
    return %arg0, %c0_i32 : i32, i32
  }
  func.func @transform_3(%arg0: i32) -> (i32, i32) {
    %c0_i32 = arith.constant 0 : i32
    %c0_i32_0 = arith.constant 0 : i32
    return %arg0, %c0_i32 : i32, i32
  }
  func.func @transform_4(%arg0: i32) -> (i32, i32) {
    %c0_i32 = arith.constant 0 : i32
    %c0_i32_0 = arith.constant 0 : i32
    return %arg0, %c0_i32 : i32, i32
  }
  func.func @transform_5(%arg0: i32) -> (i32, i32) {
    %c0_i32 = arith.constant 0 : i32
    %c0_i32_0 = arith.constant 0 : i32
    return %arg0, %c0_i32 : i32, i32
  }
}

module attributes {stable_mosaic.version = 14 : i64} {
  func.func @_layer1_body(%arg0: i32, %arg1: memref<1000x128xf32, #tpu.memory_space<vmem>>, %arg2: memref<1000x128xf32, #tpu.memory_space<vmem>>, %arg3: memref<1000x128xf32, #tpu.memory_space<vmem>>, %arg4: memref<1000x128xf32, #tpu.memory_space<vmem>>, %arg5: memref<128x128xf32, #tpu.memory_space<vmem>>, %arg6: memref<1x128xf32, #tpu.memory_space<vmem>>, %arg7: memref<1x128xf32, #tpu.memory_space<vmem>>, %arg8: memref<1x128xf32, #tpu.memory_space<vmem>>, %arg9: memref<1000x128xf32, #tpu.memory_space<vmem>>, %arg10: memref<1000x128xf32, #tpu.memory_space<vmem>>) attributes {dimension_semantics = [#tpu.dimension_semantics<arbitrary>], iteration_bounds = array<i64: 10>, scalar_prefetch = 0 : i64, scratch_operands = 0 : i64, tpu.core_type = #tpu.core_type<tc>, window_params = [{transform_indices = @transform_0, window_bounds = array<i64: 1000, 128>}, {transform_indices = @transform_1, window_bounds = array<i64: 1000, 128>}, {transform_indices = @transform_2, window_bounds = array<i64: 1000, 128>}, {transform_indices = @transform_3, window_bounds = array<i64: 1000, 128>}, {pipeline_mode = #tpu.pipeline_mode<synchronous>, transform_indices = @transform_4, window_bounds = array<i64: 128, 128>}, {pipeline_mode = #tpu.pipeline_mode<synchronous>, transform_indices = @transform_5, window_bounds = array<i64: 1, 128>}, {pipeline_mode = #tpu.pipeline_mode<synchronous>, transform_indices = @transform_6, window_bounds = array<i64: 1, 128>}, {pipeline_mode = #tpu.pipeline_mode<synchronous>, transform_indices = @transform_7, window_bounds = array<i64: 1, 128>}, {transform_indices = @transform_8, window_bounds = array<i64: 1000, 128>}, {transform_indices = @transform_9, window_bounds = array<i64: 1000, 128>}]} {
    %get3A = arith.constant 0 : index
    %get3A_0 = arith.constant 0 : index
    %get3A_1 = vector.load %arg1[%get3A, %get3A_0] : memref<1000x128xf32, #tpu.memory_space<vmem>>, vector<1000x128xf32>
    %get3A_2 = arith.constant 0 : index
    %get3A_3 = arith.constant 0 : index
    %get3A_4 = vector.load %arg2[%get3A_2, %get3A_3] : memref<1000x128xf32, #tpu.memory_space<vmem>>, vector<1000x128xf32>
    %add3A = arith.addf %get3A_1, %get3A_4 : vector<1000x128xf32>
    %get3A_5 = arith.constant 0 : index
    %get3A_6 = arith.constant 0 : index
    %get3A_7 = vector.load %arg3[%get3A_5, %get3A_6] : memref<1000x128xf32, #tpu.memory_space<vmem>>, vector<1000x128xf32>
    %mul3A = arith.mulf %add3A, %get3A_7 : vector<1000x128xf32>
    %get3A_8 = arith.constant 0 : index
    %get3A_9 = arith.constant 0 : index
    %get3A_10 = vector.load %arg5[%get3A_8, %get3A_9] : memref<128x128xf32, #tpu.memory_space<vmem>>, vector<128x128xf32>
    %dot_general3A = arith.constant dense<0.000000e+00> : vector<1000x128xf32>
    %dot_general3A_11 = tpu.matmul %mul3A, %get3A_10, %dot_general3A {dimension_numbers = #tpu.dot_dimension_numbers<[1], [0], [0], [1], [0, 0, 1, 1], [], []>, precision = #tpu.contract_precision<fp32>, transpose_lhs_hint = false} : vector<1000x128xf32>, vector<128x128xf32>, vector<1000x128xf32> -> vector<1000x128xf32>
    %get3A_12 = arith.constant 0 : index
    %get3A_13 = arith.constant 0 : index
    %get3A_14 = vector.load %arg6[%get3A_12, %get3A_13] : memref<1x128xf32, #tpu.memory_space<vmem>>, vector<1x128xf32>
    %add3A_15 = vector.broadcast %get3A_14 : vector<1x128xf32> to vector<1000x128xf32>
    %add3A_16 = arith.addf %dot_general3A_11, %add3A_15 : vector<1000x128xf32>
    %max3A = arith.constant 0.000000e+00 : f32
    %max3A_17 = vector.broadcast %max3A : f32 to vector<1000x128xf32>
    %max3A_18 = arith.maximumf %add3A_16, %max3A_17 : vector<1000x128xf32>
    %reduce_sum3A = arith.constant dense<0.000000e+00> : vector<1000xf32>
    %reduce_sum3A_19 = vector.multi_reduction <add>, %max3A_18, %reduce_sum3A [1] : vector<1000x128xf32> to vector<1000xf32>
    %broadcast_in_dim3A = vector.shape_cast %reduce_sum3A_19 : vector<1000xf32> to vector<1000x1xf32>
    %div3A = arith.constant 1.280000e+02 : f32
    %div3A_20 = vector.broadcast %div3A : f32 to vector<1000x1xf32>
    %div3A_21 = arith.divf %broadcast_in_dim3A, %div3A_20 : vector<1000x1xf32>
    %sub3A = vector.broadcast %div3A_21 : vector<1000x1xf32> to vector<1000x128xf32>
    %sub3A_22 = arith.subf %max3A_18, %sub3A : vector<1000x128xf32>
    %mul3A_23 = arith.mulf %sub3A_22, %sub3A_22 : vector<1000x128xf32>
    %reduce_sum3A_24 = arith.constant dense<0.000000e+00> : vector<1000xf32>
    %reduce_sum3A_25 = vector.multi_reduction <add>, %mul3A_23, %reduce_sum3A_24 [1] : vector<1000x128xf32> to vector<1000xf32>
    %broadcast_in_dim3A_26 = vector.shape_cast %reduce_sum3A_25 : vector<1000xf32> to vector<1000x1xf32>
    %div3A_27 = arith.constant 1.280000e+02 : f32
    %div3A_28 = vector.broadcast %div3A_27 : f32 to vector<1000x1xf32>
    %div3A_29 = arith.divf %broadcast_in_dim3A_26, %div3A_28 : vector<1000x1xf32>
    %add3A_30 = arith.constant 9.99999974E-6 : f32
    %add3A_31 = vector.broadcast %add3A_30 : f32 to vector<1000x1xf32>
    %add3A_32 = arith.addf %div3A_29, %add3A_31 : vector<1000x1xf32>
    %rsqrt3A = math.rsqrt %add3A_32 : vector<1000x1xf32>
    %mul3A_33 = vector.broadcast %rsqrt3A : vector<1000x1xf32> to vector<1000x128xf32>
    %mul3A_34 = arith.mulf %sub3A_22, %mul3A_33 : vector<1000x128xf32>
    %get3A_35 = arith.constant 0 : index
    %get3A_36 = arith.constant 0 : index
    %get3A_37 = vector.load %arg7[%get3A_35, %get3A_36] : memref<1x128xf32, #tpu.memory_space<vmem>>, vector<1x128xf32>
    %mul3A_38 = vector.broadcast %get3A_37 : vector<1x128xf32> to vector<1000x128xf32>
    %mul3A_39 = arith.mulf %mul3A_34, %mul3A_38 : vector<1000x128xf32>
    %get3A_40 = arith.constant 0 : index
    %get3A_41 = arith.constant 0 : index
    %get3A_42 = vector.load %arg8[%get3A_40, %get3A_41] : memref<1x128xf32, #tpu.memory_space<vmem>>, vector<1x128xf32>
    %add3A_43 = vector.broadcast %get3A_42 : vector<1x128xf32> to vector<1000x128xf32>
    %add3A_44 = arith.addf %mul3A_39, %add3A_43 : vector<1000x128xf32>
    %swap3A = arith.constant 0 : index
    %swap3A_45 = arith.constant 0 : index
    %swap3A_46 = vector.load %arg9[%swap3A, %swap3A_45] : memref<1000x128xf32, #tpu.memory_space<vmem>>, vector<1000x128xf32>
    tpu.vector_store %arg9[%swap3A, %swap3A_45], %add3A_44 {strides = array<i32>} : memref<1000x128xf32, #tpu.memory_space<vmem>>, vector<1000x128xf32>,
    %get3A_47 = arith.constant 0 : index
    %get3A_48 = arith.constant 0 : index
    %get3A_49 = vector.load %arg4[%get3A_47, %get3A_48] : memref<1000x128xf32, #tpu.memory_space<vmem>>, vector<1000x128xf32>
    %mul3A_50 = arith.mulf %add3A_44, %get3A_49 : vector<1000x128xf32>
    %swap3A_51 = arith.constant 0 : index
    %swap3A_52 = arith.constant 0 : index
    %swap3A_53 = vector.load %arg10[%swap3A_51, %swap3A_52] : memref<1000x128xf32, #tpu.memory_space<vmem>>, vector<1000x128xf32>
    tpu.vector_store %arg10[%swap3A_51, %swap3A_52], %mul3A_50 {strides = array<i32>} : memref<1000x128xf32, #tpu.memory_space<vmem>>, vector<1000x128xf32>,
    return
  }
  func.func @transform_0(%arg0: i32) -> (i32, i32) {
    %c0_i32 = arith.constant 0 : i32
    %c0_i32_0 = arith.constant 0 : i32
    return %arg0, %c0_i32 : i32, i32
  }
  func.func @transform_1(%arg0: i32) -> (i32, i32) {
    %c0_i32 = arith.constant 0 : i32
    %c0_i32_0 = arith.constant 0 : i32
    return %arg0, %c0_i32 : i32, i32
  }
  func.func @transform_2(%arg0: i32) -> (i32, i32) {
    %c0_i32 = arith.constant 0 : i32
    %c0_i32_0 = arith.constant 0 : i32
    return %arg0, %c0_i32 : i32, i32
  }
  func.func @transform_3(%arg0: i32) -> (i32, i32) {
    %c0_i32 = arith.constant 0 : i32
    %c0_i32_0 = arith.constant 0 : i32
    return %arg0, %c0_i32 : i32, i32
  }
  func.func @transform_4(%arg0: i32) -> (i32, i32) {
    %c0_i32 = arith.constant 0 : i32
    %c0_i32_0 = arith.constant 0 : i32
    %c0_i32_1 = arith.constant 0 : i32
    return %c0_i32, %c0_i32_0 : i32, i32
  }
  func.func @transform_5(%arg0: i32) -> (i32, i32) {
    %c0_i32 = arith.constant 0 : i32
    %c0_i32_0 = arith.constant 0 : i32
    %c0_i32_1 = arith.constant 0 : i32
    return %c0_i32, %c0_i32_0 : i32, i32
  }
  func.func @transform_6(%arg0: i32) -> (i32, i32) {
    %c0_i32 = arith.constant 0 : i32
    %c0_i32_0 = arith.constant 0 : i32
    %c0_i32_1 = arith.constant 0 : i32
    return %c0_i32, %c0_i32_0 : i32, i32
  }
  func.func @transform_7(%arg0: i32) -> (i32, i32) {
    %c0_i32 = arith.constant 0 : i32
    %c0_i32_0 = arith.constant 0 : i32
    %c0_i32_1 = arith.constant 0 : i32
    return %c0_i32, %c0_i32_0 : i32, i32
  }
  func.func @transform_8(%arg0: i32) -> (i32, i32) {
    %c0_i32 = arith.constant 0 : i32
    %c0_i32_0 = arith.constant 0 : i32
    return %arg0, %c0_i32 : i32, i32
  }
  func.func @transform_9(%arg0: i32) -> (i32, i32) {
    %c0_i32 = arith.constant 0 : i32
    %c0_i32_0 = arith.constant 0 : i32
    return %arg0, %c0_i32 : i32, i32
  }
}

module attributes {stable_mosaic.version = 14 : i64} {
  func.func @_layer2_body(%arg0: i32, %arg1: memref<1000x128xf32, #tpu.memory_space<vmem>>, %arg2: memref<1000x128xf32, #tpu.memory_space<vmem>>, %arg3: memref<1000x128xf32, #tpu.memory_space<vmem>>, %arg4: memref<128x128xf32, #tpu.memory_space<vmem>>, %arg5: memref<1x128xf32, #tpu.memory_space<vmem>>, %arg6: memref<128x128xf32, #tpu.memory_space<vmem>>, %arg7: memref<1x128xf32, #tpu.memory_space<vmem>>, %arg8: memref<128x128xf32, #tpu.memory_space<vmem>>, %arg9: memref<1x128xf32, #tpu.memory_space<vmem>>, %arg10: memref<1000x128xf32, #tpu.memory_space<vmem>>, %arg11: memref<1000x128xf32, #tpu.memory_space<vmem>>, %arg12: memref<1x1xf32, #tpu.memory_space<smem>>, %arg13: memref<1xf32, #tpu.memory_space<smem>>) attributes {dimension_semantics = [#tpu.dimension_semantics<arbitrary>], iteration_bounds = array<i64: 10>, scalar_prefetch = 0 : i64, scratch_operands = 1 : i64, tpu.core_type = #tpu.core_type<tc>, window_params = [{transform_indices = @transform_0, window_bounds = array<i64: 1000, 128>}, {transform_indices = @transform_1, window_bounds = array<i64: 1000, 128>}, {transform_indices = @transform_2, window_bounds = array<i64: 1000, 128>}, {pipeline_mode = #tpu.pipeline_mode<synchronous>, transform_indices = @transform_3, window_bounds = array<i64: 128, 128>}, {pipeline_mode = #tpu.pipeline_mode<synchronous>, transform_indices = @transform_4, window_bounds = array<i64: 1, 128>}, {pipeline_mode = #tpu.pipeline_mode<synchronous>, transform_indices = @transform_5, window_bounds = array<i64: 128, 128>}, {pipeline_mode = #tpu.pipeline_mode<synchronous>, transform_indices = @transform_6, window_bounds = array<i64: 1, 128>}, {pipeline_mode = #tpu.pipeline_mode<synchronous>, transform_indices = @transform_7, window_bounds = array<i64: 128, 128>}, {pipeline_mode = #tpu.pipeline_mode<synchronous>, transform_indices = @transform_8, window_bounds = array<i64: 1, 128>}, {transform_indices = @transform_9, window_bounds = array<i64: 1000, 128>}, {transform_indices = @transform_10, window_bounds = array<i64: 1000, 128>}, {transform_indices = @transform_11, window_bounds = array<i64: 1, 1>}]} {
    %eq3A = arith.constant 0 : i32
    %eq3A_0 = arith.cmpi eq, %arg0, %eq3A : i32
    %convert_element_type3A = arith.extui %eq3A_0 : i1 to i32
    %cond3A = arith.constant 0 : i32
    %cond3A_1 = arith.cmpi ne, %convert_element_type3A, %cond3A : i32
    scf.if %cond3A_1 {
      %swap3A_61 = arith.constant 0.000000e+00 : f32
      %swap3A_62 = arith.constant 0 : index
      %swap3A_63 = memref.load %arg13[%swap3A_62] : memref<1xf32, #tpu.memory_space<smem>>
      memref.store %swap3A_61, %arg13[%swap3A_62] : memref<1xf32, #tpu.memory_space<smem>>
    } else {
    }
    %get3A = arith.constant 0 : index
    %get3A_2 = arith.constant 0 : index
    %get3A_3 = vector.load %arg1[%get3A, %get3A_2] : memref<1000x128xf32, #tpu.memory_space<vmem>>, vector<1000x128xf32>
    %get3A_4 = arith.constant 0 : index
    %get3A_5 = arith.constant 0 : index
    %get3A_6 = vector.load %arg2[%get3A_4, %get3A_5] : memref<1000x128xf32, #tpu.memory_space<vmem>>, vector<1000x128xf32>
    %add3A = arith.addf %get3A_3, %get3A_6 : vector<1000x128xf32>
    %get3A_7 = arith.constant 0 : index
    %get3A_8 = arith.constant 0 : index
    %get3A_9 = vector.load %arg3[%get3A_7, %get3A_8] : memref<1000x128xf32, #tpu.memory_space<vmem>>, vector<1000x128xf32>
    %mul3A = arith.mulf %add3A, %get3A_9 : vector<1000x128xf32>
    %get3A_10 = arith.constant 0 : index
    %get3A_11 = arith.constant 0 : index
    %get3A_12 = vector.load %arg4[%get3A_10, %get3A_11] : memref<128x128xf32, #tpu.memory_space<vmem>>, vector<128x128xf32>
    %dot_general3A = arith.constant dense<0.000000e+00> : vector<1000x128xf32>
    %dot_general3A_13 = tpu.matmul %mul3A, %get3A_12, %dot_general3A {dimension_numbers = #tpu.dot_dimension_numbers<[1], [0], [0], [1], [0, 0, 1, 1], [], []>, precision = #tpu.contract_precision<fp32>, transpose_lhs_hint = false} : vector<1000x128xf32>, vector<128x128xf32>, vector<1000x128xf32> -> vector<1000x128xf32>
    %get3A_14 = arith.constant 0 : index
    %get3A_15 = arith.constant 0 : index
    %get3A_16 = vector.load %arg5[%get3A_14, %get3A_15] : memref<1x128xf32, #tpu.memory_space<vmem>>, vector<1x128xf32>
    %add3A_17 = vector.broadcast %get3A_16 : vector<1x128xf32> to vector<1000x128xf32>
    %add3A_18 = arith.addf %dot_general3A_13, %add3A_17 : vector<1000x128xf32>
    %max3A = arith.constant 0.000000e+00 : f32
    %max3A_19 = vector.broadcast %max3A : f32 to vector<1000x128xf32>
    %max3A_20 = arith.maximumf %add3A_18, %max3A_19 : vector<1000x128xf32>
    %get3A_21 = arith.constant 0 : index
    %get3A_22 = arith.constant 0 : index
    %get3A_23 = vector.load %arg6[%get3A_21, %get3A_22] : memref<128x128xf32, #tpu.memory_space<vmem>>, vector<128x128xf32>
    %dot_general3A_24 = arith.constant dense<0.000000e+00> : vector<1000x128xf32>
    %dot_general3A_25 = tpu.matmul %max3A_20, %get3A_23, %dot_general3A_24 {dimension_numbers = #tpu.dot_dimension_numbers<[1], [0], [0], [1], [0, 0, 1, 1], [], []>, precision = #tpu.contract_precision<fp32>, transpose_lhs_hint = false} : vector<1000x128xf32>, vector<128x128xf32>, vector<1000x128xf32> -> vector<1000x128xf32>
    %get3A_26 = arith.constant 0 : index
    %get3A_27 = arith.constant 0 : index
    %get3A_28 = vector.load %arg7[%get3A_26, %get3A_27] : memref<1x128xf32, #tpu.memory_space<vmem>>, vector<1x128xf32>
    %add3A_29 = vector.broadcast %get3A_28 : vector<1x128xf32> to vector<1000x128xf32>
    %add3A_30 = arith.addf %dot_general3A_25, %add3A_29 : vector<1000x128xf32>
    %get3A_31 = arith.constant 0 : index
    %get3A_32 = arith.constant 0 : index
    %get3A_33 = vector.load %arg8[%get3A_31, %get3A_32] : memref<128x128xf32, #tpu.memory_space<vmem>>, vector<128x128xf32>
    %dot_general3A_34 = arith.constant dense<0.000000e+00> : vector<1000x128xf32>
    %dot_general3A_35 = tpu.matmul %max3A_20, %get3A_33, %dot_general3A_34 {dimension_numbers = #tpu.dot_dimension_numbers<[1], [0], [0], [1], [0, 0, 1, 1], [], []>, precision = #tpu.contract_precision<fp32>, transpose_lhs_hint = false} : vector<1000x128xf32>, vector<128x128xf32>, vector<1000x128xf32> -> vector<1000x128xf32>
    %get3A_36 = arith.constant 0 : index
    %get3A_37 = arith.constant 0 : index
    %get3A_38 = vector.load %arg9[%get3A_36, %get3A_37] : memref<1x128xf32, #tpu.memory_space<vmem>>, vector<1x128xf32>
    %add3A_39 = vector.broadcast %get3A_38 : vector<1x128xf32> to vector<1000x128xf32>
    %add3A_40 = arith.addf %dot_general3A_35, %add3A_39 : vector<1000x128xf32>
    %swap3A = arith.constant 0 : index
    %swap3A_41 = arith.constant 0 : index
    %swap3A_42 = vector.load %arg10[%swap3A, %swap3A_41] : memref<1000x128xf32, #tpu.memory_space<vmem>>, vector<1000x128xf32>
    tpu.vector_store %arg10[%swap3A, %swap3A_41], %max3A_20 {strides = array<i32>} : memref<1000x128xf32, #tpu.memory_space<vmem>>, vector<1000x128xf32>,
    %swap3A_43 = arith.constant 0 : index
    %swap3A_44 = arith.constant 0 : index
    %swap3A_45 = vector.load %arg11[%swap3A_43, %swap3A_44] : memref<1000x128xf32, #tpu.memory_space<vmem>>, vector<1000x128xf32>
    tpu.vector_store %arg11[%swap3A_43, %swap3A_44], %add3A_30 {strides = array<i32>} : memref<1000x128xf32, #tpu.memory_space<vmem>>, vector<1000x128xf32>,
    %sub3A = arith.subf %max3A_20, %add3A_40 : vector<1000x128xf32>
    %get3A_46 = arith.constant 0 : index
    %get3A_47 = memref.load %arg13[%get3A_46] : memref<1xf32, #tpu.memory_space<smem>>
    %mul3A_48 = arith.mulf %sub3A, %sub3A : vector<1000x128xf32>
    %reduce_sum3A = vector.shape_cast %mul3A_48 : vector<1000x128xf32> to vector<1x1000x128xf32>
    %reduce_sum3A_49 = arith.constant dense<0.000000e+00> : vector<1xf32>
    %reduce_sum3A_50 = vector.multi_reduction <add>, %reduce_sum3A, %reduce_sum3A_49 [1, 2] : vector<1x1000x128xf32> to vector<1xf32>
    %reduce_sum3A_51 = vector.shape_cast %reduce_sum3A_50 : vector<1xf32> to vector<1x1x1xf32>
    %reduce_sum3A_52 = vector.extract %reduce_sum3A_51[0, 0, 0] : f32 from vector<1x1x1xf32>
    %add3A_53 = arith.addf %get3A_47, %reduce_sum3A_52 : f32
    %swap3A_54 = arith.constant 0 : index
    %swap3A_55 = memref.load %arg13[%swap3A_54] : memref<1xf32, #tpu.memory_space<smem>>
    memref.store %add3A_53, %arg13[%swap3A_54] : memref<1xf32, #tpu.memory_space<smem>>
    %eq3A_56 = arith.constant 9 : i32
    %eq3A_57 = arith.cmpi eq, %arg0, %eq3A_56 : i32
    %convert_element_type3A_58 = arith.extui %eq3A_57 : i1 to i32
    %cond3A_59 = arith.constant 0 : i32
    %cond3A_60 = arith.cmpi ne, %convert_element_type3A_58, %cond3A_59 : i32
    scf.if %cond3A_60 {
      %get3A_61 = arith.constant 0 : index
      %get3A_62 = memref.load %arg13[%get3A_61] : memref<1xf32, #tpu.memory_space<smem>>
      %swap3A_63 = arith.constant 0 : index
      %swap3A_64 = arith.constant 0 : index
      %swap3A_65 = memref.load %arg12[%swap3A_63, %swap3A_64] : memref<1x1xf32, #tpu.memory_space<smem>>
      memref.store %get3A_62, %arg12[%swap3A_63, %swap3A_64] : memref<1x1xf32, #tpu.memory_space<smem>>
    } else {
    }
    return
  }
  func.func @transform_0(%arg0: i32) -> (i32, i32) {
    %c0_i32 = arith.constant 0 : i32
    %c0_i32_0 = arith.constant 0 : i32
    return %arg0, %c0_i32 : i32, i32
  }
  func.func @transform_1(%arg0: i32) -> (i32, i32) {
    %c0_i32 = arith.constant 0 : i32
    %c0_i32_0 = arith.constant 0 : i32
    return %arg0, %c0_i32 : i32, i32
  }
  func.func @transform_2(%arg0: i32) -> (i32, i32) {
    %c0_i32 = arith.constant 0 : i32
    %c0_i32_0 = arith.constant 0 : i32
    return %arg0, %c0_i32 : i32, i32
  }
  func.func @transform_3(%arg0: i32) -> (i32, i32) {
    %c0_i32 = arith.constant 0 : i32
    %c0_i32_0 = arith.constant 0 : i32
    %c0_i32_1 = arith.constant 0 : i32
    return %c0_i32, %c0_i32_0 : i32, i32
  }
  func.func @transform_4(%arg0: i32) -> (i32, i32) {
    %c0_i32 = arith.constant 0 : i32
    %c0_i32_0 = arith.constant 0 : i32
    %c0_i32_1 = arith.constant 0 : i32
    return %c0_i32, %c0_i32_0 : i32, i32
  }
  func.func @transform_5(%arg0: i32) -> (i32, i32) {
    %c0_i32 = arith.constant 0 : i32
    %c0_i32_0 = arith.constant 0 : i32
    %c0_i32_1 = arith.constant 0 : i32
    return %c0_i32, %c0_i32_0 : i32, i32
  }
  func.func @transform_6(%arg0: i32) -> (i32, i32) {
    %c0_i32 = arith.constant 0 : i32
    %c0_i32_0 = arith.constant 0 : i32
    %c0_i32_1 = arith.constant 0 : i32
    return %c0_i32, %c0_i32_0 : i32, i32
  }
  func.func @transform_7(%arg0: i32) -> (i32, i32) {
    %c0_i32 = arith.constant 0 : i32
    %c0_i32_0 = arith.constant 0 : i32
    %c0_i32_1 = arith.constant 0 : i32
    return %c0_i32, %c0_i32_0 : i32, i32
  }
  func.func @transform_8(%arg0: i32) -> (i32, i32) {
    %c0_i32 = arith.constant 0 : i32
    %c0_i32_0 = arith.constant 0 : i32
    %c0_i32_1 = arith.constant 0 : i32
    return %c0_i32, %c0_i32_0 : i32, i32
  }
  func.func @transform_9(%arg0: i32) -> (i32, i32) {
    %c0_i32 = arith.constant 0 : i32
    %c0_i32_0 = arith.constant 0 : i32
    return %arg0, %c0_i32 : i32, i32
  }
  func.func @transform_10(%arg0: i32) -> (i32, i32) {
    %c0_i32 = arith.constant 0 : i32
    %c0_i32_0 = arith.constant 0 : i32
    return %arg0, %c0_i32 : i32, i32
  }
  func.func @transform_11(%arg0: i32) -> (i32, i32) {
    %c0_i32 = arith.constant 0 : i32
    %c0_i32_0 = arith.constant 0 : i32
    %c0_i32_1 = arith.constant 0 : i32
    return %c0_i32, %c0_i32_0 : i32, i32
  }
}

module attributes {stable_mosaic.version = 14 : i64} {
  func.func @_loss_body(%arg0: i32, %arg1: memref<55xi32, #tpu.memory_space<smem>>, %arg2: memref<55xi32, #tpu.memory_space<smem>>, %arg3: memref<1024x128xf32, #tpu.memory_space<vmem>>, %arg4: memref<1024x128xf32, #tpu.memory_space<vmem>>, %arg5: memref<1x1xf32, #tpu.memory_space<smem>>, %arg6: memref<1xf32, #tpu.memory_space<smem>>) attributes {dimension_semantics = [#tpu.dimension_semantics<arbitrary>], iteration_bounds = array<i64: 55>, scalar_prefetch = 2 : i64, scratch_operands = 1 : i64, tpu.core_type = #tpu.core_type<tc>, window_params = [{transform_indices = @transform_0, window_bounds = array<i64: 1024, 128>}, {transform_indices = @transform_1, window_bounds = array<i64: 1024, 128>}, {transform_indices = @transform_2, window_bounds = array<i64: 1, 1>}]} {
    %get3A = arith.index_cast %arg0 : i32 to index
    %get3A_0 = memref.load %arg1[%get3A] : memref<55xi32, #tpu.memory_space<smem>>
    %get3A_1 = arith.index_cast %arg0 : i32 to index
    %get3A_2 = memref.load %arg2[%get3A_1] : memref<55xi32, #tpu.memory_space<smem>>
    %eq3A = arith.constant 0 : i32
    %eq3A_3 = arith.cmpi eq, %arg0, %eq3A : i32
    %convert_element_type3A = arith.extui %eq3A_3 : i1 to i32
    %cond3A = arith.constant 0 : i32
    %cond3A_4 = arith.cmpi ne, %convert_element_type3A, %cond3A : i32
    scf.if %cond3A_4 {
      %swap3A = arith.constant 0.000000e+00 : f32
      %swap3A_72 = arith.constant 0 : index
      %swap3A_73 = memref.load %arg6[%swap3A_72] : memref<1xf32, #tpu.memory_space<smem>>
      memref.store %swap3A, %arg6[%swap3A_72] : memref<1xf32, #tpu.memory_space<smem>>
    } else {
    }
    %get3A_5 = arith.constant 0 : index
    %get3A_6 = arith.constant 0 : index
    %get3A_7 = vector.load %arg4[%get3A_5, %get3A_6] : memref<1024x128xf32, #tpu.memory_space<vmem>>, vector<512x128xf32>
    %get3A_8 = arith.constant 0 : index
    %get3A_9 = arith.constant 0 : index
    %get3A_10 = vector.load %arg3[%get3A_8, %get3A_9] : memref<1024x128xf32, #tpu.memory_space<vmem>>, vector<1024x128xf32>
    %dot_general3A = arith.constant dense<0.000000e+00> : vector<1024x512xf32>
    %dot_general3A_11 = tpu.matmul %get3A_10, %get3A_7, %dot_general3A {dimension_numbers = #tpu.dot_dimension_numbers<[1], [1], [0], [0], [0, 0, 1, 0], [], []>, precision = #tpu.contract_precision<fp32>, transpose_lhs_hint = false} : vector<1024x128xf32>, vector<512x128xf32>, vector<1024x512xf32> -> vector<1024x512xf32>
    %max3A = arith.constant 0.000000e+00 : f32
    %max3A_12 = vector.broadcast %max3A : f32 to vector<1024x512xf32>
    %max3A_13 = arith.maximumf %dot_general3A_11, %max3A_12 : vector<1024x512xf32>
    %abs3A = math.absf %dot_general3A_11 : vector<1024x512xf32>
    %neg3A = arith.constant 0.000000e+00 : f32
    %neg3A_14 = vector.broadcast %neg3A : f32 to vector<1024x512xf32>
    %neg3A_15 = arith.subf %neg3A_14, %abs3A : vector<1024x512xf32>
    %exp3A = math.exp %neg3A_15 : vector<1024x512xf32>
    %log1p3A = math.log1p %exp3A : vector<1024x512xf32>
    %add3A = arith.addf %max3A_13, %log1p3A : vector<1024x512xf32>
    %gt3A = arith.cmpi sgt, %get3A_2, %get3A_0 : i32
    %lt3A = arith.constant 9 : i32
    %lt3A_16 = arith.cmpi slt, %get3A_2, %lt3A : i32
    %and3A = arith.andi %gt3A, %lt3A_16 : i1
    %convert_element_type3A_17 = arith.extui %and3A : i1 to i32
    %cond3A_18 = arith.constant 0 : i32
    %cond3A_19 = arith.cmpi ne, %convert_element_type3A_17, %cond3A_18 : i32
    scf.if %cond3A_19 {
      %get3A_72 = arith.constant 0 : index
      %get3A_73 = memref.load %arg6[%get3A_72] : memref<1xf32, #tpu.memory_space<smem>>
      %reduce_sum3A = vector.shape_cast %add3A : vector<1024x512xf32> to vector<1x1024x512xf32>
      %reduce_sum3A_74 = arith.constant dense<0.000000e+00> : vector<1xf32>
      %reduce_sum3A_75 = vector.multi_reduction <add>, %reduce_sum3A, %reduce_sum3A_74 [1, 2] : vector<1x1024x512xf32> to vector<1xf32>
      %reduce_sum3A_76 = vector.shape_cast %reduce_sum3A_75 : vector<1xf32> to vector<1x1x1xf32>
      %reduce_sum3A_77 = vector.extract %reduce_sum3A_76[0, 0, 0] : f32 from vector<1x1x1xf32>
      %add3A_78 = arith.addf %get3A_73, %reduce_sum3A_77 : f32
      %swap3A = arith.constant 0 : index
      %swap3A_79 = memref.load %arg6[%swap3A] : memref<1xf32, #tpu.memory_space<smem>>
      memref.store %add3A_78, %arg6[%swap3A] : memref<1xf32, #tpu.memory_space<smem>>
    } else {
    }
    %gt3A_20 = arith.cmpi sgt, %get3A_2, %get3A_0 : i32
    %eq3A_21 = arith.constant 9 : i32
    %eq3A_22 = arith.cmpi eq, %get3A_2, %eq3A_21 : i32
    %and3A_23 = arith.andi %gt3A_20, %eq3A_22 : i1
    %convert_element_type3A_24 = arith.extui %and3A_23 : i1 to i32
    %cond3A_25 = arith.constant 0 : i32
    %cond3A_26 = arith.cmpi ne, %convert_element_type3A_24, %cond3A_25 : i32
    scf.if %cond3A_26 {
      %mul3A = arith.constant 1024 : i32
      %mul3A_72 = arith.muli %get3A_2, %mul3A : i32
      %add3A_73 = arith.constant 0 : i32
      %add3A_74 = arith.addi %mul3A_72, %add3A_73 : i32
      %iota3A = tpu.iota {dimensions = array<i32: 1>} : vector<1024x512xi32>
      %add3A_75 = vector.broadcast %add3A_74 : i32 to vector<1024x512xi32>
      %add3A_76 = arith.addi %add3A_75, %iota3A : vector<1024x512xi32>
      %get3A_77 = arith.constant 0 : index
      %get3A_78 = memref.load %arg6[%get3A_77] : memref<1xf32, #tpu.memory_space<smem>>
      %lt3A_79 = arith.constant 10000 : i32
      %lt3A_80 = vector.broadcast %lt3A_79 : i32 to vector<1024x512xi32>
      %lt3A_81 = arith.cmpi slt, %add3A_76, %lt3A_80 : vector<1024x512xi32>
      %jit3A = arith.constant 0.000000e+00 : f32
      %broadcast_in_dim3A = vector.broadcast %jit3A : f32 to vector<1024x512xf32>
      %select_n3A = arith.select %lt3A_81, %add3A, %broadcast_in_dim3A : vector<1024x512xi1>, vector<1024x512xf32>
      %reduce_sum3A = vector.shape_cast %select_n3A : vector<1024x512xf32> to vector<1x1024x512xf32>
      %reduce_sum3A_82 = arith.constant dense<0.000000e+00> : vector<1xf32>
      %reduce_sum3A_83 = vector.multi_reduction <add>, %reduce_sum3A, %reduce_sum3A_82 [1, 2] : vector<1x1024x512xf32> to vector<1xf32>
      %reduce_sum3A_84 = vector.shape_cast %reduce_sum3A_83 : vector<1xf32> to vector<1x1x1xf32>
      %reduce_sum3A_85 = vector.extract %reduce_sum3A_84[0, 0, 0] : f32 from vector<1x1x1xf32>
      %add3A_86 = arith.addf %get3A_78, %reduce_sum3A_85 : f32
      %swap3A = arith.constant 0 : index
      %swap3A_87 = memref.load %arg6[%swap3A] : memref<1xf32, #tpu.memory_space<smem>>
      memref.store %add3A_86, %arg6[%swap3A] : memref<1xf32, #tpu.memory_space<smem>>
    } else {
    }
    %eq3A_27 = arith.cmpi eq, %get3A_2, %get3A_0 : i32
    %convert_element_type3A_28 = arith.extui %eq3A_27 : i1 to i32
    %cond3A_29 = arith.constant 0 : i32
    %cond3A_30 = arith.cmpi ne, %convert_element_type3A_28, %cond3A_29 : i32
    scf.if %cond3A_30 {
      %iota3A = tpu.iota {dimensions = array<i32: 0>} : vector<1024x512xi32>
      %iota3A_72 = tpu.iota {dimensions = array<i32: 1>} : vector<1024x512xi32>
      %add3A_73 = arith.constant 0 : i32
      %add3A_74 = vector.broadcast %add3A_73 : i32 to vector<1024x512xi32>
      %add3A_75 = arith.addi %add3A_74, %iota3A_72 : vector<1024x512xi32>
      %mul3A = arith.constant 1024 : i32
      %mul3A_76 = arith.muli %get3A_2, %mul3A : i32
      %add3A_77 = vector.broadcast %mul3A_76 : i32 to vector<1024x512xi32>
      %add3A_78 = arith.addi %add3A_77, %add3A_75 : vector<1024x512xi32>
      %get3A_79 = arith.constant 0 : index
      %get3A_80 = memref.load %arg6[%get3A_79] : memref<1xf32, #tpu.memory_space<smem>>
      %lt3A_81 = arith.cmpi slt, %iota3A, %add3A_75 : vector<1024x512xi32>
      %lt3A_82 = arith.constant 10000 : i32
      %lt3A_83 = vector.broadcast %lt3A_82 : i32 to vector<1024x512xi32>
      %lt3A_84 = arith.cmpi slt, %add3A_78, %lt3A_83 : vector<1024x512xi32>
      %and3A_85 = arith.andi %lt3A_81, %lt3A_84 : vector<1024x512xi1>
      %jit3A = arith.constant 0.000000e+00 : f32
      %broadcast_in_dim3A = vector.broadcast %jit3A : f32 to vector<1024x512xf32>
      %select_n3A = arith.select %and3A_85, %add3A, %broadcast_in_dim3A : vector<1024x512xi1>, vector<1024x512xf32>
      %reduce_sum3A = vector.shape_cast %select_n3A : vector<1024x512xf32> to vector<1x1024x512xf32>
      %reduce_sum3A_86 = arith.constant dense<0.000000e+00> : vector<1xf32>
      %reduce_sum3A_87 = vector.multi_reduction <add>, %reduce_sum3A, %reduce_sum3A_86 [1, 2] : vector<1x1024x512xf32> to vector<1xf32>
      %reduce_sum3A_88 = vector.shape_cast %reduce_sum3A_87 : vector<1xf32> to vector<1x1x1xf32>
      %reduce_sum3A_89 = vector.extract %reduce_sum3A_88[0, 0, 0] : f32 from vector<1x1x1xf32>
      %add3A_90 = arith.addf %get3A_80, %reduce_sum3A_89 : f32
      %swap3A = arith.constant 0 : index
      %swap3A_91 = memref.load %arg6[%swap3A] : memref<1xf32, #tpu.memory_space<smem>>
      memref.store %add3A_90, %arg6[%swap3A] : memref<1xf32, #tpu.memory_space<smem>>
    } else {
    }
    %get3A_31 = arith.constant 512 : index
    %get3A_32 = arith.constant 0 : index
    %get3A_33 = vector.load %arg4[%get3A_31, %get3A_32] : memref<1024x128xf32, #tpu.memory_space<vmem>>, vector<512x128xf32>
    %get3A_34 = arith.constant 0 : index
    %get3A_35 = arith.constant 0 : index
    %get3A_36 = vector.load %arg3[%get3A_34, %get3A_35] : memref<1024x128xf32, #tpu.memory_space<vmem>>, vector<1024x128xf32>
    %dot_general3A_37 = arith.constant dense<0.000000e+00> : vector<1024x512xf32>
    %dot_general3A_38 = tpu.matmul %get3A_36, %get3A_33, %dot_general3A_37 {dimension_numbers = #tpu.dot_dimension_numbers<[1], [1], [0], [0], [0, 0, 1, 0], [], []>, precision = #tpu.contract_precision<fp32>, transpose_lhs_hint = false} : vector<1024x128xf32>, vector<512x128xf32>, vector<1024x512xf32> -> vector<1024x512xf32>
    %max3A_39 = arith.constant 0.000000e+00 : f32
    %max3A_40 = vector.broadcast %max3A_39 : f32 to vector<1024x512xf32>
    %max3A_41 = arith.maximumf %dot_general3A_38, %max3A_40 : vector<1024x512xf32>
    %abs3A_42 = math.absf %dot_general3A_38 : vector<1024x512xf32>
    %neg3A_43 = arith.constant 0.000000e+00 : f32
    %neg3A_44 = vector.broadcast %neg3A_43 : f32 to vector<1024x512xf32>
    %neg3A_45 = arith.subf %neg3A_44, %abs3A_42 : vector<1024x512xf32>
    %exp3A_46 = math.exp %neg3A_45 : vector<1024x512xf32>
    %log1p3A_47 = math.log1p %exp3A_46 : vector<1024x512xf32>
    %add3A_48 = arith.addf %max3A_41, %log1p3A_47 : vector<1024x512xf32>
    %gt3A_49 = arith.cmpi sgt, %get3A_2, %get3A_0 : i32
    %lt3A_50 = arith.constant 9 : i32
    %lt3A_51 = arith.cmpi slt, %get3A_2, %lt3A_50 : i32
    %and3A_52 = arith.andi %gt3A_49, %lt3A_51 : i1
    %convert_element_type3A_53 = arith.extui %and3A_52 : i1 to i32
    %cond3A_54 = arith.constant 0 : i32
    %cond3A_55 = arith.cmpi ne, %convert_element_type3A_53, %cond3A_54 : i32
    scf.if %cond3A_55 {
      %get3A_72 = arith.constant 0 : index
      %get3A_73 = memref.load %arg6[%get3A_72] : memref<1xf32, #tpu.memory_space<smem>>
      %reduce_sum3A = vector.shape_cast %add3A_48 : vector<1024x512xf32> to vector<1x1024x512xf32>
      %reduce_sum3A_74 = arith.constant dense<0.000000e+00> : vector<1xf32>
      %reduce_sum3A_75 = vector.multi_reduction <add>, %reduce_sum3A, %reduce_sum3A_74 [1, 2] : vector<1x1024x512xf32> to vector<1xf32>
      %reduce_sum3A_76 = vector.shape_cast %reduce_sum3A_75 : vector<1xf32> to vector<1x1x1xf32>
      %reduce_sum3A_77 = vector.extract %reduce_sum3A_76[0, 0, 0] : f32 from vector<1x1x1xf32>
      %add3A_78 = arith.addf %get3A_73, %reduce_sum3A_77 : f32
      %swap3A = arith.constant 0 : index
      %swap3A_79 = memref.load %arg6[%swap3A] : memref<1xf32, #tpu.memory_space<smem>>
      memref.store %add3A_78, %arg6[%swap3A] : memref<1xf32, #tpu.memory_space<smem>>
    } else {
    }
    %gt3A_56 = arith.cmpi sgt, %get3A_2, %get3A_0 : i32
    %eq3A_57 = arith.constant 9 : i32
    %eq3A_58 = arith.cmpi eq, %get3A_2, %eq3A_57 : i32
    %and3A_59 = arith.andi %gt3A_56, %eq3A_58 : i1
    %convert_element_type3A_60 = arith.extui %and3A_59 : i1 to i32
    %cond3A_61 = arith.constant 0 : i32
    %cond3A_62 = arith.cmpi ne, %convert_element_type3A_60, %cond3A_61 : i32
    scf.if %cond3A_62 {
      %mul3A = arith.constant 1024 : i32
      %mul3A_72 = arith.muli %get3A_2, %mul3A : i32
      %add3A_73 = arith.constant 512 : i32
      %add3A_74 = arith.addi %mul3A_72, %add3A_73 : i32
      %iota3A = tpu.iota {dimensions = array<i32: 1>} : vector<1024x512xi32>
      %add3A_75 = vector.broadcast %add3A_74 : i32 to vector<1024x512xi32>
      %add3A_76 = arith.addi %add3A_75, %iota3A : vector<1024x512xi32>
      %get3A_77 = arith.constant 0 : index
      %get3A_78 = memref.load %arg6[%get3A_77] : memref<1xf32, #tpu.memory_space<smem>>
      %lt3A_79 = arith.constant 10000 : i32
      %lt3A_80 = vector.broadcast %lt3A_79 : i32 to vector<1024x512xi32>
      %lt3A_81 = arith.cmpi slt, %add3A_76, %lt3A_80 : vector<1024x512xi32>
      %jit3A = arith.constant 0.000000e+00 : f32
      %broadcast_in_dim3A = vector.broadcast %jit3A : f32 to vector<1024x512xf32>
      %select_n3A = arith.select %lt3A_81, %add3A_48, %broadcast_in_dim3A : vector<1024x512xi1>, vector<1024x512xf32>
      %reduce_sum3A = vector.shape_cast %select_n3A : vector<1024x512xf32> to vector<1x1024x512xf32>
      %reduce_sum3A_82 = arith.constant dense<0.000000e+00> : vector<1xf32>
      %reduce_sum3A_83 = vector.multi_reduction <add>, %reduce_sum3A, %reduce_sum3A_82 [1, 2] : vector<1x1024x512xf32> to vector<1xf32>
      %reduce_sum3A_84 = vector.shape_cast %reduce_sum3A_83 : vector<1xf32> to vector<1x1x1xf32>
      %reduce_sum3A_85 = vector.extract %reduce_sum3A_84[0, 0, 0] : f32 from vector<1x1x1xf32>
      %add3A_86 = arith.addf %get3A_78, %reduce_sum3A_85 : f32
      %swap3A = arith.constant 0 : index
      %swap3A_87 = memref.load %arg6[%swap3A] : memref<1xf32, #tpu.memory_space<smem>>
      memref.store %add3A_86, %arg6[%swap3A] : memref<1xf32, #tpu.memory_space<smem>>
    } else {
    }
    %eq3A_63 = arith.cmpi eq, %get3A_2, %get3A_0 : i32
    %convert_element_type3A_64 = arith.extui %eq3A_63 : i1 to i32
    %cond3A_65 = arith.constant 0 : i32
    %cond3A_66 = arith.cmpi ne, %convert_element_type3A_64, %cond3A_65 : i32
    scf.if %cond3A_66 {
      %iota3A = tpu.iota {dimensions = array<i32: 0>} : vector<1024x512xi32>
      %iota3A_72 = tpu.iota {dimensions = array<i32: 1>} : vector<1024x512xi32>
      %add3A_73 = arith.constant 512 : i32
      %add3A_74 = vector.broadcast %add3A_73 : i32 to vector<1024x512xi32>
      %add3A_75 = arith.addi %add3A_74, %iota3A_72 : vector<1024x512xi32>
      %mul3A = arith.constant 1024 : i32
      %mul3A_76 = arith.muli %get3A_2, %mul3A : i32
      %add3A_77 = vector.broadcast %mul3A_76 : i32 to vector<1024x512xi32>
      %add3A_78 = arith.addi %add3A_77, %add3A_75 : vector<1024x512xi32>
      %get3A_79 = arith.constant 0 : index
      %get3A_80 = memref.load %arg6[%get3A_79] : memref<1xf32, #tpu.memory_space<smem>>
      %lt3A_81 = arith.cmpi slt, %iota3A, %add3A_75 : vector<1024x512xi32>
      %lt3A_82 = arith.constant 10000 : i32
      %lt3A_83 = vector.broadcast %lt3A_82 : i32 to vector<1024x512xi32>
      %lt3A_84 = arith.cmpi slt, %add3A_78, %lt3A_83 : vector<1024x512xi32>
      %and3A_85 = arith.andi %lt3A_81, %lt3A_84 : vector<1024x512xi1>
      %jit3A = arith.constant 0.000000e+00 : f32
      %broadcast_in_dim3A = vector.broadcast %jit3A : f32 to vector<1024x512xf32>
      %select_n3A = arith.select %and3A_85, %add3A_48, %broadcast_in_dim3A : vector<1024x512xi1>, vector<1024x512xf32>
      %reduce_sum3A = vector.shape_cast %select_n3A : vector<1024x512xf32> to vector<1x1024x512xf32>
      %reduce_sum3A_86 = arith.constant dense<0.000000e+00> : vector<1xf32>
      %reduce_sum3A_87 = vector.multi_reduction <add>, %reduce_sum3A, %reduce_sum3A_86 [1, 2] : vector<1x1024x512xf32> to vector<1xf32>
      %reduce_sum3A_88 = vector.shape_cast %reduce_sum3A_87 : vector<1xf32> to vector<1x1x1xf32>
      %reduce_sum3A_89 = vector.extract %reduce_sum3A_88[0, 0, 0] : f32 from vector<1x1x1xf32>
      %add3A_90 = arith.addf %get3A_80, %reduce_sum3A_89 : f32
      %swap3A = arith.constant 0 : index
      %swap3A_91 = memref.load %arg6[%swap3A] : memref<1xf32, #tpu.memory_space<smem>>
      memref.store %add3A_90, %arg6[%swap3A] : memref<1xf32, #tpu.memory_space<smem>>
    } else {
    }
    %eq3A_67 = arith.constant 54 : i32
    %eq3A_68 = arith.cmpi eq, %arg0, %eq3A_67 : i32
    %convert_element_type3A_69 = arith.extui %eq3A_68 : i1 to i32
    %cond3A_70 = arith.constant 0 : i32
    %cond3A_71 = arith.cmpi ne, %convert_element_type3A_69, %cond3A_70 : i32
    scf.if %cond3A_71 {
      %get3A_72 = arith.constant 0 : index
      %get3A_73 = memref.load %arg6[%get3A_72] : memref<1xf32, #tpu.memory_space<smem>>
      %swap3A = arith.constant 0 : index
      %swap3A_74 = arith.constant 0 : index
      %swap3A_75 = memref.load %arg5[%swap3A, %swap3A_74] : memref<1x1xf32, #tpu.memory_space<smem>>
      memref.store %get3A_73, %arg5[%swap3A, %swap3A_74] : memref<1x1xf32, #tpu.memory_space<smem>>
    } else {
    }
    return
  }
  func.func @transform_0(%arg0: i32, %arg1: memref<55xi32, #tpu.memory_space<smem>>, %arg2: memref<55xi32, #tpu.memory_space<smem>>) -> (i32, i32) {
    %get3A = arith.index_cast %arg0 : i32 to index
    %get3A_0 = memref.load %arg1[%get3A] : memref<55xi32, #tpu.memory_space<smem>>
    %c0_i32 = arith.constant 0 : i32
    %c0_i32_1 = arith.constant 0 : i32
    return %get3A_0, %c0_i32 : i32, i32
  }
  func.func @transform_1(%arg0: i32, %arg1: memref<55xi32, #tpu.memory_space<smem>>, %arg2: memref<55xi32, #tpu.memory_space<smem>>) -> (i32, i32) {
    %get3A = arith.index_cast %arg0 : i32 to index
    %get3A_0 = memref.load %arg2[%get3A] : memref<55xi32, #tpu.memory_space<smem>>
    %c0_i32 = arith.constant 0 : i32
    %c0_i32_1 = arith.constant 0 : i32
    return %get3A_0, %c0_i32 : i32, i32
  }
  func.func @transform_2(%arg0: i32, %arg1: memref<55xi32, #tpu.memory_space<smem>>, %arg2: memref<55xi32, #tpu.memory_space<smem>>) -> (i32, i32) {
    %c0_i32 = arith.constant 0 : i32
    %c0_i32_0 = arith.constant 0 : i32
    %c0_i32_1 = arith.constant 0 : i32
    return %c0_i32, %c0_i32_0 : i32, i32
  }
}

module attributes {stable_mosaic.version = 14 : i64} {
  func.func @_corr_body(%arg0: i32, %arg1: memref<2048x128xf32, #tpu.memory_space<vmem>>, %arg2: memref<2048x128xf32, #tpu.memory_space<vmem>>, %arg3: memref<16x128xi32, #tpu.memory_space<vmem>>, %arg4: memref<16x128xi32, #tpu.memory_space<vmem>>, %arg5: memref<1x1xf32, #tpu.memory_space<smem>>, %arg6: memref<1x1xf32, #tpu.memory_space<smem>>, %arg7: memref<1x1xf32, #tpu.memory_space<smem>>, %arg8: memref<3xf32, #tpu.memory_space<smem>>) attributes {dimension_semantics = [#tpu.dimension_semantics<arbitrary>], iteration_bounds = array<i64: 80>, scalar_prefetch = 0 : i64, scratch_operands = 1 : i64, tpu.core_type = #tpu.core_type<tc>, window_params = [{transform_indices = @transform_0, window_bounds = array<i64: 2048, 128>}, {transform_indices = @transform_1, window_bounds = array<i64: 2048, 128>}, {transform_indices = @transform_2, window_bounds = array<i64: 16, 128>}, {transform_indices = @transform_3, window_bounds = array<i64: 16, 128>}, {transform_indices = @transform_4, window_bounds = array<i64: 1, 1>}, {transform_indices = @transform_5, window_bounds = array<i64: 1, 1>}, {transform_indices = @transform_6, window_bounds = array<i64: 1, 1>}]} {
    %eq3A = arith.constant 0 : i32
    %eq3A_0 = arith.cmpi eq, %arg0, %eq3A : i32
    %convert_element_type3A = arith.extui %eq3A_0 : i1 to i32
    %cond3A = arith.constant 0 : i32
    %cond3A_1 = arith.cmpi ne, %convert_element_type3A, %cond3A : i32
    scf.if %cond3A_1 {
      %swap3A_76 = arith.constant 0.000000e+00 : f32
      %swap3A_77 = arith.constant 0 : index
      %swap3A_78 = memref.load %arg8[%swap3A_77] : memref<3xf32, #tpu.memory_space<smem>>
      memref.store %swap3A_76, %arg8[%swap3A_77] : memref<3xf32, #tpu.memory_space<smem>>
      %swap3A_79 = arith.constant 0.000000e+00 : f32
      %swap3A_80 = arith.constant 1 : index
      %swap3A_81 = memref.load %arg8[%swap3A_80] : memref<3xf32, #tpu.memory_space<smem>>
      memref.store %swap3A_79, %arg8[%swap3A_80] : memref<3xf32, #tpu.memory_space<smem>>
      %swap3A_82 = arith.constant 0.000000e+00 : f32
      %swap3A_83 = arith.constant 2 : index
      %swap3A_84 = memref.load %arg8[%swap3A_83] : memref<3xf32, #tpu.memory_space<smem>>
      memref.store %swap3A_82, %arg8[%swap3A_83] : memref<3xf32, #tpu.memory_space<smem>>
    } else {
    }
    %get3A = arith.constant 0 : index
    %get3A_2 = arith.constant 0 : index
    %get3A_3 = vector.load %arg1[%get3A, %get3A_2] : memref<2048x128xf32, #tpu.memory_space<vmem>>, vector<2048x128xf32>
    %get3A_4 = arith.constant 0 : index
    %get3A_5 = arith.constant 0 : index
    %get3A_6 = vector.load %arg2[%get3A_4, %get3A_5] : memref<2048x128xf32, #tpu.memory_space<vmem>>, vector<2048x128xf32>
    %mul3A = arith.mulf %get3A_3, %get3A_6 : vector<2048x128xf32>
    %reduce_sum3A = arith.constant dense<0.000000e+00> : vector<2048xf32>
    %reduce_sum3A_7 = vector.multi_reduction <add>, %mul3A, %reduce_sum3A [1] : vector<2048x128xf32> to vector<2048xf32>
    %reshape3A = vector.shape_cast %reduce_sum3A_7 : vector<2048xf32> to vector<16x128xf32>
    %get3A_8 = arith.constant 0 : index
    %get3A_9 = arith.constant 0 : index
    %get3A_10 = vector.load %arg3[%get3A_8, %get3A_9] : memref<16x128xi32, #tpu.memory_space<vmem>>, vector<16x128xi32>
    %get3A_11 = arith.constant 0 : index
    %get3A_12 = arith.constant 0 : index
    %get3A_13 = vector.load %arg4[%get3A_11, %get3A_12] : memref<16x128xi32, #tpu.memory_space<vmem>>, vector<16x128xi32>
    %lt3A = arith.cmpi slt, %get3A_10, %get3A_13 : vector<16x128xi32>
    %convert_element_type3A_14 = arith.extui %lt3A : vector<16x128xi1> to vector<16x128xi32>
    %convert_element_type3A_15 = arith.sitofp %convert_element_type3A_14 : vector<16x128xi32> to vector<16x128xf32>
    %reduce_sum3A_16 = vector.shape_cast %convert_element_type3A_15 : vector<16x128xf32> to vector<1x16x128xf32>
    %reduce_sum3A_17 = arith.constant dense<0.000000e+00> : vector<1xf32>
    %reduce_sum3A_18 = vector.multi_reduction <add>, %reduce_sum3A_16, %reduce_sum3A_17 [1, 2] : vector<1x16x128xf32> to vector<1xf32>
    %reduce_sum3A_19 = vector.shape_cast %reduce_sum3A_18 : vector<1xf32> to vector<1x1x1xf32>
    %reduce_sum3A_20 = vector.extract %reduce_sum3A_19[0, 0, 0] : f32 from vector<1x1x1xf32>
    %get3A_21 = arith.constant 0 : index
    %get3A_22 = memref.load %arg8[%get3A_21] : memref<3xf32, #tpu.memory_space<smem>>
    %max3A = arith.constant 0.000000e+00 : f32
    %max3A_23 = vector.broadcast %max3A : f32 to vector<16x128xf32>
    %max3A_24 = arith.maximumf %reshape3A, %max3A_23 : vector<16x128xf32>
    %abs3A = math.absf %reshape3A : vector<16x128xf32>
    %neg3A = arith.constant 0.000000e+00 : f32
    %neg3A_25 = vector.broadcast %neg3A : f32 to vector<16x128xf32>
    %neg3A_26 = arith.subf %neg3A_25, %abs3A : vector<16x128xf32>
    %exp3A = math.exp %neg3A_26 : vector<16x128xf32>
    %log1p3A = math.log1p %exp3A : vector<16x128xf32>
    %add3A = arith.addf %max3A_24, %log1p3A : vector<16x128xf32>
    %reduce_sum3A_27 = vector.shape_cast %add3A : vector<16x128xf32> to vector<1x16x128xf32>
    %reduce_sum3A_28 = arith.constant dense<0.000000e+00> : vector<1xf32>
    %reduce_sum3A_29 = vector.multi_reduction <add>, %reduce_sum3A_27, %reduce_sum3A_28 [1, 2] : vector<1x16x128xf32> to vector<1xf32>
    %reduce_sum3A_30 = vector.shape_cast %reduce_sum3A_29 : vector<1xf32> to vector<1x1x1xf32>
    %reduce_sum3A_31 = vector.extract %reduce_sum3A_30[0, 0, 0] : f32 from vector<1x1x1xf32>
    %sub3A = arith.constant 2.048000e+03 : f32
    %sub3A_32 = arith.subf %sub3A, %reduce_sum3A_20 : f32
    %mul3A_33 = arith.constant 0.693147182 : f32
    %mul3A_34 = arith.mulf %sub3A_32, %mul3A_33 : f32
    %sub3A_35 = arith.subf %reduce_sum3A_31, %mul3A_34 : f32
    %add3A_36 = arith.addf %get3A_22, %sub3A_35 : f32
    %swap3A = arith.constant 0 : index
    %swap3A_37 = memref.load %arg8[%swap3A] : memref<3xf32, #tpu.memory_space<smem>>
    memref.store %add3A_36, %arg8[%swap3A] : memref<3xf32, #tpu.memory_space<smem>>
    %get3A_38 = arith.constant 1 : index
    %get3A_39 = memref.load %arg8[%get3A_38] : memref<3xf32, #tpu.memory_space<smem>>
    %neg3A_40 = arith.constant 0.000000e+00 : f32
    %neg3A_41 = vector.broadcast %neg3A_40 : f32 to vector<16x128xf32>
    %neg3A_42 = arith.subf %neg3A_41, %reshape3A : vector<16x128xf32>
    %max3A_43 = arith.constant 0.000000e+00 : f32
    %max3A_44 = vector.broadcast %max3A_43 : f32 to vector<16x128xf32>
    %max3A_45 = arith.maximumf %neg3A_42, %max3A_44 : vector<16x128xf32>
    %abs3A_46 = math.absf %neg3A_42 : vector<16x128xf32>
    %neg3A_47 = arith.constant 0.000000e+00 : f32
    %neg3A_48 = vector.broadcast %neg3A_47 : f32 to vector<16x128xf32>
    %neg3A_49 = arith.subf %neg3A_48, %abs3A_46 : vector<16x128xf32>
    %exp3A_50 = math.exp %neg3A_49 : vector<16x128xf32>
    %log1p3A_51 = math.log1p %exp3A_50 : vector<16x128xf32>
    %add3A_52 = arith.addf %max3A_45, %log1p3A_51 : vector<16x128xf32>
    %reduce_sum3A_53 = vector.shape_cast %add3A_52 : vector<16x128xf32> to vector<1x16x128xf32>
    %reduce_sum3A_54 = arith.constant dense<0.000000e+00> : vector<1xf32>
    %reduce_sum3A_55 = vector.multi_reduction <add>, %reduce_sum3A_53, %reduce_sum3A_54 [1, 2] : vector<1x16x128xf32> to vector<1xf32>
    %reduce_sum3A_56 = vector.shape_cast %reduce_sum3A_55 : vector<1xf32> to vector<1x1x1xf32>
    %reduce_sum3A_57 = vector.extract %reduce_sum3A_56[0, 0, 0] : f32 from vector<1x1x1xf32>
    %sub3A_58 = arith.constant 2.048000e+03 : f32
    %sub3A_59 = arith.subf %sub3A_58, %reduce_sum3A_20 : f32
    %mul3A_60 = arith.constant 0.693147182 : f32
    %mul3A_61 = arith.mulf %sub3A_59, %mul3A_60 : f32
    %sub3A_62 = arith.subf %reduce_sum3A_57, %mul3A_61 : f32
    %add3A_63 = arith.addf %get3A_39, %sub3A_62 : f32
    %swap3A_64 = arith.constant 1 : index
    %swap3A_65 = memref.load %arg8[%swap3A_64] : memref<3xf32, #tpu.memory_space<smem>>
    memref.store %add3A_63, %arg8[%swap3A_64] : memref<3xf32, #tpu.memory_space<smem>>
    %get3A_66 = arith.constant 2 : index
    %get3A_67 = memref.load %arg8[%get3A_66] : memref<3xf32, #tpu.memory_space<smem>>
    %add3A_68 = arith.addf %get3A_67, %reduce_sum3A_20 : f32
    %swap3A_69 = arith.constant 2 : index
    %swap3A_70 = memref.load %arg8[%swap3A_69] : memref<3xf32, #tpu.memory_space<smem>>
    memref.store %add3A_68, %arg8[%swap3A_69] : memref<3xf32, #tpu.memory_space<smem>>
    %eq3A_71 = arith.constant 79 : i32
    %eq3A_72 = arith.cmpi eq, %arg0, %eq3A_71 : i32
    %convert_element_type3A_73 = arith.extui %eq3A_72 : i1 to i32
    %cond3A_74 = arith.constant 0 : i32
    %cond3A_75 = arith.cmpi ne, %convert_element_type3A_73, %cond3A_74 : i32
    scf.if %cond3A_75 {
      %get3A_76 = arith.constant 0 : index
      %get3A_77 = memref.load %arg8[%get3A_76] : memref<3xf32, #tpu.memory_space<smem>>
      %swap3A_78 = arith.constant 0 : index
      %swap3A_79 = arith.constant 0 : index
      %swap3A_80 = memref.load %arg5[%swap3A_78, %swap3A_79] : memref<1x1xf32, #tpu.memory_space<smem>>
      memref.store %get3A_77, %arg5[%swap3A_78, %swap3A_79] : memref<1x1xf32, #tpu.memory_space<smem>>
      %get3A_81 = arith.constant 1 : index
      %get3A_82 = memref.load %arg8[%get3A_81] : memref<3xf32, #tpu.memory_space<smem>>
      %swap3A_83 = arith.constant 0 : index
      %swap3A_84 = arith.constant 0 : index
      %swap3A_85 = memref.load %arg6[%swap3A_83, %swap3A_84] : memref<1x1xf32, #tpu.memory_space<smem>>
      memref.store %get3A_82, %arg6[%swap3A_83, %swap3A_84] : memref<1x1xf32, #tpu.memory_space<smem>>
      %get3A_86 = arith.constant 2 : index
      %get3A_87 = memref.load %arg8[%get3A_86] : memref<3xf32, #tpu.memory_space<smem>>
      %swap3A_88 = arith.constant 0 : index
      %swap3A_89 = arith.constant 0 : index
      %swap3A_90 = memref.load %arg7[%swap3A_88, %swap3A_89] : memref<1x1xf32, #tpu.memory_space<smem>>
      memref.store %get3A_87, %arg7[%swap3A_88, %swap3A_89] : memref<1x1xf32, #tpu.memory_space<smem>>
    } else {
    }
    return
  }
  func.func @transform_0(%arg0: i32) -> (i32, i32) {
    %c0_i32 = arith.constant 0 : i32
    %c0_i32_0 = arith.constant 0 : i32
    return %arg0, %c0_i32 : i32, i32
  }
  func.func @transform_1(%arg0: i32) -> (i32, i32) {
    %c0_i32 = arith.constant 0 : i32
    %c0_i32_0 = arith.constant 0 : i32
    return %arg0, %c0_i32 : i32, i32
  }
  func.func @transform_2(%arg0: i32) -> (i32, i32) {
    %c0_i32 = arith.constant 0 : i32
    %c0_i32_0 = arith.constant 0 : i32
    return %arg0, %c0_i32 : i32, i32
  }
  func.func @transform_3(%arg0: i32) -> (i32, i32) {
    %c0_i32 = arith.constant 0 : i32
    %c0_i32_0 = arith.constant 0 : i32
    return %arg0, %c0_i32 : i32, i32
  }
  func.func @transform_4(%arg0: i32) -> (i32, i32) {
    %c0_i32 = arith.constant 0 : i32
    %c0_i32_0 = arith.constant 0 : i32
    %c0_i32_1 = arith.constant 0 : i32
    return %c0_i32, %c0_i32_0 : i32, i32
  }
  func.func @transform_5(%arg0: i32) -> (i32, i32) {
    %c0_i32 = arith.constant 0 : i32
    %c0_i32_0 = arith.constant 0 : i32
    %c0_i32_1 = arith.constant 0 : i32
    return %c0_i32, %c0_i32_0 : i32, i32
  }
  func.func @transform_6(%arg0: i32) -> (i32, i32) {
    %c0_i32 = arith.constant 0 : i32
    %c0_i32_0 = arith.constant 0 : i32
    %c0_i32_1 = arith.constant 0 : i32
    return %c0_i32, %c0_i32_0 : i32, i32
  }
}

</mosaic_0001>

<sc_bundles>
// kernel: kernel.11.cloned.1.call-start
scs
__scs_entry_jumppad:
0x0: {  	(pc) =	sbr.rel $0x88, $3  }
0x1: {  	(tag) =	ssettag $0x0;
	lr =	simm.s32 $0x1  }
0x2: {  	[smem:$0x3F95] =	sst lr;
	_ =	strace $0xD0000000  }
0x3: {  	_ = 	snop  }
0x4: {  	_ = 	snop  }
0x5: {  	_ = 	snop  }
0x6: {  	_ = 	snop  }
0x7: {  	_ = 	snop  }
__scs_overlays_trampoline_lowered:
0x8: {  	[smem:$0x3FA4] =	sst s0  }
0x9: {  	[smem:$0x3FA5] =	sst s1  }
0xa: {  	[smem:$0x3FA6] =	sst s2  }
0xb: {  	[smem:$0x3FA7] =	sst s3  }
0xc: {  	[smem:$0x3FA8] =	sst s4  }
0xd: {  	[smem:$0x3FA9] =	sst s5  }
0xe: {  	[smem:$0x3FAA] =	sst s6  }
0xf: {  	[smem:$0x3FAB] =	sst s7  }
0x10: {  	[smem:$0x3FAC] =	sst s8  }
0x11: {  	[smem:$0x3FAD] =	sst s9;
	s0 =	simm.s32 @!p0 $0x0  }
0x12: {  	s1 =	sld [smem:$0x3F93];
	s0 =	simm.s32 @p0 $0x1  }
0x13: {  	[smem:$0x3FAE] =	sst s0;
	s0 =	simm.s32 @!p1 $0x0  }
0x14: {  	s2 =	sld [smem:$0x3F92];
	s0 =	simm.s32 @p1 $0x1  }
0x15: {  	[smem:$0x3FAF] =	sst s0;
	s0 =	simm.s32 @!p2 $0x0  }
0x16: {  	s3 =	sld [smem:$0x3FDB];
	s0 =	simm.s32 @p2 $0x1  }
0x17: {  	s4 =	simm.s32 $0x1BF5;
	[smem:$0x3FB1] =	sst s0  }
0x18: {  	s0 =	sld [smem:$0x3F94];
	_ =	swait.ge [sflag:s4], $0x0  }
0x19: {  	s7 =	sld [smem:$0x3F95]  }
0x1a: {  	s8 =	sadd.s32 $0xFFFFE003, lr  }
0x1b: {  	s9 =	sadd.s32 $0xFFFFFEF7, lr;
	s5 =	simm.s32 $0xFFFFFFFF;
	p2 =	slt.u32 s8, $0xFFFFF086  }
0x1c: {  	p1 =	slt.u32 s9, $0xF7A;
	s5 =	simm.s32 @!p2 $0x0  }
0x1d: {  	s5 =	simm.s32 @p1 $0x1;
	p0 =	seq.s32 s7, s2  }
0x1e: {  	s7 =	smul.u32 @!p0 $0xF7A, s2;
	p2 =	seq.s32 @!p0 s5, $0x0  }
0x1f: {  	s9 =	smul.u32 $0xF7A, s1;
	s8 =	simm.s32 @!p0 $0x1BF5;
	p2 =	por !p2, p0  }
0x20: {  	[sflag:s8] =	ssyncset.s32 @!p0 $0xFFFFF086;
	s6 =	sadd.s32 @!p0 s3, s7;
	s7 =	simm.s32 @!p0 $0x108  }
0x21: {  	s3 =	sadd.s32 s3, s9;
	s6 =	sadd.s32 @!p0 $0x88, s6;
	s7 =	simm.s32 @p2 $0x1082  }
0x22: {  	[simem:s7], [sflag:s8] =	dma.local @!p0 [hbm:s6], $0xF7A  }
0x23: {  	s9 =	sor.u32 $0xD0000000, s2;
	s6 =	simm.s32 $0x108;
	_ =	swait.ge @!p0 [sflag:s8], $0x0  }
0x24: {  	s3 =	sadd.s32 $0x88, s3;
	s6 =	simm.s32 @!p1 $0x1082;
	[sflag:s4] =	ssyncset.s32 $0xFFFFF086  }
0x25: {  	[simem:s6], [sflag:s4] =	dma.local [hbm:s3], $0xF7A  }
0x26: {  	[smem:$0x3F95] =	sst s1;
	(tag) =	ssettag s2;
	_ =	strace s9  }
0x27: {  	s1 =	sld [smem:$0x3FA5]  }
0x28: {  	s2 =	sld [smem:$0x3FA6]  }
0x29: {  	s4 =	sld [smem:$0x3FA8]  }
0x2a: {  	p0 =	seq.s32 s5, $0x0;
	s5 =	sld [smem:$0x3FA9]  }
0x2b: {  	s6 =	sld [smem:$0x3FAA]  }
0x2c: {  	s7 =	sld [smem:$0x3FAB]  }
0x2d: {  	s3 =	simm.s32 $0x108;
	s8 =	sld [smem:$0x3FAC]  }
0x2e: {  	s3 =	simm.s32 @!p0 $0x1082;
	s9 =	sld [smem:$0x3FAD]  }
0x2f: {  	lr =	sadd.s32 s0, s3;
	s0 =	sld [smem:$0x3FA4]  }
0x30: {  	s3 =	sld [smem:$0x3FA7]  }
0x31: {  	[smem:$0x3FB0] =	sst s10  }
0x32: {  	s10 =	sld [smem:$0x3FAE];
	_ =	sdelay $0x3  }
0x33: {  	p0 =	seq.s32 s10, $0x1;
	s10 =	sld [smem:$0x3FB0];
	_ =	sdelay $0x3  }
0x34: {  	[smem:$0x3FB0] =	sst s10  }
0x35: {  	s10 =	sld [smem:$0x3FAF];
	_ =	sdelay $0x3  }
0x36: {  	p1 =	seq.s32 s10, $0x1;
	s10 =	sld [smem:$0x3FB0];
	_ =	sdelay $0x3  }
0x37: {  	[smem:$0x3FB0] =	sst s10  }
0x38: {  	s10 =	sld [smem:$0x3FB1]  }
0x39: {  	_ = 	snop;
	(pc) =	sbr.ind lr, $3  }
0x3a: {  	_ = 	snop  }
0x3b: {  	_ = 	snop  }
0x3c: {  	p2 =	seq.s32 s10, $0x1;
	s10 =	sld [smem:$0x3FB0]  }
0x3d: {  	_ =	shalt  }
0x3e: {  	_ =	shalt  }
0x3f: {  	_ =	shalt  }
0x40: {  	_ =	shalt  }
0x41: {  	_ =	shalt  }
0x42: {  	_ =	shalt  }
0x43: {  	_ =	shalt  }
0x44: {  	_ =	shalt  }
0x45: {  	_ =	shalt  }
0x46: {  	_ =	shalt  }
0x47: {  	_ =	shalt  }
0x48: {  	_ =	shalt  }
0x49: {  	_ =	shalt  }
0x4a: {  	_ =	shalt  }
0x4b: {  	_ =	shalt  }
0x4c: {  	_ =	shalt  }
0x4d: {  	_ =	shalt  }
0x4e: {  	_ =	shalt  }
0x4f: {  	_ =	shalt  }
0x50: {  	_ =	shalt  }
0x51: {  	_ =	shalt  }
0x52: {  	_ =	shalt  }
0x53: {  	_ =	shalt  }
0x54: {  	_ =	shalt  }
0x55: {  	_ =	shalt  }
0x56: {  	_ =	shalt  }
0x57: {  	_ =	shalt  }
0x58: {  	_ =	shalt  }
0x59: {  	_ =	shalt  }
0x5a: {  	_ =	shalt  }
0x5b: {  	_ =	shalt  }
0x5c: {  	_ =	shalt  }
0x5d: {  	_ =	shalt  }
0x5e: {  	_ =	shalt  }
0x5f: {  	_ =	shalt  }
0x60: {  	_ =	shalt  }
0x61: {  	_ =	shalt  }
0x62: {  	_ =	shalt  }
0x63: {  	_ =	shalt  }
0x64: {  	_ =	shalt  }
0x65: {  	_ =	shalt  }
0x66: {  	_ =	shalt  }
0x67: {  	_ =	shalt  }
0x68: {  	_ =	shalt  }
0x69: {  	_ =	shalt  }
0x6a: {  	_ =	shalt  }
0x6b: {  	_ =	shalt  }
0x6c: {  	_ =	shalt  }
0x6d: {  	_ =	shalt  }
0x6e: {  	_ =	shalt  }
0x6f: {  	_ =	shalt  }
0x70: {  	_ =	shalt  }
0x71: {  	_ =	shalt  }
0x72: {  	_ =	shalt  }
0x73: {  	_ =	shalt  }
0x74: {  	_ =	shalt  }
0x75: {  	_ =	shalt  }
0x76: {  	_ =	shalt  }
0x77: {  	_ =	shalt  }
0x78: {  	_ =	shalt  }
0x79: {  	_ =	shalt  }
0x7a: {  	_ =	shalt  }
0x7b: {  	_ =	shalt  }
0x7c: {  	_ =	shalt  }
0x7d: {  	_ =	shalt  }
0x7e: {  	_ =	shalt  }
0x7f: {  	_ =	shalt  }
0x80: {  	_ =	shalt  }
0x81: {  	_ =	shalt  }
0x82: {  	_ =	shalt  }
0x83: {  	_ =	shalt  }
0x84: {  	_ =	shalt  }
0x85: {  	_ =	shalt  }
0x86: {  	_ =	shalt  }
0x87: {  	_ =	shalt  }
.Lfunc_end0:
.L_simem_size_0:
called_computation_lowered:
.L_overlay_start_0:
0x88: {  	s2 =	sld [smem:$0x3FD9]  }
0x89: {  	s3 =	sld [smem:$0x3FFE];
	_ =	sdelay $0x1  }
0x8a: {  	s1 =	srdreg.scid  }
0x8b: {  	s0 =	sand.u32 $0x1, s1  }
0x8c: {  	s15 =	sshll.u32 s0, $0xA;
	s2 =	sadd.s32 s3, s2  }
0x8d: {  	s2 =	sadd.s32 s2, s15  }
0x8e: {  	[smem:$0x3FBC] =	sst s2  }
0x8f: {  	_ = 	snop  }
0x90: {  	s2 =	sld [smem:$0x3FD0];
	_ =	sdelay $0x2  }
0x91: {  	s16 =	simm.s32 $0xA;
	s4 =	simm.s32 $0x10  }
0x92: {  	[smem:s4], [sflag:s16] =	dma.local [hbm:s2], $0x1  }
0x93: {  	_ =	swait.eq [sflag:s16], $0x1  }
0x94: {  	s17 =	sld [smem:$0x11];
	[sflag:s16] =	ssyncset.done $0x0  }
0x95: {  	s18 =	sld [smem:$0x12];
	[sflag:s16] =	ssyncadd.s32 $0xFFFFFFFF  }
0x96: {  	s19 =	sld [smem:$0x13];
	(tm) =	ssettm $0x1  }
0x97: {  	s5 =	sld [smem:$0x3FFB];
	_ =	sdelay $0x3  }
0x98: {  	_ =	strace s5  }
0x99: {  	s5 =	sld [smem:$0x3FFC];
	_ =	sdelay $0x3  }
0x9a: {  	_ =	strace s5  }
0x9b: {  	s5 =	sld [smem:$0x3FFD];
	_ =	sdelay $0x3  }
0x9c: {  	_ =	strace s5  }
0x9d: {  	_ =	strace $0x8FFFFFFF  }
0x9e: {  	s20 =	sld [smem:$0x3FDB];
	_ =	sdelay $0x1  }
0x9f: {  	s6 =	simm.s32 $_scs_section_size  }
0xa0: {  	s7 =	simm.s32 $_size__tile_overlayer_lowered;
	s8 =	simm.s32 $_tile_overlayer_lowered  }
0xa1: {  	s23 =	simm.s32 $0x1BFF;
	s22 =	sshll.u32 s8, $0x1;
	s5 =	sadd.s32 s6, s20  }
0xa2: {  	s9 =	simm.s32 $0x0;
	s21 =	sshll.u32 s7, $0x1;
	s7 =	sadd.s32 s22, s5  }
0xa3: {  	[timem:s9], [sflag:s23] =	dma.local [hbm:s7], s21  }
0xa4: {  	_ =	swait.ge [sflag:s23], s21  }
0xa5: {  	s6 =	ssub.s32 $0x0, s21;
	[sflag:s23] =	ssyncset.done $0x0  }
0xa6: {  	[sflag:s23] =	ssyncadd.s32 s6;
	_ =	sdelay $0x1  }
0xa7: {  	s24 =	simm.s32 $0x1B8B  }
0xa8: {  	_ =	swait.ge [sflag:s24], $0x1  }
0xa9: {  	[sflag:s24] =	ssyncset.done $0x0  }
0xaa: {  	s25 =	simm.s32 $0x1B8E;
	[sflag:s24] =	ssyncadd.s32 $0xFFFFFFFF  }
0xab: {  	s26 =	simm.s32 $execute0_lowered;
	[smem:$0x3FD2] =	sst s25  }
0xac: {  	s6 =	sshll.u32 s26, $0x1;
	_ =	strace $0x80000046;
	[dreg:$0x1] =	wrdreg $0xFFFFFFFF  }
0xad: {  	s28 =	simm.s32 $_size_execute0_lowered;
	s5 =	sadd.s32 s5, s6;
	[dreg:$0x0] =	wrdreg $0x0  }
0xae: {  	s6 =	sshll.u32 s28, $0x1;
	[dreg:$0x2] =	wrdreg s5  }
0xaf: {  	[dreg:$0x3] =	wrdreg s6  }
0xb0: {  	[dreg:$0x4] =	wrdreg $0xC0  }
0xb1: {  	_ =	task [dreg:s9], $0x5FFFF  }
0xb2: {  	[dreg:$0x1] =	wrdreg $0xFFFFFFFF  }
0xb3: {  	[dreg:$0x0] =	wrdreg $0x60  }
0xb4: {  	[dreg:$0x2] =	wrdreg s19  }
0xb5: {  	[dreg:$0x3] =	wrdreg s18  }
0xb6: {  	[dreg:$0x4] =	wrdreg s17  }
0xb7: {  	[dreg:$0x5] =	wrdreg $0x9  }
0xb8: {  	_ =	task.clear_ibuf [dreg:s9], $0x6FFFF;
	_ =	strace $0x90000046  }
0xb9: {  	s29 =	simm.s32 $0x9;
	_ =	strace $0x80000048  }
0xba: {  	_ =	swait.ge [sflag:s29], $0x1  }
0xbb: {  	[sflag:s29] =	ssyncadd.s32 $0xFFFFFFFF  }
0xbc: {  	_ =	strace $0x90000048  }
0xbd: {  	_ =	sfence  }
0xbe: {  	s30 =	sld [smem:$0x0];
	_ =	sdelay $0x2  }
0xbf: {  	s31 =	sshll.u32 s1, $0xD;
	s1 =	sshrl.u32 s1, $0x2  }
0xc0: {  	s3 =	sand.u32 $0x4000, s31;
	s1 =	sadd.s32 s1, s30  }
0xc1: {  	s0 =	sor.u32 s3, s0;
	s1 =	sshll.u32 s1, $0x11  }
0xc2: {  	s0 =	sor.u32 s1, s0  }
0xc3: {  	s0 =	sadd.s32 $0x8F2B, s0  }
0xc4: {  	[sflag:s0] =	ssyncadd.remote.s32 $0x1  }
0xc5: {  	_ =	sfence.sel $0xFFFF  }
0xc6: {  	[dreg:$0x0] =	wrdreg $0xFFFFFFFF;
	(pc) =	sbr.abs _section_cstart, $3  }
0xc7: {  	[dreg:$0x1] =	wrdreg $0xFFFFFFFF  }
0xc8: {  	_ =	task.clear_ibuf [dreg:s9], $0x2FFFF;
	_ =	strace $0x9FFFFFFF  }
0xc9: {  	(tm) =	ssettm $0x7FFFFFFF  }
tec
execute0_lowered:
.L_overlay_start_1:
0x0: {  	(tag) =	ssettag $0x1  }
0x1: {  	s3 =	rddreg [dreg:$0x0];
	s1 =	srdreg.scid  }
0x2: {  	s0 =	stileid.u32;
	s5 =	rddreg [dreg:$0x1]  }
0x3: {  	s6 =	rddreg [dreg:$0x2];
	s4 =	sand.u32 $0x1, s1;
	s31 =	sshll.u32 s0, $0x1  }
0x4: {  	s2 =	simm.s32 $0x0;
	s10 =	simm.s32 $0x2800;
	s7 =	sor.u32 s4, s31  }
0x5: {  	s11 =	simm.s32 $0x4F80;
	s12 =	simm.s32 $0x0;
	s8 =	smul.u32 $0x1388, s7  }
0x6: {  	[smem:$0x7FF] =	sst s2;
	s4 =	ssub.s32 $0x2, s4;
	s7 =	smul.u32 $0x4E2, s7  }
0x7: {  	s1 =	rddreg [dreg:$0x3];
	_ =	strace $0x80000047;
	s9 =	sshrl.u32 s4, $0x1  }
0x8: {  	s9 =	ssub.s32 s4, s9;
	s8 =	sshrl.u32 s8, $0x3;
	s5 =	sadd.s32 s5, s7  }
0x9: {  	s6 =	sadd.s32 s6, s7;
	s7 =	smax.u32 s9, $0x1;
	s3 =	sadd.s32 s3, s8  }
0xa: {  	v0 =	vimm.f32 $0.0e+00;
	v1 =	vimm.s32 $0x0;
	v2 =	vimm.f32 $1.000000000e+00;
	s9 =	simm.s32 $0x1400;
	s8 =	simm.s32 $0x1;
	s4 =	sadd.s32 $0x4E20, s3  }
.LBB2_1:
0xb: {  	s13 =	simm.s32 $0x40;
	s14 =	simm.s32 $0x0  }
.LBB2_2:
0xc: {  	p0 =	sne.s32 s13, $0x9C00;
	[tilespmem:s14+$0x2800] =	vst v0;
	s15 =	smov.u32 s13;
	s13 =	sadd.s32 $0x40, s13  }
.Ltmp0:
0xd: {  	[tilespmem:s14+$0x4F80] =	vst v0;
	(pc) =	sbr.rel @p0 .LBB2_2-.Ltmp0, $2  }
0xe: {  	_ =	sdelay $0x2  }
0xf: {  	s14 =	sshra.s32 s15, $0x2  }
0x10: {  	[tilespmem:s14+$0x2800] =	vst v0  }
0x11: {  	[tilespmem:s14+$0x4F80] =	vst v0;
	s13 =	simm.s32 $0x0  }
0x12: {  	[tilespmem:s13], [sflag:$0x1] =	stream.linear.gather [hbm4b:s3+s13], $0x1388, $0x38;
	[tilespmem:$0x7700] =	vst v63  }
0x13: {  	_ =	swait.ge [sflag:s8], $0x1388  }
0x14: {  	[sflag:s8] =	ssyncset.done $0x0  }
0x15: {  	[sflag:s8] =	ssyncadd.s32 $0xFFFFEC78  }
0x16: {  	[tilespmem:s9], [sflag:$0x1] =	stream.linear.gather [hbm4b:s4+s13], $0x1388, $0x38;
	[tilespmem:$0x7700] =	vst v63  }
0x17: {  	_ =	swait.ge [sflag:s8], $0x1388  }
0x18: {  	[sflag:s8] =	ssyncset.done $0x0  }
0x19: {  	[sflag:s8] =	ssyncadd.s32 $0xFFFFEC78  }
0x1a: {  	[tilespmem:$0x1388] =	vst v1  }
0x1b: {  	s14 =	simm.s32 $0x0;
	s13 =	simm.s32 $0x40;
	[tilespmem:$0x2788] =	vst v1  }
.LBB2_4:
0x1c: {  	p0 =	sne.s32 s13, $0x4DC0;
	v3 =	vld [tilespmem:s14+$0x0];
	_ =	sdelay $0x7  }
0x1d: {  	[tilespmem:v3+s10+$0x0] =	vst.idx.add.f32.msk $0xffff, v2  }
0x1e: {  	v3 =	vld [tilespmem:s14+$0x1400];
	_ =	sdelay $0x3  }
.Ltmp1:
0x1f: {  	(pc) =	sbr.rel @p0 .LBB2_4-.Ltmp1, $2  }
0x20: {  	_ =	sdelay $0x2  }
0x21: {  	s14 =	sshra.s32 s13, $0x2;
	s13 =	sadd.s32 $0x40, s13;
	[tilespmem:v3+s11+$0x0] =	vst.idx.add.f32.msk $0xffff, v2  }
0x22: {  	v3 =	vld [tilespmem:s14+$0x0];
	_ =	sdelay $0x7  }
0x23: {  	[tilespmem:v3+s10+$0x0] =	vst.idx.add.f32.msk $0xffff, v2  }
0x24: {  	v3 =	vld [tilespmem:s14+$0x1400];
	_ =	sdelay $0x7  }
0x25: {  	[tilespmem:v3+s11+$0x0] =	vst.idx.add.f32.msk $0xffff, v2  }
0x26: {  	v3 =	vld [tilespmem:$0x1380];
	_ =	sdelay $0x7  }
0x27: {  	[tilespmem:v3+s10+$0x0] =	vst.idx.add.f32.msk $0xff, v2  }
0x28: {  	v3 =	vld [tilespmem:$0x2780];
	_ =	sdelay $0x7  }
0x29: {  	[tilespmem:v3+s11+$0x0] =	vst.idx.add.f32.msk $0xff, v2  }
0x2a: {  	[hbm4b:s5+s2] =	stream.linear.scatter [tilespmem:s10], [sflag:$0x1], $0x2710, $0x38;
	[tilespmem:$0x7700] =	vst v63  }
0x2b: {  	s12 =	sadd.s32 $0x1, s12;
	_ =	swait.ge [sflag:s8], $0x2710  }
0x2c: {  	p0 =	sne.s32 s12, s7;
	[sflag:s8] =	ssyncset.done $0x0  }
.Ltmp2:
0x2d: {  	[sflag:s8] =	ssyncadd.s32 $0xFFFFD8F0;
	(pc) =	sbr.rel @p0 .LBB2_1-.Ltmp2, $4  }
0x2e: {  	[hbm4b:s6+s2] =	stream.linear.scatter [tilespmem:s11], [sflag:$0x1], $0x2710, $0x38;
	[tilespmem:$0x7700] =	vst v63  }
0x2f: {  	_ =	swait.ge [sflag:s8], $0x2710  }
0x30: {  	[sflag:s8] =	ssyncset.done $0x0  }
0x31: {  	[sflag:s8] =	ssyncadd.s32 $0xFFFFD8F0  }
0x32: {  	_ =	sfence.sel $0x180000  }
0x33: {  	[bflag:$0x0] =	sbarrier.arrive $0xFFFF  }
0x34: {  	p0 =	sne.s32 s0, $0x0;
	_ =	strace $0x90000047  }
0x35: {  	s0 =	sadd.s32 @!p0 $0x100000, s1;
	[bflag:$0x2] =	sbarrier.arrive $0xFFFF  }
0x36: {  	[sflag:s0] =	ssyncadd.tile.s32 @!p0 $0x1;
	_ =	shalt  }
.Lfunc_end2:
_tile_overlayer_lowered:
.L_overlay_start_2:
0x37: {  	(tag) =	ssettag $0x2  }
0x38: {  	s0 =	rddreg [dreg:$0x0];
	s2 =	stileid.u32  }
0x39: {  	s1 =	rddreg [dreg:$0x1];
	p0 =	sne.s32 s2, $0x0  }
0x3a: {  	s3 =	rddreg [dreg:$0x2];
	[bflag:$0x3] =	sbarrier.arrive $0xFFFF;
	s2 =	simm.s32 @!p0 $0x1C01  }
0x3b: {  	[timem:s3], [sflag:s2] =	dma.local @!p0 [hbm:s0], s1  }
0x3c: {  	s0 =	simm.s32 @!p0 $0x1  }
0x3d: {  	_ =	swait.ge @!p0 [sflag:s0], s1  }
0x3e: {  	s1 =	ssub.s32 @!p0 $0x0, s1;
	[sflag:s0] =	ssyncset.done @!p0 $0x0  }
0x3f: {  	[sflag:s0] =	ssyncadd.s32 @!p0 s1  }
0x40: {  	[bflag:$0x3] =	sbarrier.arrive $0xFFFF  }
0x41: {  	_ =	shalt  }

// kernel: kernel.14.cloned.1.call-start
scs
__scs_entry_jumppad:
0x0: {  	(pc) =	sbr.rel $0x88, $3  }
0x1: {  	(tag) =	ssettag $0x0;
	lr =	simm.s32 $0x1  }
0x2: {  	[smem:$0x3F95] =	sst lr;
	_ =	strace $0xD0000000  }
0x3: {  	_ = 	snop  }
0x4: {  	_ = 	snop  }
0x5: {  	_ = 	snop  }
0x6: {  	_ = 	snop  }
0x7: {  	_ = 	snop  }
__scs_overlays_trampoline_lowered:
0x8: {  	[smem:$0x3FA4] =	sst s0  }
0x9: {  	[smem:$0x3FA5] =	sst s1  }
0xa: {  	[smem:$0x3FA6] =	sst s2  }
0xb: {  	[smem:$0x3FA7] =	sst s3  }
0xc: {  	[smem:$0x3FA8] =	sst s4  }
0xd: {  	[smem:$0x3FA9] =	sst s5  }
0xe: {  	[smem:$0x3FAA] =	sst s6  }
0xf: {  	[smem:$0x3FAB] =	sst s7  }
0x10: {  	[smem:$0x3FAC] =	sst s8  }
0x11: {  	[smem:$0x3FAD] =	sst s9;
	s0 =	simm.s32 @!p0 $0x0  }
0x12: {  	s1 =	sld [smem:$0x3F93];
	s0 =	simm.s32 @p0 $0x1  }
0x13: {  	[smem:$0x3FAE] =	sst s0;
	s0 =	simm.s32 @!p1 $0x0  }
0x14: {  	s2 =	sld [smem:$0x3F92];
	s0 =	simm.s32 @p1 $0x1  }
0x15: {  	[smem:$0x3FAF] =	sst s0;
	s0 =	simm.s32 @!p2 $0x0  }
0x16: {  	s3 =	sld [smem:$0x3FDB];
	s0 =	simm.s32 @p2 $0x1  }
0x17: {  	s4 =	simm.s32 $0x1BF5;
	[smem:$0x3FB1] =	sst s0  }
0x18: {  	s0 =	sld [smem:$0x3F94];
	_ =	swait.ge [sflag:s4], $0x0  }
0x19: {  	s7 =	sld [smem:$0x3F95]  }
0x1a: {  	s8 =	sadd.s32 $0xFFFFE003, lr  }
0x1b: {  	s9 =	sadd.s32 $0xFFFFFEF7, lr;
	s5 =	simm.s32 $0xFFFFFFFF;
	p2 =	slt.u32 s8, $0xFFFFF086  }
0x1c: {  	p1 =	slt.u32 s9, $0xF7A;
	s5 =	simm.s32 @!p2 $0x0  }
0x1d: {  	s5 =	simm.s32 @p1 $0x1;
	p0 =	seq.s32 s7, s2  }
0x1e: {  	s7 =	smul.u32 @!p0 $0xF7A, s2;
	p2 =	seq.s32 @!p0 s5, $0x0  }
0x1f: {  	s9 =	smul.u32 $0xF7A, s1;
	s8 =	simm.s32 @!p0 $0x1BF5;
	p2 =	por !p2, p0  }
0x20: {  	[sflag:s8] =	ssyncset.s32 @!p0 $0xFFFFF086;
	s6 =	sadd.s32 @!p0 s3, s7;
	s7 =	simm.s32 @!p0 $0x108  }
0x21: {  	s3 =	sadd.s32 s3, s9;
	s6 =	sadd.s32 @!p0 $0x88, s6;
	s7 =	simm.s32 @p2 $0x1082  }
0x22: {  	[simem:s7], [sflag:s8] =	dma.local @!p0 [hbm:s6], $0xF7A  }
0x23: {  	s9 =	sor.u32 $0xD0000000, s2;
	s6 =	simm.s32 $0x108;
	_ =	swait.ge @!p0 [sflag:s8], $0x0  }
0x24: {  	s3 =	sadd.s32 $0x88, s3;
	s6 =	simm.s32 @!p1 $0x1082;
	[sflag:s4] =	ssyncset.s32 $0xFFFFF086  }
0x25: {  	[simem:s6], [sflag:s4] =	dma.local [hbm:s3], $0xF7A  }
0x26: {  	[smem:$0x3F95] =	sst s1;
	(tag) =	ssettag s2;
	_ =	strace s9  }
0x27: {  	s1 =	sld [smem:$0x3FA5]  }
0x28: {  	s2 =	sld [smem:$0x3FA6]  }
0x29: {  	s4 =	sld [smem:$0x3FA8]  }
0x2a: {  	p0 =	seq.s32 s5, $0x0;
	s5 =	sld [smem:$0x3FA9]  }
0x2b: {  	s6 =	sld [smem:$0x3FAA]  }
0x2c: {  	s7 =	sld [smem:$0x3FAB]  }
0x2d: {  	s3 =	simm.s32 $0x108;
	s8 =	sld [smem:$0x3FAC]  }
0x2e: {  	s3 =	simm.s32 @!p0 $0x1082;
	s9 =	sld [smem:$0x3FAD]  }
0x2f: {  	lr =	sadd.s32 s0, s3;
	s0 =	sld [smem:$0x3FA4]  }
0x30: {  	s3 =	sld [smem:$0x3FA7]  }
0x31: {  	[smem:$0x3FB0] =	sst s10  }
0x32: {  	s10 =	sld [smem:$0x3FAE];
	_ =	sdelay $0x3  }
0x33: {  	p0 =	seq.s32 s10, $0x1;
	s10 =	sld [smem:$0x3FB0];
	_ =	sdelay $0x3  }
0x34: {  	[smem:$0x3FB0] =	sst s10  }
0x35: {  	s10 =	sld [smem:$0x3FAF];
	_ =	sdelay $0x3  }
0x36: {  	p1 =	seq.s32 s10, $0x1;
	s10 =	sld [smem:$0x3FB0];
	_ =	sdelay $0x3  }
0x37: {  	[smem:$0x3FB0] =	sst s10  }
0x38: {  	s10 =	sld [smem:$0x3FB1]  }
0x39: {  	_ = 	snop;
	(pc) =	sbr.ind lr, $3  }
0x3a: {  	_ = 	snop  }
0x3b: {  	_ = 	snop  }
0x3c: {  	p2 =	seq.s32 s10, $0x1;
	s10 =	sld [smem:$0x3FB0]  }
0x3d: {  	_ =	shalt  }
0x3e: {  	_ =	shalt  }
0x3f: {  	_ =	shalt  }
0x40: {  	_ =	shalt  }
0x41: {  	_ =	shalt  }
0x42: {  	_ =	shalt  }
0x43: {  	_ =	shalt  }
0x44: {  	_ =	shalt  }
0x45: {  	_ =	shalt  }
0x46: {  	_ =	shalt  }
0x47: {  	_ =	shalt  }
0x48: {  	_ =	shalt  }
0x49: {  	_ =	shalt  }
0x4a: {  	_ =	shalt  }
0x4b: {  	_ =	shalt  }
0x4c: {  	_ =	shalt  }
0x4d: {  	_ =	shalt  }
0x4e: {  	_ =	shalt  }
0x4f: {  	_ =	shalt  }
0x50: {  	_ =	shalt  }
0x51: {  	_ =	shalt  }
0x52: {  	_ =	shalt  }
0x53: {  	_ =	shalt  }
0x54: {  	_ =	shalt  }
0x55: {  	_ =	shalt  }
0x56: {  	_ =	shalt  }
0x57: {  	_ =	shalt  }
0x58: {  	_ =	shalt  }
0x59: {  	_ =	shalt  }
0x5a: {  	_ =	shalt  }
0x5b: {  	_ =	shalt  }
0x5c: {  	_ =	shalt  }
0x5d: {  	_ =	shalt  }
0x5e: {  	_ =	shalt  }
0x5f: {  	_ =	shalt  }
0x60: {  	_ =	shalt  }
0x61: {  	_ =	shalt  }
0x62: {  	_ =	shalt  }
0x63: {  	_ =	shalt  }
0x64: {  	_ =	shalt  }
0x65: {  	_ =	shalt  }
0x66: {  	_ =	shalt  }
0x67: {  	_ =	shalt  }
0x68: {  	_ =	shalt  }
0x69: {  	_ =	shalt  }
0x6a: {  	_ =	shalt  }
0x6b: {  	_ =	shalt  }
0x6c: {  	_ =	shalt  }
0x6d: {  	_ =	shalt  }
0x6e: {  	_ =	shalt  }
0x6f: {  	_ =	shalt  }
0x70: {  	_ =	shalt  }
0x71: {  	_ =	shalt  }
0x72: {  	_ =	shalt  }
0x73: {  	_ =	shalt  }
0x74: {  	_ =	shalt  }
0x75: {  	_ =	shalt  }
0x76: {  	_ =	shalt  }
0x77: {  	_ =	shalt  }
0x78: {  	_ =	shalt  }
0x79: {  	_ =	shalt  }
0x7a: {  	_ =	shalt  }
0x7b: {  	_ =	shalt  }
0x7c: {  	_ =	shalt  }
0x7d: {  	_ =	shalt  }
0x7e: {  	_ =	shalt  }
0x7f: {  	_ =	shalt  }
0x80: {  	_ =	shalt  }
0x81: {  	_ =	shalt  }
0x82: {  	_ =	shalt  }
0x83: {  	_ =	shalt  }
0x84: {  	_ =	shalt  }
0x85: {  	_ =	shalt  }
0x86: {  	_ =	shalt  }
0x87: {  	_ =	shalt  }
.Lfunc_end0:
.L_simem_size_0:
called_computation.1_lowered:
.L_overlay_start_0:
0x88: {  	s2 =	sld [smem:$0x3FD9]  }
0x89: {  	s3 =	sld [smem:$0x3FFE];
	_ =	sdelay $0x1  }
0x8a: {  	s1 =	srdreg.scid  }
0x8b: {  	s0 =	sand.u32 $0x1, s1  }
0x8c: {  	s14 =	sshll.u32 s0, $0xA;
	s2 =	sadd.s32 s3, s2  }
0x8d: {  	s2 =	sadd.s32 s2, s14  }
0x8e: {  	[smem:$0x3FBC] =	sst s2  }
0x8f: {  	_ = 	snop  }
0x90: {  	s2 =	sld [smem:$0x3FD0];
	_ =	sdelay $0x2  }
0x91: {  	s15 =	simm.s32 $0xA;
	s4 =	simm.s32 $0x10  }
0x92: {  	[smem:s4], [sflag:s15] =	dma.local [hbm:s2], $0x1  }
0x93: {  	_ =	swait.eq [sflag:s15], $0x1  }
0x94: {  	[sflag:s15] =	ssyncset.done $0x0  }
0x95: {  	s16 =	sld [smem:$0x12];
	[sflag:s15] =	ssyncadd.s32 $0xFFFFFFFF  }
0x96: {  	s17 =	sld [smem:$0x13];
	(tm) =	ssettm $0x1  }
0x97: {  	s18 =	sld [smem:$0x3FFB];
	_ =	sdelay $0x3  }
0x98: {  	_ =	strace s18  }
0x99: {  	s4 =	sld [smem:$0x3FFC];
	_ =	sdelay $0x3  }
0x9a: {  	_ =	strace s4  }
0x9b: {  	s4 =	sld [smem:$0x3FFD];
	_ =	sdelay $0x3  }
0x9c: {  	_ =	strace s4  }
0x9d: {  	_ =	strace $0x8FFFFFFF  }
0x9e: {  	s19 =	sld [smem:$0x3FDB];
	_ =	sdelay $0x1  }
0x9f: {  	s5 =	simm.s32 $_scs_section_size  }
0xa0: {  	s6 =	simm.s32 $_size__tile_overlayer_lowered;
	s7 =	simm.s32 $_tile_overlayer_lowered  }
0xa1: {  	s22 =	simm.s32 $0x1BFF;
	s21 =	sshll.u32 s7, $0x1;
	s4 =	sadd.s32 s5, s19  }
0xa2: {  	s8 =	simm.s32 $0x0;
	s20 =	sshll.u32 s6, $0x1;
	s6 =	sadd.s32 s21, s4  }
0xa3: {  	[timem:s8], [sflag:s22] =	dma.local [hbm:s6], s20  }
0xa4: {  	_ =	swait.ge [sflag:s22], s20  }
0xa5: {  	s5 =	ssub.s32 $0x0, s20;
	[sflag:s22] =	ssyncset.done $0x0  }
0xa6: {  	[sflag:s22] =	ssyncadd.s32 s5;
	_ =	sdelay $0x1  }
0xa7: {  	s23 =	simm.s32 $0x1B8B  }
0xa8: {  	_ =	swait.ge [sflag:s23], $0x1  }
0xa9: {  	[sflag:s23] =	ssyncset.done $0x0  }
0xaa: {  	s25 =	simm.s32 $0x1B8E;
	s24 =	sld [smem:$0x3FFE];
	[sflag:s23] =	ssyncadd.s32 $0xFFFFFFFF  }
0xab: {  	s26 =	simm.s32 $execute0_lowered;
	[smem:$0x3FD2] =	sst s25  }
0xac: {  	s6 =	sshll.u32 s26, $0x1;
	_ =	strace $0x80000049;
	[dreg:$0x1] =	wrdreg $0xFFFFFFFF  }
0xad: {  	s28 =	simm.s32 $_size_execute0_lowered;
	s4 =	sadd.s32 s4, s6;
	[dreg:$0x0] =	wrdreg $0x0  }
0xae: {  	s6 =	sshll.u32 s28, $0x1;
	[dreg:$0x2] =	wrdreg s4  }
0xaf: {  	[dreg:$0x3] =	wrdreg s6  }
0xb0: {  	[dreg:$0x4] =	wrdreg $0xC0  }
0xb1: {  	_ =	task [dreg:s8], $0x5FFFF  }
0xb2: {  	[dreg:$0x1] =	wrdreg $0xFFFFFFFF  }
0xb3: {  	[dreg:$0x0] =	wrdreg $0x60  }
0xb4: {  	[dreg:$0x2] =	wrdreg s17  }
0xb5: {  	[dreg:$0x3] =	wrdreg s24  }
0xb6: {  	[dreg:$0x4] =	wrdreg s16  }
0xb7: {  	[dreg:$0x5] =	wrdreg $0x0  }
0xb8: {  	[dreg:$0x6] =	wrdreg $0x9  }
0xb9: {  	_ =	task.clear_ibuf [dreg:s8], $0x7FFFF;
	_ =	strace $0x90000049  }
0xba: {  	s29 =	simm.s32 $0x9;
	_ =	strace $0x8000004B  }
0xbb: {  	_ =	swait.ge [sflag:s29], $0x1  }
0xbc: {  	[sflag:s29] =	ssyncadd.s32 $0xFFFFFFFF  }
0xbd: {  	_ =	strace $0x9000004B  }
0xbe: {  	_ =	sfence  }
0xbf: {  	s30 =	sld [smem:$0x0];
	_ =	sdelay $0x2  }
0xc0: {  	s31 =	sshll.u32 s1, $0xD;
	s1 =	sshrl.u32 s1, $0x2  }
0xc1: {  	s3 =	sand.u32 $0x4000, s31;
	s1 =	sadd.s32 s1, s30  }
0xc2: {  	s0 =	sor.u32 s3, s0;
	s1 =	sshll.u32 s1, $0x11  }
0xc3: {  	s0 =	sor.u32 s1, s0  }
0xc4: {  	s0 =	sadd.s32 $0x8F2B, s0  }
0xc5: {  	[sflag:s0] =	ssyncadd.remote.s32 $0x1  }
0xc6: {  	_ =	sfence.sel $0xFFFF  }
0xc7: {  	[dreg:$0x0] =	wrdreg $0xFFFFFFFF;
	(pc) =	sbr.abs _section_cstart, $3  }
0xc8: {  	[dreg:$0x1] =	wrdreg $0xFFFFFFFF  }
0xc9: {  	_ =	task.clear_ibuf [dreg:s8], $0x2FFFF;
	_ =	strace $0x9FFFFFFF  }
0xca: {  	(tm) =	ssettm $0x7FFFFFFF  }
0xcb: {  	_ =	shalt  }
tec
execute0_lowered:
.L_overlay_start_1:
0x0: {  	(tag) =	ssettag $0x1  }
0x1: {  	s1 =	rddreg [dreg:$0x0]  }
0x2: {  	s5 =	rddreg [dreg:$0x1]  }
0x3: {  	s8 =	rddreg [dreg:$0x2];
	s2 =	srdreg.scid  }
0x4: {  	s0 =	stileid.u32;
	s3 =	rddreg [dreg:$0x3]  }
0x5: {  	s4 =	simm.s32 $0x0;
	s18 =	simm.s32 $0x80;
	s19 =	simm.s32 $0x16480  }
0x6: {  	s20 =	simm.s32 $0x13D00;
	s21 =	simm.s32 $0x1A480;
	s22 =	simm.s32 $0x1  }
0x7: {  	s23 =	simm.s32 $0x3;
	s24 =	simm.s32 $0x2;
	s25 =	simm.s32 $0x4  }
0x8: {  	s26 =	simm.s32 $0x16380;
	s28 =	simm.s32 $0x16400;
	s29 =	simm.s32 $0x0  }
0x9: {  	s6 =	sand.u32 $0x1, s2;
	s7 =	sshll.u32 s0, $0x1;
	s10 =	smul.u32 $0x4F000, s0  }
0xa: {  	[smem:$0x7FF] =	sst s4;
	s12 =	smul.u32 $0x2780, s0;
	s13 =	sadd.s32 $0xF600, s5  }
0xb: {  	s15 =	sadd.s32 $0x128400, s3;
	p0 =	seq.s32 s0, $0xF;
	s7 =	sor.u32 s6, s7  }
0xc: {  	_ =	strace $0x8000004A;
	s9 =	ssub.s32 $0x2, s6;
	s30 =	smul.u32 $0x27100, s6  }
0xd: {  	s14 =	smul.u32 $0x138800, s6;
	s16 =	sshll.u32 @!p0 s0, $0x6;
	s15 =	sshrl.u32 @p0 s15, $0x3  }
0xe: {  	s7 =	smul.u32 $0x280, s7;
	s11 =	sshrl.u32 s9, $0x1;
	s10 =	sshrl.u32 s10, $0x2  }
0xf: {  	s16 =	sor.u32 @!p0 $0x1C05, s16;
	s11 =	ssub.s32 s9, s11;
	s17 =	sadd.s32 s10, s3  }
0x10: {  	s9 =	sadd.s32 s12, s30;
	s31 =	sshrl.u32 s14, $0x3;
	s14 =	simm.s32 $0x15080  }
0x11: {  	s7 =	sadd.s32 s7, s5;
	s9 =	sadd.s32 s13, s9;
	s10 =	sadd.s32 s13, s31  }
0x12: {  	s11 =	smax.u32 s11, $0x1;
	s13 =	simm.s32 $0x5;
	s17 =	sshrl.u32 @!p0 s17, $0x3  }
0x13: {  	s5 =	sadd.s32 $0x5600, s7;
	s6 =	sadd.s32 $0xA600, s7;
	s7 =	sadd.s32 s8, s12  }
0x14: {  	s8 =	sadd.s32 $0x25080, s8;
	s10 =	sadd.s32 $0x25080, s10;
	s12 =	simm.s32 $0x13C80  }
.LBB2_1:
0x15: {  	[tilespmem:s12], [sflag:$0x5] =	stream.linear.gather [hbm4b:s5+s4], $0x1400, $0x38;
	[tilespmem:$0x1E480] =	vst v63  }
0x16: {  	_ =	swait.ge [sflag:s13], $0x1400  }
0x17: {  	[sflag:s13] =	ssyncset.done $0x0  }
0x18: {  	[sflag:s13] =	ssyncadd.s32 $0xFFFFEC00  }
0x19: {  	[tilespmem:s14], [sflag:$0x5] =	stream.linear.gather [hbm4b:s6+s4], $0x1400, $0x38;
	[tilespmem:$0x1E480] =	vst v63  }
0x1a: {  	_ =	swait.ge [sflag:s13], $0x1400  }
0x1b: {  	[sflag:s13] =	ssyncset.done $0x0  }
0x1c: {  	s30 =	simm.s32 @p0 $0x1FC5;
	[sflag:s13] =	ssyncadd.s32 $0xFFFFEC00  }
0x1d: {  	[spmem:s15], [sflag:s30] =	dma.local @p0 [hbm:s8], $0x2080  }
0x1e: {  	s30 =	simm.s32 @p0 $0x5  }
0x1f: {  	_ =	swait.ge @p0 [sflag:s30], $0x2080  }
0x20: {  	[sflag:s30] =	ssyncset.done @p0 $0x0  }
0x21: {  	[sflag:s30] =	ssyncadd.s32 @p0 $0xFFFFDF80;
	s30 =	simm.s32 @!p0 $0x5  }
0x22: {  	[spmem:s17], [sflag:s16] =	dma.local @!p0 [hbm:s7], $0x2780  }
0x23: {  	_ =	swait.ge @!p0 [sflag:s30], $0x2780  }
0x24: {  	[sflag:s30] =	ssyncset.done @!p0 $0x0  }
0x25: {  	[sflag:s30] =	ssyncadd.s32 @!p0 $0xFFFFD880  }
0x26: {  	[bflag:$0x0] =	sbarrier.arrive $0xFFFF  }
0x27: {  	[tilespmem:s19], [sflag:$0x1] =	stream.indirect.gather [hbm4b:s1+s18], $0x80, s12, s18, $0xb8;
	[tilespmem:$0x1E480] =	vst v63  }
0x28: {  	_ = 	snop  }
0x29: {  	[tilespmem:s21], [sflag:$0x2] =	stream.indirect.gather [hbm4b:s1+s18], $0x80, s20, s18, $0xb8;
	[tilespmem:$0x1E480] =	vst v63  }
0x2a: {  	_ =	swait.ge [sflag:s22], $0x4000  }
0x2b: {  	[sflag:s22] =	ssyncset.done $0x0  }
0x2c: {  	s30 =	simm.s32 $0x15080;
	[sflag:s22] =	ssyncadd.s32 $0xFFFFC000  }
0x2d: {  	[spmem:s3] =	stream.indirect.scatter.add.f32 [tilespmem:s19], [sflag:$0x3], $0x80, s30, s18, $0xb8;
	[tilespmem:$0x1E480] =	vst v63  }
0x2e: {  	_ =	swait.ge [sflag:s23], $0x4000  }
0x2f: {  	[sflag:s23] =	ssyncset.done $0x0  }
0x30: {  	s30 =	simm.s32 $0x13D80;
	[sflag:s23] =	ssyncadd.s32 $0xFFFFC000  }
0x31: {  	[tilespmem:s19], [sflag:$0x1] =	stream.indirect.gather [hbm4b:s1+s18], $0x80, s30, s18, $0xb8;
	[tilespmem:$0x1E480] =	vst v63  }
0x32: {  	_ =	swait.ge [sflag:s24], $0x4000  }
0x33: {  	[sflag:s24] =	ssyncset.done $0x0  }
0x34: {  	s30 =	simm.s32 $0x15100;
	[sflag:s24] =	ssyncadd.s32 $0xFFFFC000  }
0x35: {  	[spmem:s3] =	stream.indirect.scatter.add.f32 [tilespmem:s21], [sflag:$0x4], $0x80, s30, s18, $0xb8;
	[tilespmem:$0x1E480] =	vst v63  }
0x36: {  	_ =	swait.ge [sflag:s25], $0x4000  }
0x37: {  	[sflag:s25] =	ssyncset.done $0x0  }
0x38: {  	s31 =	simm.s32 $0x13E00;
	s30 =	simm.s32 $0x400;
	[sflag:s25] =	ssyncadd.s32 $0xFFFFC000  }
.LBB2_2:
0x39: {  	[tilespmem:s21], [sflag:$0x2] =	stream.indirect.gather [hbm4b:s1+s18], $0x80, s31, s18, $0xb8;
	[tilespmem:$0x1E480] =	vst v63  }
0x3a: {  	s31 =	smov.u32 s30  }
0x3b: {  	p1 =	sne.s32 s30, $0x4800;
	s30 =	sadd.s32 $0x400, s30;
	_ =	swait.ge [sflag:s22], $0x4000  }
0x3c: {  	s31 =	sshra.s32 s31, $0x2;
	[sflag:s22] =	ssyncset.done $0x0  }
0x3d: {  	s2 =	sadd.s32 $0x15080, s31;
	[sflag:s22] =	ssyncadd.s32 $0xFFFFC000  }
0x3e: {  	[spmem:s3] =	stream.indirect.scatter.add.f32 [tilespmem:s19], [sflag:$0x3], $0x80, s2, s18, $0xb8;
	[tilespmem:$0x1E480] =	vst v63  }
0x3f: {  	_ =	swait.ge [sflag:s23], $0x4000  }
0x40: {  	[sflag:s23] =	ssyncset.done $0x0  }
0x41: {  	s2 =	sadd.s32 $0x13D80, s31;
	[sflag:s23] =	ssyncadd.s32 $0xFFFFC000  }
0x42: {  	[tilespmem:s19], [sflag:$0x1] =	stream.indirect.gather [hbm4b:s1+s18], $0x80, s2, s18, $0xb8;
	[tilespmem:$0x1E480] =	vst v63  }
0x43: {  	_ =	swait.ge [sflag:s24], $0x4000  }
0x44: {  	[sflag:s24] =	ssyncset.done $0x0  }
.Ltmp0:
0x45: {  	s2 =	sadd.s32 $0x15100, s31;
	[sflag:s24] =	ssyncadd.s32 $0xFFFFC000;
	(pc) =	sbr.rel @p1 .LBB2_2-.Ltmp0, $4  }
0x46: {  	[spmem:s3] =	stream.indirect.scatter.add.f32 [tilespmem:s21], [sflag:$0x4], $0x80, s2, s18, $0xb8;
	[tilespmem:$0x1E480] =	vst v63  }
0x47: {  	_ =	swait.ge [sflag:s25], $0x4000  }
0x48: {  	[sflag:s25] =	ssyncset.done $0x0  }
0x49: {  	s31 =	sadd.s32 $0x13E00, s31;
	[sflag:s25] =	ssyncadd.s32 $0xFFFFC000  }
0x4a: {  	[tilespmem:s21], [sflag:$0x2] =	stream.indirect.gather [hbm4b:s1+s18], $0x80, s31, s18, $0xb8;
	[tilespmem:$0x1E480] =	vst v63  }
0x4b: {  	_ =	swait.ge [sflag:s22], $0x4000  }
0x4c: {  	[sflag:s22] =	ssyncset.done $0x0  }
0x4d: {  	[sflag:s22] =	ssyncadd.s32 $0xFFFFC000  }
0x4e: {  	[spmem:s3] =	stream.indirect.scatter.add.f32 [tilespmem:s19], [sflag:$0x3], $0x80, s26, s18, $0xb8;
	[tilespmem:$0x1E480] =	vst v63  }
0x4f: {  	_ =	swait.ge [sflag:s23], $0x4000  }
0x50: {  	[sflag:s23] =	ssyncset.done $0x0  }
0x51: {  	[sflag:s23] =	ssyncadd.s32 $0xFFFFC000  }
0x52: {  	_ =	swait.ge [sflag:s24], $0x4000  }
0x53: {  	[sflag:s24] =	ssyncset.done $0x0  }
0x54: {  	[sflag:s24] =	ssyncadd.s32 $0xFFFFC000  }
0x55: {  	[spmem:s3] =	stream.indirect.scatter.add.f32 [tilespmem:s21], [sflag:$0x4], $0x80, s28, s18, $0xb8;
	[tilespmem:$0x1E480] =	vst v63  }
0x56: {  	_ =	swait.ge [sflag:s25], $0x4000  }
0x57: {  	[sflag:s25] =	ssyncset.done $0x0  }
0x58: {  	[sflag:s25] =	ssyncadd.s32 $0xFFFFC000  }
0x59: {  	s2 =	simm.s32 @p0 $0x1FC5;
	[bflag:$0x0] =	sbarrier.arrive $0xFFFF  }
0x5a: {  	[hbm:s10], [sflag:s2] =	dma.local @p0 [spmem:s15], $0x2080  }
0x5b: {  	s2 =	simm.s32 @p0 $0x5  }
0x5c: {  	s29 =	sadd.s32 $0x1, s29;
	_ =	swait.ge @p0 [sflag:s2], $0x2080  }
0x5d: {  	p1 =	sne.s32 s29, s11;
	[sflag:s2] =	ssyncset.done @p0 $0x0  }
.Ltmp1:
0x5e: {  	[sflag:s2] =	ssyncadd.s32 @p0 $0xFFFFDF80;
	s2 =	simm.s32 @!p0 $0x5;
	(pc) =	sbr.rel @p1 .LBB2_1-.Ltmp1, $4  }
0x5f: {  	[hbm:s9], [sflag:s16] =	dma.local @!p0 [spmem:s17], $0x2780  }
0x60: {  	_ =	swait.ge @!p0 [sflag:s2], $0x2780  }
0x61: {  	[sflag:s2] =	ssyncset.done @!p0 $0x0  }
0x62: {  	[sflag:s2] =	ssyncadd.s32 @!p0 $0xFFFFD880  }
0x63: {  	_ =	sfence.sel $0x180000  }
0x64: {  	[bflag:$0x0] =	sbarrier.arrive $0xFFFF  }
0x65: {  	_ =	strace $0x9000004A  }
0x66: {  	[bflag:$0x2] =	sbarrier.arrive $0xFFFF  }
0x67: {  	p0 =	sne.s32 s0, $0x0;
	s0 =	rddreg [dreg:$0x4]  }
0x68: {  	s0 =	sadd.s32 @!p0 $0x100000, s0  }
0x69: {  	[sflag:s0] =	ssyncadd.tile.s32 @!p0 $0x1;
	_ =	shalt  }
.Lfunc_end2:
_tile_overlayer_lowered:
.L_overlay_start_2:
0x6a: {  	(tag) =	ssettag $0x2  }
0x6b: {  	s0 =	rddreg [dreg:$0x0];
	s2 =	stileid.u32  }
0x6c: {  	s1 =	rddreg [dreg:$0x1];
	p0 =	sne.s32 s2, $0x0  }
0x6d: {  	s3 =	rddreg [dreg:$0x2];
	[bflag:$0x3] =	sbarrier.arrive $0xFFFF;
	s2 =	simm.s32 @!p0 $0x1C05  }
0x6e: {  	[timem:s3], [sflag:s2] =	dma.local @!p0 [hbm:s0], s1  }
0x6f: {  	s0 =	simm.s32 @!p0 $0x5  }
0x70: {  	_ =	swait.ge @!p0 [sflag:s0], s1  }
0x71: {  	s1 =	ssub.s32 @!p0 $0x0, s1;
	[sflag:s0] =	ssyncset.done @!p0 $0x0  }
0x72: {  	[sflag:s0] =	ssyncadd.s32 @!p0 s1  }
0x73: {  	[bflag:$0x3] =	sbarrier.arrive $0xFFFF  }
0x74: {  	_ =	shalt  }

// kernel: kernel.17.cloned.1.call-start
scs
__scs_entry_jumppad:
0x0: {  	(pc) =	sbr.rel $0x88, $3  }
0x1: {  	(tag) =	ssettag $0x0;
	lr =	simm.s32 $0x1  }
0x2: {  	[smem:$0x3F95] =	sst lr;
	_ =	strace $0xD0000000  }
0x3: {  	_ = 	snop  }
0x4: {  	_ = 	snop  }
0x5: {  	_ = 	snop  }
0x6: {  	_ = 	snop  }
0x7: {  	_ = 	snop  }
__scs_overlays_trampoline_lowered:
0x8: {  	[smem:$0x3FA4] =	sst s0  }
0x9: {  	[smem:$0x3FA5] =	sst s1  }
0xa: {  	[smem:$0x3FA6] =	sst s2  }
0xb: {  	[smem:$0x3FA7] =	sst s3  }
0xc: {  	[smem:$0x3FA8] =	sst s4  }
0xd: {  	[smem:$0x3FA9] =	sst s5  }
0xe: {  	[smem:$0x3FAA] =	sst s6  }
0xf: {  	[smem:$0x3FAB] =	sst s7  }
0x10: {  	[smem:$0x3FAC] =	sst s8  }
0x11: {  	[smem:$0x3FAD] =	sst s9;
	s0 =	simm.s32 @!p0 $0x0  }
0x12: {  	s1 =	sld [smem:$0x3F93];
	s0 =	simm.s32 @p0 $0x1  }
0x13: {  	[smem:$0x3FAE] =	sst s0;
	s0 =	simm.s32 @!p1 $0x0  }
0x14: {  	s2 =	sld [smem:$0x3F92];
	s0 =	simm.s32 @p1 $0x1  }
0x15: {  	[smem:$0x3FAF] =	sst s0;
	s0 =	simm.s32 @!p2 $0x0  }
0x16: {  	s3 =	sld [smem:$0x3FDB];
	s0 =	simm.s32 @p2 $0x1  }
0x17: {  	s4 =	simm.s32 $0x1BF5;
	[smem:$0x3FB1] =	sst s0  }
0x18: {  	s0 =	sld [smem:$0x3F94];
	_ =	swait.ge [sflag:s4], $0x0  }
0x19: {  	s7 =	sld [smem:$0x3F95]  }
0x1a: {  	s8 =	sadd.s32 $0xFFFFE003, lr  }
0x1b: {  	s9 =	sadd.s32 $0xFFFFFEF7, lr;
	s5 =	simm.s32 $0xFFFFFFFF;
	p2 =	slt.u32 s8, $0xFFFFF086  }
0x1c: {  	p1 =	slt.u32 s9, $0xF7A;
	s5 =	simm.s32 @!p2 $0x0  }
0x1d: {  	s5 =	simm.s32 @p1 $0x1;
	p0 =	seq.s32 s7, s2  }
0x1e: {  	s7 =	smul.u32 @!p0 $0xF7A, s2;
	p2 =	seq.s32 @!p0 s5, $0x0  }
0x1f: {  	s9 =	smul.u32 $0xF7A, s1;
	s8 =	simm.s32 @!p0 $0x1BF5;
	p2 =	por !p2, p0  }
0x20: {  	[sflag:s8] =	ssyncset.s32 @!p0 $0xFFFFF086;
	s6 =	sadd.s32 @!p0 s3, s7;
	s7 =	simm.s32 @!p0 $0x108  }
0x21: {  	s3 =	sadd.s32 s3, s9;
	s6 =	sadd.s32 @!p0 $0x88, s6;
	s7 =	simm.s32 @p2 $0x1082  }
0x22: {  	[simem:s7], [sflag:s8] =	dma.local @!p0 [hbm:s6], $0xF7A  }
0x23: {  	s9 =	sor.u32 $0xD0000000, s2;
	s6 =	simm.s32 $0x108;
	_ =	swait.ge @!p0 [sflag:s8], $0x0  }
0x24: {  	s3 =	sadd.s32 $0x88, s3;
	s6 =	simm.s32 @!p1 $0x1082;
	[sflag:s4] =	ssyncset.s32 $0xFFFFF086  }
0x25: {  	[simem:s6], [sflag:s4] =	dma.local [hbm:s3], $0xF7A  }
0x26: {  	[smem:$0x3F95] =	sst s1;
	(tag) =	ssettag s2;
	_ =	strace s9  }
0x27: {  	s1 =	sld [smem:$0x3FA5]  }
0x28: {  	s2 =	sld [smem:$0x3FA6]  }
0x29: {  	s4 =	sld [smem:$0x3FA8]  }
0x2a: {  	p0 =	seq.s32 s5, $0x0;
	s5 =	sld [smem:$0x3FA9]  }
0x2b: {  	s6 =	sld [smem:$0x3FAA]  }
0x2c: {  	s7 =	sld [smem:$0x3FAB]  }
0x2d: {  	s3 =	simm.s32 $0x108;
	s8 =	sld [smem:$0x3FAC]  }
0x2e: {  	s3 =	simm.s32 @!p0 $0x1082;
	s9 =	sld [smem:$0x3FAD]  }
0x2f: {  	lr =	sadd.s32 s0, s3;
	s0 =	sld [smem:$0x3FA4]  }
0x30: {  	s3 =	sld [smem:$0x3FA7]  }
0x31: {  	[smem:$0x3FB0] =	sst s10  }
0x32: {  	s10 =	sld [smem:$0x3FAE];
	_ =	sdelay $0x3  }
0x33: {  	p0 =	seq.s32 s10, $0x1;
	s10 =	sld [smem:$0x3FB0];
	_ =	sdelay $0x3  }
0x34: {  	[smem:$0x3FB0] =	sst s10  }
0x35: {  	s10 =	sld [smem:$0x3FAF];
	_ =	sdelay $0x3  }
0x36: {  	p1 =	seq.s32 s10, $0x1;
	s10 =	sld [smem:$0x3FB0];
	_ =	sdelay $0x3  }
0x37: {  	[smem:$0x3FB0] =	sst s10  }
0x38: {  	s10 =	sld [smem:$0x3FB1]  }
0x39: {  	_ = 	snop;
	(pc) =	sbr.ind lr, $3  }
0x3a: {  	_ = 	snop  }
0x3b: {  	_ = 	snop  }
0x3c: {  	p2 =	seq.s32 s10, $0x1;
	s10 =	sld [smem:$0x3FB0]  }
0x3d: {  	_ =	shalt  }
0x3e: {  	_ =	shalt  }
0x3f: {  	_ =	shalt  }
0x40: {  	_ =	shalt  }
0x41: {  	_ =	shalt  }
0x42: {  	_ =	shalt  }
0x43: {  	_ =	shalt  }
0x44: {  	_ =	shalt  }
0x45: {  	_ =	shalt  }
0x46: {  	_ =	shalt  }
0x47: {  	_ =	shalt  }
0x48: {  	_ =	shalt  }
0x49: {  	_ =	shalt  }
0x4a: {  	_ =	shalt  }
0x4b: {  	_ =	shalt  }
0x4c: {  	_ =	shalt  }
0x4d: {  	_ =	shalt  }
0x4e: {  	_ =	shalt  }
0x4f: {  	_ =	shalt  }
0x50: {  	_ =	shalt  }
0x51: {  	_ =	shalt  }
0x52: {  	_ =	shalt  }
0x53: {  	_ =	shalt  }
0x54: {  	_ =	shalt  }
0x55: {  	_ =	shalt  }
0x56: {  	_ =	shalt  }
0x57: {  	_ =	shalt  }
0x58: {  	_ =	shalt  }
0x59: {  	_ =	shalt  }
0x5a: {  	_ =	shalt  }
0x5b: {  	_ =	shalt  }
0x5c: {  	_ =	shalt  }
0x5d: {  	_ =	shalt  }
0x5e: {  	_ =	shalt  }
0x5f: {  	_ =	shalt  }
0x60: {  	_ =	shalt  }
0x61: {  	_ =	shalt  }
0x62: {  	_ =	shalt  }
0x63: {  	_ =	shalt  }
0x64: {  	_ =	shalt  }
0x65: {  	_ =	shalt  }
0x66: {  	_ =	shalt  }
0x67: {  	_ =	shalt  }
0x68: {  	_ =	shalt  }
0x69: {  	_ =	shalt  }
0x6a: {  	_ =	shalt  }
0x6b: {  	_ =	shalt  }
0x6c: {  	_ =	shalt  }
0x6d: {  	_ =	shalt  }
0x6e: {  	_ =	shalt  }
0x6f: {  	_ =	shalt  }
0x70: {  	_ =	shalt  }
0x71: {  	_ =	shalt  }
0x72: {  	_ =	shalt  }
0x73: {  	_ =	shalt  }
0x74: {  	_ =	shalt  }
0x75: {  	_ =	shalt  }
0x76: {  	_ =	shalt  }
0x77: {  	_ =	shalt  }
0x78: {  	_ =	shalt  }
0x79: {  	_ =	shalt  }
0x7a: {  	_ =	shalt  }
0x7b: {  	_ =	shalt  }
0x7c: {  	_ =	shalt  }
0x7d: {  	_ =	shalt  }
0x7e: {  	_ =	shalt  }
0x7f: {  	_ =	shalt  }
0x80: {  	_ =	shalt  }
0x81: {  	_ =	shalt  }
0x82: {  	_ =	shalt  }
0x83: {  	_ =	shalt  }
0x84: {  	_ =	shalt  }
0x85: {  	_ =	shalt  }
0x86: {  	_ =	shalt  }
0x87: {  	_ =	shalt  }
.Lfunc_end0:
.L_simem_size_0:
called_computation.2_lowered:
.L_overlay_start_0:
0x88: {  	s2 =	sld [smem:$0x3FD9]  }
0x89: {  	s3 =	sld [smem:$0x3FFE];
	_ =	sdelay $0x1  }
0x8a: {  	s1 =	srdreg.scid  }
0x8b: {  	s0 =	sand.u32 $0x1, s1  }
0x8c: {  	s14 =	sshll.u32 s0, $0xA;
	s2 =	sadd.s32 s3, s2  }
0x8d: {  	s2 =	sadd.s32 s2, s14  }
0x8e: {  	[smem:$0x3FBC] =	sst s2  }
0x8f: {  	_ = 	snop  }
0x90: {  	s2 =	sld [smem:$0x3FD0];
	_ =	sdelay $0x2  }
0x91: {  	s15 =	simm.s32 $0xA;
	s4 =	simm.s32 $0x10  }
0x92: {  	[smem:s4], [sflag:s15] =	dma.local [hbm:s2], $0x1  }
0x93: {  	_ =	swait.eq [sflag:s15], $0x1  }
0x94: {  	[sflag:s15] =	ssyncset.done $0x0  }
0x95: {  	s16 =	sld [smem:$0x12];
	[sflag:s15] =	ssyncadd.s32 $0xFFFFFFFF  }
0x96: {  	s17 =	sld [smem:$0x13];
	(tm) =	ssettm $0x1  }
0x97: {  	s18 =	sld [smem:$0x3FFB];
	_ =	sdelay $0x3  }
0x98: {  	_ =	strace s18  }
0x99: {  	s4 =	sld [smem:$0x3FFC];
	_ =	sdelay $0x3  }
0x9a: {  	_ =	strace s4  }
0x9b: {  	s4 =	sld [smem:$0x3FFD];
	_ =	sdelay $0x3  }
0x9c: {  	_ =	strace s4  }
0x9d: {  	_ =	strace $0x8FFFFFFF  }
0x9e: {  	s19 =	sld [smem:$0x3FDB];
	_ =	sdelay $0x1  }
0x9f: {  	s5 =	simm.s32 $_scs_section_size  }
0xa0: {  	s6 =	simm.s32 $_size__tile_overlayer_lowered;
	s7 =	simm.s32 $_tile_overlayer_lowered  }
0xa1: {  	s22 =	simm.s32 $0x1BFF;
	s21 =	sshll.u32 s7, $0x1;
	s4 =	sadd.s32 s5, s19  }
0xa2: {  	s8 =	simm.s32 $0x0;
	s20 =	sshll.u32 s6, $0x1;
	s6 =	sadd.s32 s21, s4  }
0xa3: {  	[timem:s8], [sflag:s22] =	dma.local [hbm:s6], s20  }
0xa4: {  	_ =	swait.ge [sflag:s22], s20  }
0xa5: {  	s5 =	ssub.s32 $0x0, s20;
	[sflag:s22] =	ssyncset.done $0x0  }
0xa6: {  	[sflag:s22] =	ssyncadd.s32 s5;
	_ =	sdelay $0x1  }
0xa7: {  	s23 =	simm.s32 $0x1B8B  }
0xa8: {  	_ =	swait.ge [sflag:s23], $0x1  }
0xa9: {  	[sflag:s23] =	ssyncset.done $0x0  }
0xaa: {  	s25 =	simm.s32 $0x1B8E;
	s24 =	sld [smem:$0x3FFE];
	[sflag:s23] =	ssyncadd.s32 $0xFFFFFFFF  }
0xab: {  	s26 =	simm.s32 $execute0_lowered;
	[smem:$0x3FD2] =	sst s25  }
0xac: {  	s6 =	sshll.u32 s26, $0x1;
	_ =	strace $0x8000004C;
	[dreg:$0x1] =	wrdreg $0xFFFFFFFF  }
0xad: {  	s28 =	simm.s32 $_size_execute0_lowered;
	s4 =	sadd.s32 s4, s6;
	[dreg:$0x0] =	wrdreg $0x0  }
0xae: {  	s6 =	sshll.u32 s28, $0x1;
	[dreg:$0x2] =	wrdreg s4  }
0xaf: {  	[dreg:$0x3] =	wrdreg s6  }
0xb0: {  	[dreg:$0x4] =	wrdreg $0xC0  }
0xb1: {  	_ =	task [dreg:s8], $0x5FFFF  }
0xb2: {  	[dreg:$0x1] =	wrdreg $0xFFFFFFFF  }
0xb3: {  	[dreg:$0x0] =	wrdreg $0x60  }
0xb4: {  	[dreg:$0x2] =	wrdreg s17  }
0xb5: {  	[dreg:$0x3] =	wrdreg s24  }
0xb6: {  	[dreg:$0x4] =	wrdreg s16  }
0xb7: {  	[dreg:$0x5] =	wrdreg $0x0  }
0xb8: {  	[dreg:$0x6] =	wrdreg $0x9  }
0xb9: {  	_ =	task.clear_ibuf [dreg:s8], $0x7FFFF;
	_ =	strace $0x9000004C  }
0xba: {  	s29 =	simm.s32 $0x9;
	_ =	strace $0x8000004E  }
0xbb: {  	_ =	swait.ge [sflag:s29], $0x1  }
0xbc: {  	[sflag:s29] =	ssyncadd.s32 $0xFFFFFFFF  }
0xbd: {  	_ =	strace $0x9000004E  }
0xbe: {  	_ =	sfence  }
0xbf: {  	s30 =	sld [smem:$0x0];
	_ =	sdelay $0x2  }
0xc0: {  	s31 =	sshll.u32 s1, $0xD;
	s1 =	sshrl.u32 s1, $0x2  }
0xc1: {  	s3 =	sand.u32 $0x4000, s31;
	s1 =	sadd.s32 s1, s30  }
0xc2: {  	s0 =	sor.u32 s3, s0;
	s1 =	sshll.u32 s1, $0x11  }
0xc3: {  	s0 =	sor.u32 s1, s0  }
0xc4: {  	s0 =	sadd.s32 $0x8F2B, s0  }
0xc5: {  	[sflag:s0] =	ssyncadd.remote.s32 $0x1  }
0xc6: {  	_ =	sfence.sel $0xFFFF  }
0xc7: {  	[dreg:$0x0] =	wrdreg $0xFFFFFFFF;
	(pc) =	sbr.abs _section_cstart, $3  }
0xc8: {  	[dreg:$0x1] =	wrdreg $0xFFFFFFFF  }
0xc9: {  	_ =	task.clear_ibuf [dreg:s8], $0x2FFFF;
	_ =	strace $0x9FFFFFFF  }
0xca: {  	(tm) =	ssettm $0x7FFFFFFF  }
0xcb: {  	_ =	shalt  }
tec
execute0_lowered:
.L_overlay_start_1:
0x0: {  	(tag) =	ssettag $0x1  }
0x1: {  	s1 =	rddreg [dreg:$0x0]  }
0x2: {  	s5 =	rddreg [dreg:$0x1]  }
0x3: {  	s8 =	rddreg [dreg:$0x2];
	s2 =	srdreg.scid  }
0x4: {  	s0 =	stileid.u32;
	s3 =	rddreg [dreg:$0x3]  }
0x5: {  	s4 =	simm.s32 $0x0;
	s18 =	simm.s32 $0x80;
	s19 =	simm.s32 $0x16480  }
0x6: {  	s20 =	simm.s32 $0x13D00;
	s21 =	simm.s32 $0x1A480;
	s22 =	simm.s32 $0x1  }
0x7: {  	s23 =	simm.s32 $0x3;
	s24 =	simm.s32 $0x2;
	s25 =	simm.s32 $0x4  }
0x8: {  	s26 =	simm.s32 $0x16380;
	s28 =	simm.s32 $0x16400;
	s29 =	simm.s32 $0x0  }
0x9: {  	s6 =	sand.u32 $0x1, s2;
	s7 =	sshll.u32 s0, $0x1;
	s10 =	smul.u32 $0x4F000, s0  }
0xa: {  	[smem:$0x7FF] =	sst s4;
	s12 =	smul.u32 $0x2780, s0;
	s13 =	sadd.s32 $0xF600, s5  }
0xb: {  	s15 =	sadd.s32 $0x128400, s3;
	p0 =	seq.s32 s0, $0xF;
	s7 =	sor.u32 s6, s7  }
0xc: {  	_ =	strace $0x8000004D;
	s9 =	ssub.s32 $0x2, s6;
	s30 =	smul.u32 $0x27100, s6  }
0xd: {  	s14 =	smul.u32 $0x138800, s6;
	s16 =	sshll.u32 @!p0 s0, $0x6;
	s15 =	sshrl.u32 @p0 s15, $0x3  }
0xe: {  	s7 =	smul.u32 $0x280, s7;
	s11 =	sshrl.u32 s9, $0x1;
	s10 =	sshrl.u32 s10, $0x2  }
0xf: {  	s16 =	sor.u32 @!p0 $0x1C05, s16;
	s11 =	ssub.s32 s9, s11;
	s17 =	sadd.s32 s10, s3  }
0x10: {  	s9 =	sadd.s32 s12, s30;
	s31 =	sshrl.u32 s14, $0x3;
	s14 =	simm.s32 $0x15080  }
0x11: {  	s7 =	sadd.s32 s7, s5;
	s9 =	sadd.s32 s13, s9;
	s10 =	sadd.s32 s13, s31  }
0x12: {  	s11 =	smax.u32 s11, $0x1;
	s13 =	simm.s32 $0x5;
	s17 =	sshrl.u32 @!p0 s17, $0x3  }
0x13: {  	s5 =	sadd.s32 $0x5600, s7;
	s6 =	sadd.s32 $0xA600, s7;
	s7 =	sadd.s32 s8, s12  }
0x14: {  	s8 =	sadd.s32 $0x25080, s8;
	s10 =	sadd.s32 $0x25080, s10;
	s12 =	simm.s32 $0x13C80  }
.LBB2_1:
0x15: {  	[tilespmem:s12], [sflag:$0x5] =	stream.linear.gather [hbm4b:s5+s4], $0x1400, $0x38;
	[tilespmem:$0x1E480] =	vst v63  }
0x16: {  	_ =	swait.ge [sflag:s13], $0x1400  }
0x17: {  	[sflag:s13] =	ssyncset.done $0x0  }
0x18: {  	[sflag:s13] =	ssyncadd.s32 $0xFFFFEC00  }
0x19: {  	[tilespmem:s14], [sflag:$0x5] =	stream.linear.gather [hbm4b:s6+s4], $0x1400, $0x38;
	[tilespmem:$0x1E480] =	vst v63  }
0x1a: {  	_ =	swait.ge [sflag:s13], $0x1400  }
0x1b: {  	[sflag:s13] =	ssyncset.done $0x0  }
0x1c: {  	s30 =	simm.s32 @p0 $0x1FC5;
	[sflag:s13] =	ssyncadd.s32 $0xFFFFEC00  }
0x1d: {  	[spmem:s15], [sflag:s30] =	dma.local @p0 [hbm:s8], $0x2080  }
0x1e: {  	s30 =	simm.s32 @p0 $0x5  }
0x1f: {  	_ =	swait.ge @p0 [sflag:s30], $0x2080  }
0x20: {  	[sflag:s30] =	ssyncset.done @p0 $0x0  }
0x21: {  	[sflag:s30] =	ssyncadd.s32 @p0 $0xFFFFDF80;
	s30 =	simm.s32 @!p0 $0x5  }
0x22: {  	[spmem:s17], [sflag:s16] =	dma.local @!p0 [hbm:s7], $0x2780  }
0x23: {  	_ =	swait.ge @!p0 [sflag:s30], $0x2780  }
0x24: {  	[sflag:s30] =	ssyncset.done @!p0 $0x0  }
0x25: {  	[sflag:s30] =	ssyncadd.s32 @!p0 $0xFFFFD880  }
0x26: {  	[bflag:$0x0] =	sbarrier.arrive $0xFFFF  }
0x27: {  	[tilespmem:s19], [sflag:$0x1] =	stream.indirect.gather [hbm4b:s1+s18], $0x80, s12, s18, $0xb8;
	[tilespmem:$0x1E480] =	vst v63  }
0x28: {  	_ = 	snop  }
0x29: {  	[tilespmem:s21], [sflag:$0x2] =	stream.indirect.gather [hbm4b:s1+s18], $0x80, s20, s18, $0xb8;
	[tilespmem:$0x1E480] =	vst v63  }
0x2a: {  	_ =	swait.ge [sflag:s22], $0x4000  }
0x2b: {  	[sflag:s22] =	ssyncset.done $0x0  }
0x2c: {  	s30 =	simm.s32 $0x15080;
	[sflag:s22] =	ssyncadd.s32 $0xFFFFC000  }
0x2d: {  	[spmem:s3] =	stream.indirect.scatter.add.f32 [tilespmem:s19], [sflag:$0x3], $0x80, s30, s18, $0xb8;
	[tilespmem:$0x1E480] =	vst v63  }
0x2e: {  	_ =	swait.ge [sflag:s23], $0x4000  }
0x2f: {  	[sflag:s23] =	ssyncset.done $0x0  }
0x30: {  	s30 =	simm.s32 $0x13D80;
	[sflag:s23] =	ssyncadd.s32 $0xFFFFC000  }
0x31: {  	[tilespmem:s19], [sflag:$0x1] =	stream.indirect.gather [hbm4b:s1+s18], $0x80, s30, s18, $0xb8;
	[tilespmem:$0x1E480] =	vst v63  }
0x32: {  	_ =	swait.ge [sflag:s24], $0x4000  }
0x33: {  	[sflag:s24] =	ssyncset.done $0x0  }
0x34: {  	s30 =	simm.s32 $0x15100;
	[sflag:s24] =	ssyncadd.s32 $0xFFFFC000  }
0x35: {  	[spmem:s3] =	stream.indirect.scatter.add.f32 [tilespmem:s21], [sflag:$0x4], $0x80, s30, s18, $0xb8;
	[tilespmem:$0x1E480] =	vst v63  }
0x36: {  	_ =	swait.ge [sflag:s25], $0x4000  }
0x37: {  	[sflag:s25] =	ssyncset.done $0x0  }
0x38: {  	s31 =	simm.s32 $0x13E00;
	s30 =	simm.s32 $0x400;
	[sflag:s25] =	ssyncadd.s32 $0xFFFFC000  }
.LBB2_2:
0x39: {  	[tilespmem:s21], [sflag:$0x2] =	stream.indirect.gather [hbm4b:s1+s18], $0x80, s31, s18, $0xb8;
	[tilespmem:$0x1E480] =	vst v63  }
0x3a: {  	s31 =	smov.u32 s30  }
0x3b: {  	p1 =	sne.s32 s30, $0x4800;
	s30 =	sadd.s32 $0x400, s30;
	_ =	swait.ge [sflag:s22], $0x4000  }
0x3c: {  	s31 =	sshra.s32 s31, $0x2;
	[sflag:s22] =	ssyncset.done $0x0  }
0x3d: {  	s2 =	sadd.s32 $0x15080, s31;
	[sflag:s22] =	ssyncadd.s32 $0xFFFFC000  }
0x3e: {  	[spmem:s3] =	stream.indirect.scatter.add.f32 [tilespmem:s19], [sflag:$0x3], $0x80, s2, s18, $0xb8;
	[tilespmem:$0x1E480] =	vst v63  }
0x3f: {  	_ =	swait.ge [sflag:s23], $0x4000  }
0x40: {  	[sflag:s23] =	ssyncset.done $0x0  }
0x41: {  	s2 =	sadd.s32 $0x13D80, s31;
	[sflag:s23] =	ssyncadd.s32 $0xFFFFC000  }
0x42: {  	[tilespmem:s19], [sflag:$0x1] =	stream.indirect.gather [hbm4b:s1+s18], $0x80, s2, s18, $0xb8;
	[tilespmem:$0x1E480] =	vst v63  }
0x43: {  	_ =	swait.ge [sflag:s24], $0x4000  }
0x44: {  	[sflag:s24] =	ssyncset.done $0x0  }
.Ltmp0:
0x45: {  	s2 =	sadd.s32 $0x15100, s31;
	[sflag:s24] =	ssyncadd.s32 $0xFFFFC000;
	(pc) =	sbr.rel @p1 .LBB2_2-.Ltmp0, $4  }
0x46: {  	[spmem:s3] =	stream.indirect.scatter.add.f32 [tilespmem:s21], [sflag:$0x4], $0x80, s2, s18, $0xb8;
	[tilespmem:$0x1E480] =	vst v63  }
0x47: {  	_ =	swait.ge [sflag:s25], $0x4000  }
0x48: {  	[sflag:s25] =	ssyncset.done $0x0  }
0x49: {  	s31 =	sadd.s32 $0x13E00, s31;
	[sflag:s25] =	ssyncadd.s32 $0xFFFFC000  }
0x4a: {  	[tilespmem:s21], [sflag:$0x2] =	stream.indirect.gather [hbm4b:s1+s18], $0x80, s31, s18, $0xb8;
	[tilespmem:$0x1E480] =	vst v63  }
0x4b: {  	_ =	swait.ge [sflag:s22], $0x4000  }
0x4c: {  	[sflag:s22] =	ssyncset.done $0x0  }
0x4d: {  	[sflag:s22] =	ssyncadd.s32 $0xFFFFC000  }
0x4e: {  	[spmem:s3] =	stream.indirect.scatter.add.f32 [tilespmem:s19], [sflag:$0x3], $0x80, s26, s18, $0xb8;
	[tilespmem:$0x1E480] =	vst v63  }
0x4f: {  	_ =	swait.ge [sflag:s23], $0x4000  }
0x50: {  	[sflag:s23] =	ssyncset.done $0x0  }
0x51: {  	[sflag:s23] =	ssyncadd.s32 $0xFFFFC000  }
0x52: {  	_ =	swait.ge [sflag:s24], $0x4000  }
0x53: {  	[sflag:s24] =	ssyncset.done $0x0  }
0x54: {  	[sflag:s24] =	ssyncadd.s32 $0xFFFFC000  }
0x55: {  	[spmem:s3] =	stream.indirect.scatter.add.f32 [tilespmem:s21], [sflag:$0x4], $0x80, s28, s18, $0xb8;
	[tilespmem:$0x1E480] =	vst v63  }
0x56: {  	_ =	swait.ge [sflag:s25], $0x4000  }
0x57: {  	[sflag:s25] =	ssyncset.done $0x0  }
0x58: {  	[sflag:s25] =	ssyncadd.s32 $0xFFFFC000  }
0x59: {  	s2 =	simm.s32 @p0 $0x1FC5;
	[bflag:$0x0] =	sbarrier.arrive $0xFFFF  }
0x5a: {  	[hbm:s10], [sflag:s2] =	dma.local @p0 [spmem:s15], $0x2080  }
0x5b: {  	s2 =	simm.s32 @p0 $0x5  }
0x5c: {  	s29 =	sadd.s32 $0x1, s29;
	_ =	swait.ge @p0 [sflag:s2], $0x2080  }
0x5d: {  	p1 =	sne.s32 s29, s11;
	[sflag:s2] =	ssyncset.done @p0 $0x0  }
.Ltmp1:
0x5e: {  	[sflag:s2] =	ssyncadd.s32 @p0 $0xFFFFDF80;
	s2 =	simm.s32 @!p0 $0x5;
	(pc) =	sbr.rel @p1 .LBB2_1-.Ltmp1, $4  }
0x5f: {  	[hbm:s9], [sflag:s16] =	dma.local @!p0 [spmem:s17], $0x2780  }
0x60: {  	_ =	swait.ge @!p0 [sflag:s2], $0x2780  }
0x61: {  	[sflag:s2] =	ssyncset.done @!p0 $0x0  }
0x62: {  	[sflag:s2] =	ssyncadd.s32 @!p0 $0xFFFFD880  }
0x63: {  	_ =	sfence.sel $0x180000  }
0x64: {  	[bflag:$0x0] =	sbarrier.arrive $0xFFFF  }
0x65: {  	_ =	strace $0x9000004D  }
0x66: {  	[bflag:$0x2] =	sbarrier.arrive $0xFFFF  }
0x67: {  	p0 =	sne.s32 s0, $0x0;
	s0 =	rddreg [dreg:$0x4]  }
0x68: {  	s0 =	sadd.s32 @!p0 $0x100000, s0  }
0x69: {  	[sflag:s0] =	ssyncadd.tile.s32 @!p0 $0x1;
	_ =	shalt  }
.Lfunc_end2:
_tile_overlayer_lowered:
.L_overlay_start_2:
0x6a: {  	(tag) =	ssettag $0x2  }
0x6b: {  	s0 =	rddreg [dreg:$0x0];
	s2 =	stileid.u32  }
0x6c: {  	s1 =	rddreg [dreg:$0x1];
	p0 =	sne.s32 s2, $0x0  }
0x6d: {  	s3 =	rddreg [dreg:$0x2];
	[bflag:$0x3] =	sbarrier.arrive $0xFFFF;
	s2 =	simm.s32 @!p0 $0x1C05  }
0x6e: {  	[timem:s3], [sflag:s2] =	dma.local @!p0 [hbm:s0], s1  }
0x6f: {  	s0 =	simm.s32 @!p0 $0x5  }
0x70: {  	_ =	swait.ge @!p0 [sflag:s0], s1  }
0x71: {  	s1 =	ssub.s32 @!p0 $0x0, s1;
	[sflag:s0] =	ssyncset.done @!p0 $0x0  }
0x72: {  	[sflag:s0] =	ssyncadd.s32 @!p0 s1  }
0x73: {  	[bflag:$0x3] =	sbarrier.arrive $0xFFFF  }
0x74: {  	_ =	shalt  }

// kernel: kernel.20.cloned.1.call-start
scs
__scs_entry_jumppad:
0x0: {  	(pc) =	sbr.rel $0x88, $3  }
0x1: {  	(tag) =	ssettag $0x0;
	lr =	simm.s32 $0x1  }
0x2: {  	[smem:$0x3F95] =	sst lr;
	_ =	strace $0xD0000000  }
0x3: {  	_ = 	snop  }
0x4: {  	_ = 	snop  }
0x5: {  	_ = 	snop  }
0x6: {  	_ = 	snop  }
0x7: {  	_ = 	snop  }
__scs_overlays_trampoline_lowered:
0x8: {  	[smem:$0x3FA4] =	sst s0  }
0x9: {  	[smem:$0x3FA5] =	sst s1  }
0xa: {  	[smem:$0x3FA6] =	sst s2  }
0xb: {  	[smem:$0x3FA7] =	sst s3  }
0xc: {  	[smem:$0x3FA8] =	sst s4  }
0xd: {  	[smem:$0x3FA9] =	sst s5  }
0xe: {  	[smem:$0x3FAA] =	sst s6  }
0xf: {  	[smem:$0x3FAB] =	sst s7  }
0x10: {  	[smem:$0x3FAC] =	sst s8  }
0x11: {  	[smem:$0x3FAD] =	sst s9;
	s0 =	simm.s32 @!p0 $0x0  }
0x12: {  	s1 =	sld [smem:$0x3F93];
	s0 =	simm.s32 @p0 $0x1  }
0x13: {  	[smem:$0x3FAE] =	sst s0;
	s0 =	simm.s32 @!p1 $0x0  }
0x14: {  	s2 =	sld [smem:$0x3F92];
	s0 =	simm.s32 @p1 $0x1  }
0x15: {  	[smem:$0x3FAF] =	sst s0;
	s0 =	simm.s32 @!p2 $0x0  }
0x16: {  	s3 =	sld [smem:$0x3FDB];
	s0 =	simm.s32 @p2 $0x1  }
0x17: {  	s4 =	simm.s32 $0x1BF5;
	[smem:$0x3FB1] =	sst s0  }
0x18: {  	s0 =	sld [smem:$0x3F94];
	_ =	swait.ge [sflag:s4], $0x0  }
0x19: {  	s7 =	sld [smem:$0x3F95]  }
0x1a: {  	s8 =	sadd.s32 $0xFFFFE003, lr  }
0x1b: {  	s9 =	sadd.s32 $0xFFFFFEF7, lr;
	s5 =	simm.s32 $0xFFFFFFFF;
	p2 =	slt.u32 s8, $0xFFFFF086  }
0x1c: {  	p1 =	slt.u32 s9, $0xF7A;
	s5 =	simm.s32 @!p2 $0x0  }
0x1d: {  	s5 =	simm.s32 @p1 $0x1;
	p0 =	seq.s32 s7, s2  }
0x1e: {  	s7 =	smul.u32 @!p0 $0xF7A, s2;
	p2 =	seq.s32 @!p0 s5, $0x0  }
0x1f: {  	s9 =	smul.u32 $0xF7A, s1;
	s8 =	simm.s32 @!p0 $0x1BF5;
	p2 =	por !p2, p0  }
0x20: {  	[sflag:s8] =	ssyncset.s32 @!p0 $0xFFFFF086;
	s6 =	sadd.s32 @!p0 s3, s7;
	s7 =	simm.s32 @!p0 $0x108  }
0x21: {  	s3 =	sadd.s32 s3, s9;
	s6 =	sadd.s32 @!p0 $0x88, s6;
	s7 =	simm.s32 @p2 $0x1082  }
0x22: {  	[simem:s7], [sflag:s8] =	dma.local @!p0 [hbm:s6], $0xF7A  }
0x23: {  	s9 =	sor.u32 $0xD0000000, s2;
	s6 =	simm.s32 $0x108;
	_ =	swait.ge @!p0 [sflag:s8], $0x0  }
0x24: {  	s3 =	sadd.s32 $0x88, s3;
	s6 =	simm.s32 @!p1 $0x1082;
	[sflag:s4] =	ssyncset.s32 $0xFFFFF086  }
0x25: {  	[simem:s6], [sflag:s4] =	dma.local [hbm:s3], $0xF7A  }
0x26: {  	[smem:$0x3F95] =	sst s1;
	(tag) =	ssettag s2;
	_ =	strace s9  }
0x27: {  	s1 =	sld [smem:$0x3FA5]  }
0x28: {  	s2 =	sld [smem:$0x3FA6]  }
0x29: {  	s4 =	sld [smem:$0x3FA8]  }
0x2a: {  	p0 =	seq.s32 s5, $0x0;
	s5 =	sld [smem:$0x3FA9]  }
0x2b: {  	s6 =	sld [smem:$0x3FAA]  }
0x2c: {  	s7 =	sld [smem:$0x3FAB]  }
0x2d: {  	s3 =	simm.s32 $0x108;
	s8 =	sld [smem:$0x3FAC]  }
0x2e: {  	s3 =	simm.s32 @!p0 $0x1082;
	s9 =	sld [smem:$0x3FAD]  }
0x2f: {  	lr =	sadd.s32 s0, s3;
	s0 =	sld [smem:$0x3FA4]  }
0x30: {  	s3 =	sld [smem:$0x3FA7]  }
0x31: {  	[smem:$0x3FB0] =	sst s10  }
0x32: {  	s10 =	sld [smem:$0x3FAE];
	_ =	sdelay $0x3  }
0x33: {  	p0 =	seq.s32 s10, $0x1;
	s10 =	sld [smem:$0x3FB0];
	_ =	sdelay $0x3  }
0x34: {  	[smem:$0x3FB0] =	sst s10  }
0x35: {  	s10 =	sld [smem:$0x3FAF];
	_ =	sdelay $0x3  }
0x36: {  	p1 =	seq.s32 s10, $0x1;
	s10 =	sld [smem:$0x3FB0];
	_ =	sdelay $0x3  }
0x37: {  	[smem:$0x3FB0] =	sst s10  }
0x38: {  	s10 =	sld [smem:$0x3FB1]  }
0x39: {  	_ = 	snop;
	(pc) =	sbr.ind lr, $3  }
0x3a: {  	_ = 	snop  }
0x3b: {  	_ = 	snop  }
0x3c: {  	p2 =	seq.s32 s10, $0x1;
	s10 =	sld [smem:$0x3FB0]  }
0x3d: {  	_ =	shalt  }
0x3e: {  	_ =	shalt  }
0x3f: {  	_ =	shalt  }
0x40: {  	_ =	shalt  }
0x41: {  	_ =	shalt  }
0x42: {  	_ =	shalt  }
0x43: {  	_ =	shalt  }
0x44: {  	_ =	shalt  }
0x45: {  	_ =	shalt  }
0x46: {  	_ =	shalt  }
0x47: {  	_ =	shalt  }
0x48: {  	_ =	shalt  }
0x49: {  	_ =	shalt  }
0x4a: {  	_ =	shalt  }
0x4b: {  	_ =	shalt  }
0x4c: {  	_ =	shalt  }
0x4d: {  	_ =	shalt  }
0x4e: {  	_ =	shalt  }
0x4f: {  	_ =	shalt  }
0x50: {  	_ =	shalt  }
0x51: {  	_ =	shalt  }
0x52: {  	_ =	shalt  }
0x53: {  	_ =	shalt  }
0x54: {  	_ =	shalt  }
0x55: {  	_ =	shalt  }
0x56: {  	_ =	shalt  }
0x57: {  	_ =	shalt  }
0x58: {  	_ =	shalt  }
0x59: {  	_ =	shalt  }
0x5a: {  	_ =	shalt  }
0x5b: {  	_ =	shalt  }
0x5c: {  	_ =	shalt  }
0x5d: {  	_ =	shalt  }
0x5e: {  	_ =	shalt  }
0x5f: {  	_ =	shalt  }
0x60: {  	_ =	shalt  }
0x61: {  	_ =	shalt  }
0x62: {  	_ =	shalt  }
0x63: {  	_ =	shalt  }
0x64: {  	_ =	shalt  }
0x65: {  	_ =	shalt  }
0x66: {  	_ =	shalt  }
0x67: {  	_ =	shalt  }
0x68: {  	_ =	shalt  }
0x69: {  	_ =	shalt  }
0x6a: {  	_ =	shalt  }
0x6b: {  	_ =	shalt  }
0x6c: {  	_ =	shalt  }
0x6d: {  	_ =	shalt  }
0x6e: {  	_ =	shalt  }
0x6f: {  	_ =	shalt  }
0x70: {  	_ =	shalt  }
0x71: {  	_ =	shalt  }
0x72: {  	_ =	shalt  }
0x73: {  	_ =	shalt  }
0x74: {  	_ =	shalt  }
0x75: {  	_ =	shalt  }
0x76: {  	_ =	shalt  }
0x77: {  	_ =	shalt  }
0x78: {  	_ =	shalt  }
0x79: {  	_ =	shalt  }
0x7a: {  	_ =	shalt  }
0x7b: {  	_ =	shalt  }
0x7c: {  	_ =	shalt  }
0x7d: {  	_ =	shalt  }
0x7e: {  	_ =	shalt  }
0x7f: {  	_ =	shalt  }
0x80: {  	_ =	shalt  }
0x81: {  	_ =	shalt  }
0x82: {  	_ =	shalt  }
0x83: {  	_ =	shalt  }
0x84: {  	_ =	shalt  }
0x85: {  	_ =	shalt  }
0x86: {  	_ =	shalt  }
0x87: {  	_ =	shalt  }
.Lfunc_end0:
.L_simem_size_0:
called_computation.3_lowered:
.L_overlay_start_0:
0x88: {  	s2 =	sld [smem:$0x3FD9]  }
0x89: {  	s3 =	sld [smem:$0x3FFE];
	_ =	sdelay $0x1  }
0x8a: {  	s1 =	srdreg.scid  }
0x8b: {  	s0 =	sand.u32 $0x1, s1  }
0x8c: {  	s16 =	sshll.u32 s0, $0xA;
	s2 =	sadd.s32 s3, s2  }
0x8d: {  	s2 =	sadd.s32 s2, s16  }
0x8e: {  	[smem:$0x3FBC] =	sst s2  }
0x8f: {  	_ = 	snop  }
0x90: {  	(tm) =	ssettm $0x1  }
0x91: {  	s17 =	sld [smem:$0x3FFB];
	_ =	sdelay $0x3  }
0x92: {  	_ =	strace s17  }
0x93: {  	s2 =	sld [smem:$0x3FFC];
	_ =	sdelay $0x3  }
0x94: {  	_ =	strace s2  }
0x95: {  	s2 =	sld [smem:$0x3FFD];
	_ =	sdelay $0x3  }
0x96: {  	_ =	strace s2  }
0x97: {  	_ =	strace $0x8FFFFFFF  }
0x98: {  	s18 =	sld [smem:$0x3FDB];
	_ =	sdelay $0x1  }
0x99: {  	s19 =	simm.s32 $_scs_section_size  }
0x9a: {  	s4 =	simm.s32 $_size__tile_overlayer_lowered;
	s5 =	simm.s32 $_tile_overlayer_lowered  }
0x9b: {  	s22 =	simm.s32 $0x1BFF;
	s21 =	sshll.u32 s5, $0x1;
	s2 =	sadd.s32 s19, s18  }
0x9c: {  	s6 =	simm.s32 $0x0;
	s20 =	sshll.u32 s4, $0x1;
	s4 =	sadd.s32 s21, s2  }
0x9d: {  	[timem:s6], [sflag:s22] =	dma.local [hbm:s4], s20  }
0x9e: {  	_ =	swait.ge [sflag:s22], s20  }
0x9f: {  	s3 =	ssub.s32 $0x0, s20;
	[sflag:s22] =	ssyncset.done $0x0  }
0xa0: {  	[sflag:s22] =	ssyncadd.s32 s3;
	_ =	sdelay $0x1  }
0xa1: {  	s23 =	simm.s32 $0x1B8B  }
0xa2: {  	_ =	swait.ge [sflag:s23], $0x1  }
0xa3: {  	[sflag:s23] =	ssyncset.done $0x0  }
0xa4: {  	s25 =	simm.s32 $0x1B8E;
	s24 =	sld [smem:$0x3FFE];
	[sflag:s23] =	ssyncadd.s32 $0xFFFFFFFF  }
0xa5: {  	s26 =	simm.s32 $execute0_lowered;
	[smem:$0x3FD2] =	sst s25  }
0xa6: {  	s4 =	sshll.u32 s26, $0x1;
	_ =	strace $0x8000004F;
	[dreg:$0x1] =	wrdreg $0xFFFFFFFF  }
0xa7: {  	s28 =	simm.s32 $_size_execute0_lowered;
	s2 =	sadd.s32 s2, s4;
	[dreg:$0x0] =	wrdreg $0x0  }
0xa8: {  	s4 =	sshll.u32 s28, $0x1;
	[dreg:$0x2] =	wrdreg s2  }
0xa9: {  	[dreg:$0x3] =	wrdreg s4  }
0xaa: {  	[dreg:$0x4] =	wrdreg $0xC0  }
0xab: {  	_ =	task [dreg:s6], $0x5FFFF  }
0xac: {  	[dreg:$0x1] =	wrdreg $0xFFFFFFFF  }
0xad: {  	[dreg:$0x0] =	wrdreg $0x60  }
0xae: {  	[dreg:$0x2] =	wrdreg s24  }
0xaf: {  	[dreg:$0x3] =	wrdreg $0x9  }
0xb0: {  	_ =	task.clear_ibuf [dreg:s6], $0x4FFFF;
	_ =	strace $0x9000004F  }
0xb1: {  	s29 =	simm.s32 $0x9;
	_ =	strace $0x80000051  }
0xb2: {  	_ =	swait.ge [sflag:s29], $0x1  }
0xb3: {  	[sflag:s29] =	ssyncadd.s32 $0xFFFFFFFF  }
0xb4: {  	_ =	strace $0x90000051  }
0xb5: {  	_ =	sfence  }
0xb6: {  	s30 =	sld [smem:$0x0];
	_ =	sdelay $0x2  }
0xb7: {  	s31 =	sshll.u32 s1, $0xD;
	s1 =	sshrl.u32 s1, $0x2  }
0xb8: {  	s3 =	sand.u32 $0x4000, s31;
	s1 =	sadd.s32 s1, s30  }
0xb9: {  	s0 =	sor.u32 s3, s0;
	s1 =	sshll.u32 s1, $0x11  }
0xba: {  	s0 =	sor.u32 s1, s0  }
0xbb: {  	s0 =	sadd.s32 $0x8F2B, s0  }
0xbc: {  	[sflag:s0] =	ssyncadd.remote.s32 $0x1  }
0xbd: {  	_ =	sfence.sel $0xFFFF  }
0xbe: {  	[dreg:$0x0] =	wrdreg $0xFFFFFFFF;
	(pc) =	sbr.abs _section_cstart, $3  }
0xbf: {  	[dreg:$0x1] =	wrdreg $0xFFFFFFFF  }
0xc0: {  	_ =	task.clear_ibuf [dreg:s6], $0x2FFFF;
	_ =	strace $0x9FFFFFFF  }
0xc1: {  	(tm) =	ssettm $0x7FFFFFFF  }
tec
execute0_lowered:
.L_overlay_start_1:
0x0: {  	(tag) =	ssettag $0x1  }
0x1: {  	s0 =	srdreg.scid;
	s9 =	stileid.u32  }
0x2: {  	s1 =	rddreg [dreg:$0x0];
	s2 =	simm.s32 $0x0;
	s15 =	simm.s32 $0x9  }
0x3: {  	s16 =	simm.s32 $0x1400;
	s17 =	simm.s32 $0x80;
	s18 =	simm.s32 $0x2800  }
0x4: {  	s19 =	simm.s32 $0xA800;
	s20 =	simm.s32 $0x6800;
	s28 =	simm.s32 $0x2  }
0x5: {  	s29 =	simm.s32 $0x4;
	s30 =	simm.s32 $0x6;
	s10 =	smul.u32 $0x140000, s9  }
0x6: {  	s31 =	simm.s32 $0x8;
	s0 =	sand.u32 $0x1, s0;
	s25 =	smul.u32 $0x28000, s9  }
0x7: {  	s3 =	sshll.u32 s9, $0x1;
	[smem:$0x7FF] =	sst s2;
	s11 =	smul.u32 $0xA0000, s0  }
0x8: {  	s4 =	sor.u32 s0, s3;
	s6 =	ssub.s32 $0x2, s0;
	s0 =	smul.u32 $0x14000, s0  }
0x9: {  	s12 =	sadd.s32 $0x67800, s1;
	_ =	strace $0x80000050;
	s5 =	smul.u32 $0x280, s4  }
0xa: {  	s3 =	sadd.s32 $0x5600, s1;
	s7 =	sshrl.u32 s6, $0x1;
	s8 =	smul.u32 $0xA0000, s4  }
0xb: {  	s4 =	smul.u32 $0x14000, s4;
	s13 =	sadd.s32 s25, s12;
	s6 =	ssub.s32 s6, s7  }
0xc: {  	s11 =	sadd.s32 s11, s10;
	s13 =	sadd.s32 s0, s13;
	s5 =	sadd.s32 s5, s1  }
0xd: {  	s1 =	sadd.s32 $0x2E7800, s1;
	s23 =	sshrl.u32 s8, $0x3;
	s6 =	smax.u32 s6, $0x1  }
0xe: {  	s4 =	sadd.s32 $0x13800, s4;
	s26 =	sshrl.u32 s11, $0x3;
	s13 =	sadd.s32 $0x800, s13  }
0xf: {  	s22 =	sadd.s32 $0x62800, s5;
	s5 =	sadd.s32 $0x5D800, s5;
	s24 =	sadd.s32 $0x13000, s23  }
0x10: {  	[dreg:$0x4] =	wrdreg s6;
	s9 =	sadd.s32 s12, s4;
	s10 =	sadd.s32 s1, s4  }
0x11: {  	s11 =	sadd.s32 s26, s1;
	s23 =	simm.s32 $0x1;
	[dreg:$0x2] =	wrdreg s22  }
0x12: {  	[dreg:$0x3] =	wrdreg s5;
	s7 =	sadd.s32 s12, s24;
	s8 =	sadd.s32 s1, s24  }
0x13: {  	s1 =	sadd.s32 s25, s1;
	s12 =	sadd.s32 s26, s12;
	s22 =	simm.s32 $0xE800  }
0x14: {  	s24 =	simm.s32 $0x3;
	s25 =	simm.s32 $0x5;
	s0 =	sadd.s32 s0, s1  }
0x15: {  	s26 =	simm.s32 $0x7;
	s1 =	simm.s32 $0x0;
	s14 =	sadd.s32 $0x800, s0  }
.LBB2_1:
0x16: {  	s0 =	rddreg [dreg:$0x2]  }
0x17: {  	[tilespmem:s2], [sflag:$0x9] =	stream.linear.gather [hbm4b:s0+s2], $0x1400, $0x38;
	[tilespmem:$0x12800] =	vst v63  }
0x18: {  	_ =	swait.ge [sflag:s15], $0x1400  }
0x19: {  	[sflag:s15] =	ssyncset.done $0x0  }
0x1a: {  	s21 =	rddreg [dreg:$0x3];
	[sflag:s15] =	ssyncadd.s32 $0xFFFFEC00  }
0x1b: {  	[tilespmem:s16], [sflag:$0x9] =	stream.linear.gather [hbm4b:s21+s2], $0x1400, $0x38;
	[tilespmem:$0x12800] =	vst v63  }
0x1c: {  	_ =	swait.ge [sflag:s15], $0x1400  }
0x1d: {  	[sflag:s15] =	ssyncset.done $0x0  }
0x1e: {  	[sflag:s15] =	ssyncadd.s32 $0xFFFFEC00  }
0x1f: {  	[tilespmem:s18], [sflag:$0x1] =	stream.indirect.gather [hbm4b:s3+s17], $0x80, s2, s17, $0xb8;
	[tilespmem:$0x12800] =	vst v63  }
0x20: {  	_ = 	snop  }
0x21: {  	[tilespmem:s19], [sflag:$0x3] =	stream.indirect.gather [hbm4b:s3+s17], $0x80, s16, s17, $0xb8;
	[tilespmem:$0x12800] =	vst v63  }
0x22: {  	_ = 	snop  }
0x23: {  	[tilespmem:s20], [sflag:$0x2] =	stream.indirect.gather [hbm4b:s3+s17], $0x80, s17, s17, $0xb8;
	[tilespmem:$0x12800] =	vst v63  }
0x24: {  	s4 =	simm.s32 $0x1480  }
0x25: {  	[tilespmem:s22], [sflag:$0x4] =	stream.indirect.gather [hbm4b:s3+s17], $0x80, s4, s17, $0xb8;
	[tilespmem:$0x12800] =	vst v63  }
0x26: {  	_ =	swait.ge [sflag:s23], $0x4000  }
0x27: {  	[sflag:s23] =	ssyncset.done $0x0  }
0x28: {  	s5 =	sadd.s32 $0x0, s12;
	[sflag:s23] =	ssyncadd.s32 $0xFFFFC000  }
0x29: {  	[hbm4b:s5+s2] =	stream.linear.scatter [tilespmem:s18], [sflag:$0x5], $0x4000, $0x38;
	[tilespmem:$0x12800] =	vst v63  }
0x2a: {  	_ =	swait.ge [sflag:s24], $0x4000  }
0x2b: {  	[sflag:s24] =	ssyncset.done $0x0  }
0x2c: {  	s6 =	sadd.s32 $0x0, s11;
	[sflag:s24] =	ssyncadd.s32 $0xFFFFC000  }
0x2d: {  	[hbm4b:s6+s2] =	stream.linear.scatter [tilespmem:s19], [sflag:$0x7], $0x4000, $0x38;
	[tilespmem:$0x12800] =	vst v63  }
0x2e: {  	_ =	swait.ge [sflag:s25], $0x4000  }
0x2f: {  	[sflag:s25] =	ssyncset.done $0x0  }
0x30: {  	[sflag:s25] =	ssyncadd.s32 $0xFFFFC000  }
0x31: {  	_ =	swait.ge [sflag:s26], $0x4000  }
0x32: {  	[sflag:s26] =	ssyncset.done $0x0  }
0x33: {  	s21 =	simm.s32 $0x100;
	[sflag:s26] =	ssyncadd.s32 $0xFFFFC000  }
0x34: {  	[tilespmem:s18], [sflag:$0x1] =	stream.indirect.gather [hbm4b:s3+s17], $0x80, s21, s17, $0xb8;
	[tilespmem:$0x12800] =	vst v63  }
0x35: {  	s4 =	simm.s32 $0x1500  }
0x36: {  	[tilespmem:s19], [sflag:$0x3] =	stream.indirect.gather [hbm4b:s3+s17], $0x80, s4, s17, $0xb8;
	[tilespmem:$0x12800] =	vst v63  }
0x37: {  	_ =	swait.ge [sflag:s28], $0x4000  }
0x38: {  	[sflag:s28] =	ssyncset.done $0x0  }
0x39: {  	s5 =	sadd.s32 $0x0, s13;
	[sflag:s28] =	ssyncadd.s32 $0xFFFFC000  }
0x3a: {  	[hbm4b:s5+s2] =	stream.linear.scatter [tilespmem:s20], [sflag:$0x6], $0x4000, $0x38;
	[tilespmem:$0x12800] =	vst v63  }
0x3b: {  	_ =	swait.ge [sflag:s29], $0x4000  }
0x3c: {  	[sflag:s29] =	ssyncset.done $0x0  }
0x3d: {  	s6 =	sadd.s32 $0x0, s14;
	[sflag:s29] =	ssyncadd.s32 $0xFFFFC000  }
0x3e: {  	[hbm4b:s6+s2] =	stream.linear.scatter [tilespmem:s22], [sflag:$0x8], $0x4000, $0x38;
	[tilespmem:$0x12800] =	vst v63  }
0x3f: {  	_ =	swait.ge [sflag:s30], $0x4000  }
0x40: {  	[sflag:s30] =	ssyncset.done $0x0  }
0x41: {  	[sflag:s30] =	ssyncadd.s32 $0xFFFFC000  }
0x42: {  	_ =	swait.ge [sflag:s31], $0x4000  }
0x43: {  	[sflag:s31] =	ssyncset.done $0x0  }
0x44: {  	s0 =	simm.s32 $0x1000;
	s21 =	simm.s32 $0x180;
	[sflag:s31] =	ssyncadd.s32 $0xFFFFC000  }
0x45: {  	[tilespmem:s20], [sflag:$0x2] =	stream.indirect.gather [hbm4b:s3+s17], $0x80, s21, s17, $0xb8;
	[tilespmem:$0x12800] =	vst v63  }
0x46: {  	s4 =	simm.s32 $0x200;
	s5 =	simm.s32 $0x1580;
	s21 =	simm.s32 $0x1600  }
.LBB2_2:
0x47: {  	[tilespmem:s22], [sflag:$0x4] =	stream.indirect.gather [hbm4b:s3+s17], $0x80, s5, s17, $0xb8;
	[tilespmem:$0x12800] =	vst v63  }
0x48: {  	s5 =	smov.u32 s0  }
0x49: {  	p0 =	sne.s32 s0, $0x12000;
	s0 =	sadd.s32 $0x1000, s0;
	_ =	swait.ge [sflag:s23], $0x4000  }
0x4a: {  	[sflag:s23] =	ssyncset.done $0x0  }
0x4b: {  	s6 =	sadd.s32 s5, s12;
	[sflag:s23] =	ssyncadd.s32 $0xFFFFC000  }
0x4c: {  	[hbm4b:s6+s2] =	stream.linear.scatter [tilespmem:s18], [sflag:$0x5], $0x4000, $0x38;
	[tilespmem:$0x12800] =	vst v63  }
0x4d: {  	_ =	swait.ge [sflag:s24], $0x4000  }
0x4e: {  	[sflag:s24] =	ssyncset.done $0x0  }
0x4f: {  	s6 =	sadd.s32 s5, s11;
	[sflag:s24] =	ssyncadd.s32 $0xFFFFC000  }
0x50: {  	[hbm4b:s6+s2] =	stream.linear.scatter [tilespmem:s19], [sflag:$0x7], $0x4000, $0x38;
	[tilespmem:$0x12800] =	vst v63  }
0x51: {  	_ =	swait.ge [sflag:s25], $0x4000  }
0x52: {  	[sflag:s25] =	ssyncset.done $0x0  }
0x53: {  	[sflag:s25] =	ssyncadd.s32 $0xFFFFC000  }
0x54: {  	_ =	swait.ge [sflag:s26], $0x4000  }
0x55: {  	[sflag:s26] =	ssyncset.done $0x0  }
0x56: {  	[sflag:s26] =	ssyncadd.s32 $0xFFFFC000  }
0x57: {  	[tilespmem:s18], [sflag:$0x1] =	stream.indirect.gather [hbm4b:s3+s17], $0x80, s4, s17, $0xb8;
	[tilespmem:$0x12800] =	vst v63  }
0x58: {  	_ = 	snop  }
0x59: {  	[tilespmem:s19], [sflag:$0x3] =	stream.indirect.gather [hbm4b:s3+s17], $0x80, s21, s17, $0xb8;
	[tilespmem:$0x12800] =	vst v63  }
0x5a: {  	_ =	swait.ge [sflag:s28], $0x4000  }
0x5b: {  	[sflag:s28] =	ssyncset.done $0x0  }
0x5c: {  	s6 =	sadd.s32 s5, s13;
	[sflag:s28] =	ssyncadd.s32 $0xFFFFC000  }
0x5d: {  	[hbm4b:s6+s2] =	stream.linear.scatter [tilespmem:s20], [sflag:$0x6], $0x4000, $0x38;
	[tilespmem:$0x12800] =	vst v63  }
0x5e: {  	_ =	swait.ge [sflag:s29], $0x4000  }
0x5f: {  	[sflag:s29] =	ssyncset.done $0x0  }
0x60: {  	s5 =	sadd.s32 s5, s14;
	[sflag:s29] =	ssyncadd.s32 $0xFFFFC000  }
0x61: {  	[hbm4b:s5+s2] =	stream.linear.scatter [tilespmem:s22], [sflag:$0x8], $0x4000, $0x38;
	[tilespmem:$0x12800] =	vst v63  }
0x62: {  	_ =	swait.ge [sflag:s30], $0x4000  }
0x63: {  	[sflag:s30] =	ssyncset.done $0x0  }
0x64: {  	[sflag:s30] =	ssyncadd.s32 $0xFFFFC000  }
.Ltmp0:
0x65: {  	_ =	swait.ge [sflag:s31], $0x4000;
	(pc) =	sbr.rel @p0 .LBB2_2-.Ltmp0, $4  }
0x66: {  	[sflag:s31] =	ssyncset.done $0x0  }
0x67: {  	s5 =	sadd.s32 $0x80, s4;
	[sflag:s31] =	ssyncadd.s32 $0xFFFFC000  }
0x68: {  	[tilespmem:s20], [sflag:$0x2] =	stream.indirect.gather [hbm4b:s3+s17], $0x80, s5, s17, $0xb8;
	[tilespmem:$0x12800] =	vst v63  }
0x69: {  	s4 =	sadd.s32 $0x100, s4;
	s5 =	sadd.s32 $0x80, s21;
	s21 =	sadd.s32 $0x100, s21  }
0x6a: {  	[tilespmem:s22], [sflag:$0x4] =	stream.indirect.gather [hbm4b:s3+s17], $0x80, s5, s17, $0xb8;
	[tilespmem:$0x12800] =	vst v63  }
0x6b: {  	_ =	swait.ge [sflag:s23], $0x4000  }
0x6c: {  	[sflag:s23] =	ssyncset.done $0x0  }
0x6d: {  	[sflag:s23] =	ssyncadd.s32 $0xFFFFC000  }
0x6e: {  	[hbm4b:s7+s2] =	stream.linear.scatter [tilespmem:s18], [sflag:$0x5], $0x4000, $0x38;
	[tilespmem:$0x12800] =	vst v63  }
0x6f: {  	_ =	swait.ge [sflag:s24], $0x4000  }
0x70: {  	[sflag:s24] =	ssyncset.done $0x0  }
0x71: {  	[sflag:s24] =	ssyncadd.s32 $0xFFFFC000  }
0x72: {  	[hbm4b:s8+s2] =	stream.linear.scatter [tilespmem:s19], [sflag:$0x7], $0x4000, $0x38;
	[tilespmem:$0x12800] =	vst v63  }
0x73: {  	_ =	swait.ge [sflag:s25], $0x4000  }
0x74: {  	[sflag:s25] =	ssyncset.done $0x0  }
0x75: {  	[sflag:s25] =	ssyncadd.s32 $0xFFFFC000  }
0x76: {  	_ =	swait.ge [sflag:s26], $0x4000  }
0x77: {  	[sflag:s26] =	ssyncset.done $0x0  }
0x78: {  	[sflag:s26] =	ssyncadd.s32 $0xFFFFC000  }
0x79: {  	_ =	swait.ge [sflag:s28], $0x4000  }
0x7a: {  	[sflag:s28] =	ssyncset.done $0x0  }
0x7b: {  	[sflag:s28] =	ssyncadd.s32 $0xFFFFC000  }
0x7c: {  	[hbm4b:s9+s2] =	stream.linear.scatter [tilespmem:s20], [sflag:$0x6], $0x4000, $0x38;
	[tilespmem:$0x12800] =	vst v63  }
0x7d: {  	_ =	swait.ge [sflag:s29], $0x4000  }
0x7e: {  	[sflag:s29] =	ssyncset.done $0x0  }
0x7f: {  	[sflag:s29] =	ssyncadd.s32 $0xFFFFC000  }
0x80: {  	[hbm4b:s10+s2] =	stream.linear.scatter [tilespmem:s22], [sflag:$0x8], $0x4000, $0x38;
	[tilespmem:$0x12800] =	vst v63  }
0x81: {  	_ =	swait.ge [sflag:s30], $0x4000  }
0x82: {  	[sflag:s30] =	ssyncset.done $0x0  }
0x83: {  	[sflag:s30] =	ssyncadd.s32 $0xFFFFC000  }
0x84: {  	_ =	swait.ge [sflag:s31], $0x4000  }
0x85: {  	s1 =	sadd.s32 $0x1, s1;
	s0 =	rddreg [dreg:$0x4]  }
0x86: {  	p0 =	sne.s32 s1, s0  }
.Ltmp1:
0x87: {  	_ = 	snop;
	(pc) =	sbr.rel @p0 .LBB2_1-.Ltmp1, $3  }
0x88: {  	_ =	sdelay $0x1  }
0x89: {  	[sflag:s31] =	ssyncset.done $0x0  }
0x8a: {  	[sflag:s31] =	ssyncadd.s32 $0xFFFFC000  }
0x8b: {  	_ =	sfence.sel $0x180000  }
0x8c: {  	[bflag:$0x0] =	sbarrier.arrive $0xFFFF  }
0x8d: {  	_ =	strace $0x90000050  }
0x8e: {  	s0 =	stileid.u32;
	[bflag:$0x2] =	sbarrier.arrive $0xFFFF  }
0x8f: {  	p0 =	sne.s32 s0, $0x0;
	s0 =	rddreg [dreg:$0x1]  }
0x90: {  	s0 =	sadd.s32 @!p0 $0x100000, s0  }
0x91: {  	[sflag:s0] =	ssyncadd.tile.s32 @!p0 $0x1;
	_ =	shalt  }
.Lfunc_end2:
_tile_overlayer_lowered:
.L_overlay_start_2:
0x92: {  	(tag) =	ssettag $0x2  }
0x93: {  	s0 =	rddreg [dreg:$0x0];
	s2 =	stileid.u32  }
0x94: {  	s1 =	rddreg [dreg:$0x1];
	p0 =	sne.s32 s2, $0x0  }
0x95: {  	s3 =	rddreg [dreg:$0x2];
	[bflag:$0x3] =	sbarrier.arrive $0xFFFF;
	s2 =	simm.s32 @!p0 $0x1C09  }
0x96: {  	[timem:s3], [sflag:s2] =	dma.local @!p0 [hbm:s0], s1  }
0x97: {  	s0 =	simm.s32 @!p0 $0x9  }
0x98: {  	_ =	swait.ge @!p0 [sflag:s0], s1  }
0x99: {  	s1 =	ssub.s32 @!p0 $0x0, s1;
	[sflag:s0] =	ssyncset.done @!p0 $0x0  }
0x9a: {  	[sflag:s0] =	ssyncadd.s32 @!p0 s1  }
0x9b: {  	[bflag:$0x3] =	sbarrier.arrive $0xFFFF  }
0x9c: {  	_ =	shalt  }

</sc_bundles>
